<compile_context>
chip_gen: v7x
topology: tpu7x:2x2x1
jax: 0.10.2.dev20260603
libtpu: 0.0.44.dev20260713+nightly
codegen_flags: <defaults>
</compile_context>

<pallas_src>
import functools

import jax
import jax.numpy as jnp
from jax import lax
from jax.experimental import pallas as pl
from jax.experimental.pallas import tpu as pltpu
from jax.experimental.pallas import tpu_sc as plsc

N = 10000
IN_CH = 256
HID_CH = 32
N_EDGES = 160000

NC, NS = 2, 16
NW = NC * NS
RPT = N // NS
K = 128
CHUNKS = 40
EPAD = NW * CHUNKS * K
NSP = N + 4096
NBUF = 8
LOOK = NBUF // 2

_mesh = plsc.VectorSubcoreMesh(core_axis_name="c", subcore_axis_name="s")
_sc_params = pltpu.CompilerParams(use_tc_tiling_on_sc=False)



DHW = 16


@functools.partial(
    pl.kernel,
    mesh=_mesh,
    out_type=jax.ShapeDtypeStruct((NC * N, HID_CH), jnp.float32),
    scratch_types=[
        pltpu.VMEM((CHUNKS, K), jnp.int32),
        pltpu.VMEM((K, DHW), jnp.float32),
        pltpu.VMEM_SHARED((NSP, DHW), jnp.float32),
        pltpu.SemaphoreType.DMA,
    ],
    compiler_params=_sc_params,
)
def _sc_deg(dst_hbm, zeros_hbm, ones_hbm, out_hbm, dstv, onesv, deg_sh, sem):
    c = lax.axis_index("c")
    s = lax.axis_index("s")
    wid = s * NC + c
    r0 = s * RPT
    pltpu.sync_copy(zeros_hbm.at[pl.ds(r0, RPT)], deg_sh.at[pl.ds(r0, RPT)])
    pltpu.sync_copy(ones_hbm, onesv)
    pltpu.sync_copy(dst_hbm.at[pl.ds(wid * CHUNKS, CHUNKS)], dstv)
    plsc.subcore_barrier()

    def fire(j, carry):
        pltpu.async_copy(onesv, deg_sh.at[dstv.at[j]], sem, add=True)
        return carry

    lax.fori_loop(0, CHUNKS, fire, 0)

    def drain(j, carry):
        pltpu.make_async_copy(onesv, deg_sh.at[dstv.at[0]], sem).wait()
        return carry

    lax.fori_loop(0, CHUNKS, drain, 0)
    plsc.subcore_barrier()
    pltpu.sync_copy(deg_sh.at[pl.ds(r0, RPT)],
                    out_hbm.at[pl.ds(c * N + r0, RPT), pl.ds(0, DHW)])
    pltpu.sync_copy(deg_sh.at[pl.ds(r0, RPT)],
                    out_hbm.at[pl.ds(c * N + r0, RPT), pl.ds(DHW, DHW)])


@functools.partial(
    pl.kernel,
    mesh=_mesh,
    out_type=jax.ShapeDtypeStruct((NC * N, HID_CH), jnp.float32),
    scratch_types=[
        pltpu.VMEM((CHUNKS, K), jnp.int32),
        pltpu.VMEM((CHUNKS, K), jnp.int32),
        pltpu.VMEM((NBUF, K, HID_CH), jnp.float32),
        pltpu.VMEM_SHARED((NSP, HID_CH), jnp.float32),
    ] + [pltpu.SemaphoreType.DMA] * (2 * NBUF),
    compiler_params=_sc_params,
)
def _sc_agg(src_hbm, dst_hbm, feat_hbm, zeros_hbm, out_hbm,
            srcv, dstv, rows, agg_sh, *sems):
    gsem = sems[:NBUF]
    ssem = sems[NBUF:]
    c = lax.axis_index("c")
    s = lax.axis_index("s")
    wid = s * NC + c
    r0 = s * RPT
    pltpu.sync_copy(zeros_hbm.at[pl.ds(r0, RPT)], agg_sh.at[pl.ds(r0, RPT)])
    pltpu.sync_copy(src_hbm.at[pl.ds(wid * CHUNKS, CHUNKS)], srcv)
    pltpu.sync_copy(dst_hbm.at[pl.ds(wid * CHUNKS, CHUNKS)], dstv)
    plsc.subcore_barrier()

    for b in range(LOOK):
        pltpu.async_copy(feat_hbm.at[srcv.at[b]], rows.at[b], gsem[b])

    def body(i, carry):
        for b in range(NBUF):
            t = i * NBUF + b
            b2 = (b + LOOK) % NBUF
            pltpu.make_async_copy(feat_hbm.at[srcv.at[t]], rows.at[b],
                                  gsem[b]).wait()
            pltpu.async_copy(rows.at[b], agg_sh.at[dstv.at[t]], ssem[b],
                             add=True)

            @pl.when(t >= LOOK)
            def _():
                pltpu.make_async_copy(rows.at[b2], agg_sh.at[dstv.at[t]],
                                      ssem[b2]).wait()

            @pl.when(t + LOOK < CHUNKS)
            def _():
                pltpu.async_copy(feat_hbm.at[srcv.at[t + LOOK]], rows.at[b2],
                                 gsem[b2])
        return carry

    lax.fori_loop(0, CHUNKS // NBUF, body, 0)
    for b in range(LOOK):
        bb = (CHUNKS - LOOK + b) % NBUF
        pltpu.make_async_copy(rows.at[bb], agg_sh.at[dstv.at[0]],
                              ssem[bb]).wait()
    plsc.subcore_barrier()
    pltpu.sync_copy(agg_sh.at[pl.ds(r0, RPT)],
                    out_hbm.at[pl.ds(c * N + r0, RPT)])



NV = N // 4
OUT_W = 8


def _tca_body(x_ref, w_ref, h_ref):
    w = w_ref[...]
    h_ref[...] = jnp.concatenate(
        [jnp.dot(x_ref[:, a * IN_CH:(a + 1) * IN_CH], w,
                 preferred_element_type=jnp.float32) for a in range(4)],
        axis=1)


def _tcb_body(h_ref, dg_ref, hs_ref, dinv_ref):
    deg = dg_ref[:NV] + dg_ref[NV:] + 1.0
    dinv = lax.rsqrt(deg)
    hs_ref[...] = h_ref[...] * dinv
    dinv_ref[...] = dinv


def _tc2_body(ag_ref, hs_ref, dinv_ref, b1_ref, zs_ref):
    dinv = dinv_ref[...]
    t = (ag_ref[:NV] + ag_ref[NV:] + hs_ref[...]) * dinv + b1_ref[...]
    zs_ref[...] = jnp.maximum(t, 0.0) * dinv


def _tc3_body(ag_ref, zs_ref, dinv_ref, w2_ref, b2_ref, out_ref):
    u = (ag_ref[:NV] + ag_ref[NV:] + zs_ref[...]) * dinv_ref[...]
    w2 = w2_ref[...]
    g = jnp.concatenate(
        [jnp.dot(u[:, a * HID_CH:(a + 1) * HID_CH], w2,
                 preferred_element_type=jnp.float32) for a in range(4)],
        axis=1)
    out_ref[...] = g + b2_ref[...]



def kernel(x, edge_index, W1, b1, W2, b2):
    ei = edge_index.astype(jnp.int32).reshape(2 * N_EDGES)
    npad = EPAD - N_EDGES
    src = jnp.concatenate(
        [ei[:N_EDGES], jnp.arange(npad, dtype=jnp.int32) % 8192])
    dst = jnp.concatenate(
        [ei[N_EDGES:], N + (jnp.arange(npad, dtype=jnp.int32) % 4096)])
    src = src.reshape(NW * CHUNKS, K)
    dst = dst.reshape(NW * CHUNKS, K)

    zeros_w = jnp.zeros((N, HID_CH), jnp.float32)
    zeros_d = jnp.zeros((N, DHW), jnp.float32)
    ones_k = jnp.ones((K, DHW), jnp.float32)
    b1t = jnp.tile(b1, 4).reshape(1, 128)
    b2t = jnp.tile(b2, 4).reshape(1, 8)
    xv = x.reshape(NV, 4 * IN_CH)

    deg2 = _sc_deg(dst, zeros_d, ones_k)
    deg2v = deg2.reshape(NC * N // 4, 128)

    h = pl.pallas_call(
        _tca_body,
        out_shape=jax.ShapeDtypeStruct((NV, 128), jnp.float32),
    )(xv, W1)

    hs, dinv = pl.pallas_call(
        _tcb_body,
        out_shape=[jax.ShapeDtypeStruct((NV, 128), jnp.float32),
                   jax.ShapeDtypeStruct((NV, 128), jnp.float32)],
    )(h, deg2v)

    agg1 = _sc_agg(src, dst, hs.reshape(N, HID_CH), zeros_w)
    agg1v = agg1.reshape(NC * N // 4, 128)

    zs = pl.pallas_call(
        _tc2_body,
        out_shape=jax.ShapeDtypeStruct((NV, 128), jnp.float32),
    )(agg1v, hs, dinv, b1t)

    agg2 = _sc_agg(src, dst, zs.reshape(N, HID_CH), zeros_w)
    agg2v = agg2.reshape(NC * N // 4, 128)

    outp = pl.pallas_call(
        _tc3_body,
        out_shape=jax.ShapeDtypeStruct((NV, 8), jnp.float32),
    )(agg2v, zs, dinv, W2, b2t)

    return outp.reshape(N, 2)

# --- scband reference (transcript-rebuilt; emitter-appended) ---
"""Pipeline reference for scband-gnnanomaly-detector-85856396247478 (READ-ONLY COPY).

The authoritative reference and input builder live on the scoring server;
editing this copy changes nothing except your own understanding.
"""

import jax, jax.numpy as jnp
import numpy as np

N_NODES = 10000
IN_CH = 256
HID_CH = 32
OUT_CH = 2
N_EDGES = 160000


def setup_inputs(seed: int = 0) -> dict:
    key = jax.random.key(seed)
    k1, k2, k3, k4, k5, k6 = jax.random.split(key, 6)
    x = jax.random.normal(k1, (N_NODES, IN_CH), dtype=jnp.float32)
    edge_index = jax.random.randint(k2, (2, N_EDGES), 0, N_NODES, dtype=jnp.int64)
    # Glorot-style init for GCN linear weights
    W1 = jax.random.normal(k3, (IN_CH, HID_CH), dtype=jnp.float32) * (1.0 / np.sqrt(IN_CH))
    b1 = jnp.zeros((HID_CH,), dtype=jnp.float32)
    W2 = jax.random.normal(k4, (HID_CH, OUT_CH), dtype=jnp.float32) * (1.0 / np.sqrt(HID_CH))
    b2 = jnp.zeros((OUT_CH,), dtype=jnp.float32)
    return {"x": x, "edge_index": edge_index, "W1": W1, "b1": b1, "W2": W2, "b2": b2}


def _gcn_conv(x, edge_index, W, b, n_nodes):
    # PyG-style GCNConv: add self-loops, symmetric normalization, linear transform,
    # gather-scale-scatter aggregation, then bias.
    src = edge_index[0]
    dst = edge_index[1]
    loop = jnp.arange(n_nodes, dtype=src.dtype)
    src = jnp.concatenate([src, loop])
    dst = jnp.concatenate([dst, loop])
    deg = jnp.zeros((n_nodes,), dtype=x.dtype).at[dst].add(1.0)
    dinv = jnp.where(deg > 0, jax.lax.rsqrt(deg), 0.0)
    norm = dinv[src] * dinv[dst]
    h = x @ W
    msg = h[src] * norm[:, None]
    out = jax.ops.segment_sum(msg, dst, num_segments=n_nodes)
    return out + b


def reference(x, edge_index, W1, b1, W2, b2):
    h = _gcn_conv(x, edge_index, W1, b1, N_NODES)
    h = jax.nn.relu(h)
    # nn.Dropout(0.5) is identity in eval mode (deterministic reference)
    out = _gcn_conv(h, edge_index, W2, b2, N_NODES)
    return out

if __name__ == "__main__":
    import jax
    _d = setup_inputs()
    print(jax.jit(kernel)(*tuple(_d.values())))

</pallas_src>

<mosaic_0001>
#map = affine_map<(d0, d1) -> (0, 0)>
module attributes {stable_mosaic.version = 14 : i64} {
  func.func @_sc_deg(%arg0: i32, %arg1: i32, %arg2: memref<1280x128xi32, #tpu.memory_space<hbm>>, %arg3: memref<10000x16xf32, #tpu.memory_space<hbm>>, %arg4: memref<128x16xf32, #tpu.memory_space<hbm>>, %arg5: memref<20000x32xf32, #tpu.memory_space<hbm>>, %arg6: memref<40x128xi32, #tpu.memory_space<vmem>>, %arg7: memref<128x16xf32, #tpu.memory_space<vmem>>, %arg8: memref<14096x16xf32, #tpu.memory_space<vmem_shared>>, %arg9: memref<!tpu.dma_semaphore, #tpu.memory_space<semaphore_mem>>) attributes {dimension_semantics = [#tpu.dimension_semantics<core_parallel>, #tpu.dimension_semantics<subcore_parallel>], iteration_bounds = array<i64: 2, 16>, scalar_prefetch = 0 : i64, scratch_operands = 4 : i64, tpu.core_type = #tpu.core_type<sc_vector_subcore>, window_params = [{transform_indices = #map}, {transform_indices = #map}, {transform_indices = #map}, {transform_indices = #map}]} {
    %mul3A = arith.constant 2 : i32
    %mul3A_0 = arith.muli %arg1, %mul3A : i32
    %add3A = arith.addi %mul3A_0, %arg0 : i32
    %mul3A_1 = arith.constant 625 : i32
    %mul3A_2 = arith.muli %arg1, %mul3A_1 : i32
    "tpu.region"() ({
      %run_scoped3A = tpu.sem_alloc : memref<!tpu.dma_semaphore, #tpu.memory_space<semaphore_mem>>
      %dma_start3A = arith.constant 0 : i32
      %dma_start3A_23 = tpu.memref_slice %arg8[%mul3A_2, %dma_start3A] : memref<14096x16xf32, #tpu.memory_space<vmem_shared>> -> memref<625x16xf32, #tpu.memory_space<vmem_shared>>
      %dma_start3A_24 = arith.constant 0 : i32
      %dma_start3A_25 = tpu.memref_slice %arg3[%mul3A_2, %dma_start3A_24] : memref<10000x16xf32, #tpu.memory_space<hbm>> -> memref<625x16xf32, #tpu.memory_space<hbm>>
      tpu.enqueue_dma source(%dma_start3A_25 : memref<625x16xf32, #tpu.memory_space<hbm>>) target(%dma_start3A_23 : memref<625x16xf32, #tpu.memory_space<vmem_shared>>) target_semaphore(%run_scoped3A : memref<!tpu.dma_semaphore, #tpu.memory_space<semaphore_mem>>)
      %dma_wait3A = arith.constant 0 : i32
      %dma_wait3A_26 = tpu.memref_slice %arg8[%mul3A_2, %dma_wait3A] : memref<14096x16xf32, #tpu.memory_space<vmem_shared>> -> memref<625x16xf32, #tpu.memory_space<vmem_shared>>
      %dma_wait3A_27 = arith.constant 0 : i32
      %dma_wait3A_28 = tpu.memref_slice %arg3[%mul3A_2, %dma_wait3A_27] : memref<10000x16xf32, #tpu.memory_space<hbm>> -> memref<625x16xf32, #tpu.memory_space<hbm>>
      tpu.wait_dma2 semaphore(%run_scoped3A : memref<!tpu.dma_semaphore, #tpu.memory_space<semaphore_mem>>) src(%dma_wait3A_28 : memref<625x16xf32, #tpu.memory_space<hbm>>) dst(%dma_wait3A_26 : memref<625x16xf32, #tpu.memory_space<vmem_shared>>)
      tpu.yield
    }) : () -> ()
    "tpu.region"() ({
      %run_scoped3A = tpu.sem_alloc : memref<!tpu.dma_semaphore, #tpu.memory_space<semaphore_mem>>
      tpu.enqueue_dma source(%arg4 : memref<128x16xf32, #tpu.memory_space<hbm>>) target(%arg7 : memref<128x16xf32, #tpu.memory_space<vmem>>) target_semaphore(%run_scoped3A : memref<!tpu.dma_semaphore, #tpu.memory_space<semaphore_mem>>)
      tpu.wait_dma2 semaphore(%run_scoped3A : memref<!tpu.dma_semaphore, #tpu.memory_space<semaphore_mem>>) src(%arg4 : memref<128x16xf32, #tpu.memory_space<hbm>>) dst(%arg7 : memref<128x16xf32, #tpu.memory_space<vmem>>)
      tpu.yield
    }) : () -> ()
    %mul3A_3 = arith.constant 40 : i32
    %mul3A_4 = arith.muli %add3A, %mul3A_3 : i32
    "tpu.region"() ({
      %run_scoped3A = tpu.sem_alloc : memref<!tpu.dma_semaphore, #tpu.memory_space<semaphore_mem>>
      %dma_start3A = arith.constant 0 : i32
      %dma_start3A_23 = tpu.memref_slice %arg2[%mul3A_4, %dma_start3A] : memref<1280x128xi32, #tpu.memory_space<hbm>> -> memref<40x128xi32, #tpu.memory_space<hbm>>
      %dma_start3A_24 = arith.constant 0 : i32
      %dma_start3A_25 = tpu.memref_slice %arg2[%mul3A_4, %dma_start3A_24] : memref<1280x128xi32, #tpu.memory_space<hbm>> -> memref<40x128xi32, #tpu.memory_space<hbm>>
      tpu.enqueue_dma source(%dma_start3A_25 : memref<40x128xi32, #tpu.memory_space<hbm>>) target(%arg6 : memref<40x128xi32, #tpu.memory_space<vmem>>) target_semaphore(%run_scoped3A : memref<!tpu.dma_semaphore, #tpu.memory_space<semaphore_mem>>)
      %dma_wait3A = arith.constant 0 : i32
      %dma_wait3A_26 = tpu.memref_slice %arg2[%mul3A_4, %dma_wait3A] : memref<1280x128xi32, #tpu.memory_space<hbm>> -> memref<40x128xi32, #tpu.memory_space<hbm>>
      %dma_wait3A_27 = arith.constant 0 : i32
      %dma_wait3A_28 = tpu.memref_slice %arg2[%mul3A_4, %dma_wait3A_27] : memref<1280x128xi32, #tpu.memory_space<hbm>> -> memref<40x128xi32, #tpu.memory_space<hbm>>
      tpu.wait_dma2 semaphore(%run_scoped3A : memref<!tpu.dma_semaphore, #tpu.memory_space<semaphore_mem>>) src(%dma_wait3A_28 : memref<40x128xi32, #tpu.memory_space<hbm>>) dst(%arg6 : memref<40x128xi32, #tpu.memory_space<vmem>>)
      tpu.yield
    }) : () -> ()
    %barrier3A = arith.constant 0 : index
    tpu.barrier barrier_id(%barrier3A)
    %scan3A = arith.constant 0 : i32
    %scan3A_5 = arith.constant 0 : i32
    %scan3A_6 = arith.constant 40 : i32
    %scan3A_7 = arith.addi %scan3A_5, %scan3A_6 : i32
    %scan3A_8 = arith.constant 1 : i32
    scf.for %scan3A_23 = %scan3A_5 to %scan3A_7 step %scan3A_8  : i32 {
      %dma_start3A = arith.constant 0 : i32
      %dma_start3A_24 = tpu.memref_slice %arg6[%scan3A_23, %dma_start3A] : memref<40x128xi32, #tpu.memory_space<vmem>> -> memref<1x128xi32, #tpu.memory_space<vmem>>
      %dma_start3A_25 = tpu.memref_squeeze %dma_start3A_24 : memref<1x128xi32, #tpu.memory_space<vmem>> -> memref<128xi32, #tpu.memory_space<vmem>>
      %dma_start3A_26 = arith.constant 0 : i32
      %dma_start3A_27 = arith.constant 0 : i32
      %dma_start3A_28 = tpu.memref_slice %arg8[%dma_start3A_26, %dma_start3A_27] : memref<14096x16xf32, #tpu.memory_space<vmem_shared>> -> memref<14096x16xf32, #tpu.memory_space<vmem_shared>>
      tpu.enqueue_indirect_dma source(%arg7 : memref<128x16xf32, #tpu.memory_space<vmem>>) target(%dma_start3A_28 : memref<14096x16xf32, #tpu.memory_space<vmem_shared>>) offsets(%dma_start3A_25 : memref<128xi32, #tpu.memory_space<vmem>>) semaphore(%arg9 : memref<!tpu.dma_semaphore, #tpu.memory_space<semaphore_mem>>) {add = true}
    }
    %scan3A_9 = arith.constant 40 : i32
    %scan3A_10 = arith.constant 0 : i32
    %scan3A_11 = arith.constant 0 : i32
    %scan3A_12 = arith.constant 40 : i32
    %scan3A_13 = arith.addi %scan3A_11, %scan3A_12 : i32
    %scan3A_14 = arith.constant 1 : i32
    scf.for %scan3A_23 = %scan3A_11 to %scan3A_13 step %scan3A_14  : i32 {
      %dma_wait3A = arith.constant 0 : i32
      %dma_wait3A_24 = arith.constant 0 : i32
      %dma_wait3A_25 = tpu.memref_slice %arg6[%dma_wait3A, %dma_wait3A_24] : memref<40x128xi32, #tpu.memory_space<vmem>> -> memref<1x128xi32, #tpu.memory_space<vmem>>
      %dma_wait3A_26 = tpu.memref_squeeze %dma_wait3A_25 : memref<1x128xi32, #tpu.memory_space<vmem>> -> memref<128xi32, #tpu.memory_space<vmem>>
      %dma_wait3A_27 = arith.constant 0 : i32
      %dma_wait3A_28 = arith.constant 0 : i32
      %dma_wait3A_29 = tpu.memref_slice %arg8[%dma_wait3A_27, %dma_wait3A_28] : memref<14096x16xf32, #tpu.memory_space<vmem_shared>> -> memref<14096x16xf32, #tpu.memory_space<vmem_shared>>
      tpu.wait_indirect_dma semaphore(%arg9 : memref<!tpu.dma_semaphore, #tpu.memory_space<semaphore_mem>>) src(%arg7 : memref<128x16xf32, #tpu.memory_space<vmem>>) dst(%dma_wait3A_29 : memref<14096x16xf32, #tpu.memory_space<vmem_shared>>)
    }
    %scan3A_15 = arith.constant 40 : i32
    %barrier3A_16 = arith.constant 0 : index
    tpu.barrier barrier_id(%barrier3A_16)
    %mul3A_17 = arith.constant 10000 : i32
    %mul3A_18 = arith.muli %arg0, %mul3A_17 : i32
    %add3A_19 = arith.addi %mul3A_18, %mul3A_2 : i32
    "tpu.region"() ({
      %run_scoped3A = tpu.sem_alloc : memref<!tpu.dma_semaphore, #tpu.memory_space<semaphore_mem>>
      %dma_start3A = arith.constant 0 : i32
      %dma_start3A_23 = tpu.memref_slice %arg5[%add3A_19, %dma_start3A] : memref<20000x32xf32, #tpu.memory_space<hbm>> -> memref<625x16xf32, #tpu.memory_space<hbm>>
      %dma_start3A_24 = arith.constant 0 : i32
      %dma_start3A_25 = tpu.memref_slice %arg8[%mul3A_2, %dma_start3A_24] : memref<14096x16xf32, #tpu.memory_space<vmem_shared>> -> memref<625x16xf32, #tpu.memory_space<vmem_shared>>
      tpu.enqueue_dma source(%dma_start3A_25 : memref<625x16xf32, #tpu.memory_space<vmem_shared>>) target(%dma_start3A_23 : memref<625x16xf32, #tpu.memory_space<hbm>>) target_semaphore(%run_scoped3A : memref<!tpu.dma_semaphore, #tpu.memory_space<semaphore_mem>>)
      %dma_wait3A = arith.constant 0 : i32
      %dma_wait3A_26 = tpu.memref_slice %arg5[%add3A_19, %dma_wait3A] : memref<20000x32xf32, #tpu.memory_space<hbm>> -> memref<625x16xf32, #tpu.memory_space<hbm>>
      %dma_wait3A_27 = arith.constant 0 : i32
      %dma_wait3A_28 = tpu.memref_slice %arg8[%mul3A_2, %dma_wait3A_27] : memref<14096x16xf32, #tpu.memory_space<vmem_shared>> -> memref<625x16xf32, #tpu.memory_space<vmem_shared>>
      tpu.wait_dma2 semaphore(%run_scoped3A : memref<!tpu.dma_semaphore, #tpu.memory_space<semaphore_mem>>) src(%dma_wait3A_28 : memref<625x16xf32, #tpu.memory_space<vmem_shared>>) dst(%dma_wait3A_26 : memref<625x16xf32, #tpu.memory_space<hbm>>)
      tpu.yield
    }) : () -> ()
    %mul3A_20 = arith.constant 10000 : i32
    %mul3A_21 = arith.muli %arg0, %mul3A_20 : i32
    %add3A_22 = arith.addi %mul3A_21, %mul3A_2 : i32
    "tpu.region"() ({
      %run_scoped3A = tpu.sem_alloc : memref<!tpu.dma_semaphore, #tpu.memory_space<semaphore_mem>>
      %dma_start3A = arith.constant 16 : i32
      %dma_start3A_23 = tpu.memref_slice %arg5[%add3A_22, %dma_start3A] : memref<20000x32xf32, #tpu.memory_space<hbm>> -> memref<625x16xf32, #tpu.memory_space<hbm>>
      %dma_start3A_24 = arith.constant 0 : i32
      %dma_start3A_25 = tpu.memref_slice %arg8[%mul3A_2, %dma_start3A_24] : memref<14096x16xf32, #tpu.memory_space<vmem_shared>> -> memref<625x16xf32, #tpu.memory_space<vmem_shared>>
      tpu.enqueue_dma source(%dma_start3A_25 : memref<625x16xf32, #tpu.memory_space<vmem_shared>>) target(%dma_start3A_23 : memref<625x16xf32, #tpu.memory_space<hbm>>) target_semaphore(%run_scoped3A : memref<!tpu.dma_semaphore, #tpu.memory_space<semaphore_mem>>)
      %dma_wait3A = arith.constant 16 : i32
      %dma_wait3A_26 = tpu.memref_slice %arg5[%add3A_22, %dma_wait3A] : memref<20000x32xf32, #tpu.memory_space<hbm>> -> memref<625x16xf32, #tpu.memory_space<hbm>>
      %dma_wait3A_27 = arith.constant 0 : i32
      %dma_wait3A_28 = tpu.memref_slice %arg8[%mul3A_2, %dma_wait3A_27] : memref<14096x16xf32, #tpu.memory_space<vmem_shared>> -> memref<625x16xf32, #tpu.memory_space<vmem_shared>>
      tpu.wait_dma2 semaphore(%run_scoped3A : memref<!tpu.dma_semaphore, #tpu.memory_space<semaphore_mem>>) src(%dma_wait3A_28 : memref<625x16xf32, #tpu.memory_space<vmem_shared>>) dst(%dma_wait3A_26 : memref<625x16xf32, #tpu.memory_space<hbm>>)
      tpu.yield
    }) : () -> ()
    return
  }
}

#map = affine_map<(d0, d1) -> (0, 0)>
module attributes {stable_mosaic.version = 14 : i64} {
  func.func @_sc_agg(%arg0: i32, %arg1: i32, %arg2: memref<1280x128xi32, #tpu.memory_space<hbm>>, %arg3: memref<1280x128xi32, #tpu.memory_space<hbm>>, %arg4: memref<10000x32xf32, #tpu.memory_space<hbm>>, %arg5: memref<10000x32xf32, #tpu.memory_space<hbm>>, %arg6: memref<20000x32xf32, #tpu.memory_space<hbm>>, %arg7: memref<40x128xi32, #tpu.memory_space<vmem>>, %arg8: memref<40x128xi32, #tpu.memory_space<vmem>>, %arg9: memref<8x128x32xf32, #tpu.memory_space<vmem>>, %arg10: memref<14096x32xf32, #tpu.memory_space<vmem_shared>>, %arg11: memref<!tpu.dma_semaphore, #tpu.memory_space<semaphore_mem>>, %arg12: memref<!tpu.dma_semaphore, #tpu.memory_space<semaphore_mem>>, %arg13: memref<!tpu.dma_semaphore, #tpu.memory_space<semaphore_mem>>, %arg14: memref<!tpu.dma_semaphore, #tpu.memory_space<semaphore_mem>>, %arg15: memref<!tpu.dma_semaphore, #tpu.memory_space<semaphore_mem>>, %arg16: memref<!tpu.dma_semaphore, #tpu.memory_space<semaphore_mem>>, %arg17: memref<!tpu.dma_semaphore, #tpu.memory_space<semaphore_mem>>, %arg18: memref<!tpu.dma_semaphore, #tpu.memory_space<semaphore_mem>>, %arg19: memref<!tpu.dma_semaphore, #tpu.memory_space<semaphore_mem>>, %arg20: memref<!tpu.dma_semaphore, #tpu.memory_space<semaphore_mem>>, %arg21: memref<!tpu.dma_semaphore, #tpu.memory_space<semaphore_mem>>, %arg22: memref<!tpu.dma_semaphore, #tpu.memory_space<semaphore_mem>>, %arg23: memref<!tpu.dma_semaphore, #tpu.memory_space<semaphore_mem>>, %arg24: memref<!tpu.dma_semaphore, #tpu.memory_space<semaphore_mem>>, %arg25: memref<!tpu.dma_semaphore, #tpu.memory_space<semaphore_mem>>, %arg26: memref<!tpu.dma_semaphore, #tpu.memory_space<semaphore_mem>>) attributes {dimension_semantics = [#tpu.dimension_semantics<core_parallel>, #tpu.dimension_semantics<subcore_parallel>], iteration_bounds = array<i64: 2, 16>, scalar_prefetch = 0 : i64, scratch_operands = 20 : i64, tpu.core_type = #tpu.core_type<sc_vector_subcore>, window_params = [{transform_indices = #map}, {transform_indices = #map}, {transform_indices = #map}, {transform_indices = #map}, {transform_indices = #map}]} {
    %mul3A = arith.constant 2 : i32
    %mul3A_0 = arith.muli %arg1, %mul3A : i32
    %add3A = arith.addi %mul3A_0, %arg0 : i32
    %mul3A_1 = arith.constant 625 : i32
    %mul3A_2 = arith.muli %arg1, %mul3A_1 : i32
    "tpu.region"() ({
      %run_scoped3A = tpu.sem_alloc : memref<!tpu.dma_semaphore, #tpu.memory_space<semaphore_mem>>
      %dma_start3A_110 = arith.constant 0 : i32
      %dma_start3A_111 = tpu.memref_slice %arg10[%mul3A_2, %dma_start3A_110] : memref<14096x32xf32, #tpu.memory_space<vmem_shared>> -> memref<625x32xf32, #tpu.memory_space<vmem_shared>>
      %dma_start3A_112 = arith.constant 0 : i32
      %dma_start3A_113 = tpu.memref_slice %arg5[%mul3A_2, %dma_start3A_112] : memref<10000x32xf32, #tpu.memory_space<hbm>> -> memref<625x32xf32, #tpu.memory_space<hbm>>
      tpu.enqueue_dma source(%dma_start3A_113 : memref<625x32xf32, #tpu.memory_space<hbm>>) target(%dma_start3A_111 : memref<625x32xf32, #tpu.memory_space<vmem_shared>>) target_semaphore(%run_scoped3A : memref<!tpu.dma_semaphore, #tpu.memory_space<semaphore_mem>>)
      %dma_wait3A_114 = arith.constant 0 : i32
      %dma_wait3A_115 = tpu.memref_slice %arg10[%mul3A_2, %dma_wait3A_114] : memref<14096x32xf32, #tpu.memory_space<vmem_shared>> -> memref<625x32xf32, #tpu.memory_space<vmem_shared>>
      %dma_wait3A_116 = arith.constant 0 : i32
      %dma_wait3A_117 = tpu.memref_slice %arg5[%mul3A_2, %dma_wait3A_116] : memref<10000x32xf32, #tpu.memory_space<hbm>> -> memref<625x32xf32, #tpu.memory_space<hbm>>
      tpu.wait_dma2 semaphore(%run_scoped3A : memref<!tpu.dma_semaphore, #tpu.memory_space<semaphore_mem>>) src(%dma_wait3A_117 : memref<625x32xf32, #tpu.memory_space<hbm>>) dst(%dma_wait3A_115 : memref<625x32xf32, #tpu.memory_space<vmem_shared>>)
      tpu.yield
    }) : () -> ()
    %mul3A_3 = arith.constant 40 : i32
    %mul3A_4 = arith.muli %add3A, %mul3A_3 : i32
    "tpu.region"() ({
      %run_scoped3A = tpu.sem_alloc : memref<!tpu.dma_semaphore, #tpu.memory_space<semaphore_mem>>
      %dma_start3A_110 = arith.constant 0 : i32
      %dma_start3A_111 = tpu.memref_slice %arg2[%mul3A_4, %dma_start3A_110] : memref<1280x128xi32, #tpu.memory_space<hbm>> -> memref<40x128xi32, #tpu.memory_space<hbm>>
      %dma_start3A_112 = arith.constant 0 : i32
      %dma_start3A_113 = tpu.memref_slice %arg2[%mul3A_4, %dma_start3A_112] : memref<1280x128xi32, #tpu.memory_space<hbm>> -> memref<40x128xi32, #tpu.memory_space<hbm>>
      tpu.enqueue_dma source(%dma_start3A_113 : memref<40x128xi32, #tpu.memory_space<hbm>>) target(%arg7 : memref<40x128xi32, #tpu.memory_space<vmem>>) target_semaphore(%run_scoped3A : memref<!tpu.dma_semaphore, #tpu.memory_space<semaphore_mem>>)
      %dma_wait3A_114 = arith.constant 0 : i32
      %dma_wait3A_115 = tpu.memref_slice %arg2[%mul3A_4, %dma_wait3A_114] : memref<1280x128xi32, #tpu.memory_space<hbm>> -> memref<40x128xi32, #tpu.memory_space<hbm>>
      %dma_wait3A_116 = arith.constant 0 : i32
      %dma_wait3A_117 = tpu.memref_slice %arg2[%mul3A_4, %dma_wait3A_116] : memref<1280x128xi32, #tpu.memory_space<hbm>> -> memref<40x128xi32, #tpu.memory_space<hbm>>
      tpu.wait_dma2 semaphore(%run_scoped3A : memref<!tpu.dma_semaphore, #tpu.memory_space<semaphore_mem>>) src(%dma_wait3A_117 : memref<40x128xi32, #tpu.memory_space<hbm>>) dst(%arg7 : memref<40x128xi32, #tpu.memory_space<vmem>>)
      tpu.yield
    }) : () -> ()
    %mul3A_5 = arith.constant 40 : i32
    %mul3A_6 = arith.muli %add3A, %mul3A_5 : i32
    "tpu.region"() ({
      %run_scoped3A = tpu.sem_alloc : memref<!tpu.dma_semaphore, #tpu.memory_space<semaphore_mem>>
      %dma_start3A_110 = arith.constant 0 : i32
      %dma_start3A_111 = tpu.memref_slice %arg3[%mul3A_6, %dma_start3A_110] : memref<1280x128xi32, #tpu.memory_space<hbm>> -> memref<40x128xi32, #tpu.memory_space<hbm>>
      %dma_start3A_112 = arith.constant 0 : i32
      %dma_start3A_113 = tpu.memref_slice %arg3[%mul3A_6, %dma_start3A_112] : memref<1280x128xi32, #tpu.memory_space<hbm>> -> memref<40x128xi32, #tpu.memory_space<hbm>>
      tpu.enqueue_dma source(%dma_start3A_113 : memref<40x128xi32, #tpu.memory_space<hbm>>) target(%arg8 : memref<40x128xi32, #tpu.memory_space<vmem>>) target_semaphore(%run_scoped3A : memref<!tpu.dma_semaphore, #tpu.memory_space<semaphore_mem>>)
      %dma_wait3A_114 = arith.constant 0 : i32
      %dma_wait3A_115 = tpu.memref_slice %arg3[%mul3A_6, %dma_wait3A_114] : memref<1280x128xi32, #tpu.memory_space<hbm>> -> memref<40x128xi32, #tpu.memory_space<hbm>>
      %dma_wait3A_116 = arith.constant 0 : i32
      %dma_wait3A_117 = tpu.memref_slice %arg3[%mul3A_6, %dma_wait3A_116] : memref<1280x128xi32, #tpu.memory_space<hbm>> -> memref<40x128xi32, #tpu.memory_space<hbm>>
      tpu.wait_dma2 semaphore(%run_scoped3A : memref<!tpu.dma_semaphore, #tpu.memory_space<semaphore_mem>>) src(%dma_wait3A_117 : memref<40x128xi32, #tpu.memory_space<hbm>>) dst(%arg8 : memref<40x128xi32, #tpu.memory_space<vmem>>)
      tpu.yield
    }) : () -> ()
    %barrier3A = arith.constant 0 : index
    tpu.barrier barrier_id(%barrier3A)
    %dma_start3A = arith.constant 0 : i32
    %dma_start3A_7 = arith.constant 0 : i32
    %dma_start3A_8 = arith.constant 0 : i32
    %dma_start3A_9 = arith.constant 0 : i32
    %dma_start3A_10 = tpu.memref_slice %arg9[%dma_start3A_7, %dma_start3A_8, %dma_start3A_9] : memref<8x128x32xf32, #tpu.memory_space<vmem>> -> memref<1x128x32xf32, #tpu.memory_space<vmem>>
    %dma_start3A_11 = tpu.memref_squeeze %dma_start3A_10 : memref<1x128x32xf32, #tpu.memory_space<vmem>> -> memref<128x32xf32, #tpu.memory_space<vmem>>
    %dma_start3A_12 = arith.constant 0 : i32
    %dma_start3A_13 = tpu.memref_slice %arg7[%dma_start3A, %dma_start3A_12] : memref<40x128xi32, #tpu.memory_space<vmem>> -> memref<1x128xi32, #tpu.memory_space<vmem>>
    %dma_start3A_14 = tpu.memref_squeeze %dma_start3A_13 : memref<1x128xi32, #tpu.memory_space<vmem>> -> memref<128xi32, #tpu.memory_space<vmem>>
    %dma_start3A_15 = arith.constant 0 : i32
    %dma_start3A_16 = arith.constant 0 : i32
    %dma_start3A_17 = tpu.memref_slice %arg4[%dma_start3A_15, %dma_start3A_16] : memref<10000x32xf32, #tpu.memory_space<hbm>> -> memref<10000x32xf32, #tpu.memory_space<hbm>>
    tpu.enqueue_indirect_dma source(%dma_start3A_17 : memref<10000x32xf32, #tpu.memory_space<hbm>>) target(%dma_start3A_11 : memref<128x32xf32, #tpu.memory_space<vmem>>) offsets(%dma_start3A_14 : memref<128xi32, #tpu.memory_space<vmem>>) semaphore(%arg11 : memref<!tpu.dma_semaphore, #tpu.memory_space<semaphore_mem>>)
    %dma_start3A_18 = arith.constant 1 : i32
    %dma_start3A_19 = arith.constant 1 : i32
    %dma_start3A_20 = arith.constant 0 : i32
    %dma_start3A_21 = arith.constant 0 : i32
    %dma_start3A_22 = tpu.memref_slice %arg9[%dma_start3A_19, %dma_start3A_20, %dma_start3A_21] : memref<8x128x32xf32, #tpu.memory_space<vmem>> -> memref<1x128x32xf32, #tpu.memory_space<vmem>>
    %dma_start3A_23 = tpu.memref_squeeze %dma_start3A_22 : memref<1x128x32xf32, #tpu.memory_space<vmem>> -> memref<128x32xf32, #tpu.memory_space<vmem>>
    %dma_start3A_24 = arith.constant 0 : i32
    %dma_start3A_25 = tpu.memref_slice %arg7[%dma_start3A_18, %dma_start3A_24] : memref<40x128xi32, #tpu.memory_space<vmem>> -> memref<1x128xi32, #tpu.memory_space<vmem>>
    %dma_start3A_26 = tpu.memref_squeeze %dma_start3A_25 : memref<1x128xi32, #tpu.memory_space<vmem>> -> memref<128xi32, #tpu.memory_space<vmem>>
    %dma_start3A_27 = arith.constant 0 : i32
    %dma_start3A_28 = arith.constant 0 : i32
    %dma_start3A_29 = tpu.memref_slice %arg4[%dma_start3A_27, %dma_start3A_28] : memref<10000x32xf32, #tpu.memory_space<hbm>> -> memref<10000x32xf32, #tpu.memory_space<hbm>>
    tpu.enqueue_indirect_dma source(%dma_start3A_29 : memref<10000x32xf32, #tpu.memory_space<hbm>>) target(%dma_start3A_23 : memref<128x32xf32, #tpu.memory_space<vmem>>) offsets(%dma_start3A_26 : memref<128xi32, #tpu.memory_space<vmem>>) semaphore(%arg12 : memref<!tpu.dma_semaphore, #tpu.memory_space<semaphore_mem>>)
    %dma_start3A_30 = arith.constant 2 : i32
    %dma_start3A_31 = arith.constant 2 : i32
    %dma_start3A_32 = arith.constant 0 : i32
    %dma_start3A_33 = arith.constant 0 : i32
    %dma_start3A_34 = tpu.memref_slice %arg9[%dma_start3A_31, %dma_start3A_32, %dma_start3A_33] : memref<8x128x32xf32, #tpu.memory_space<vmem>> -> memref<1x128x32xf32, #tpu.memory_space<vmem>>
    %dma_start3A_35 = tpu.memref_squeeze %dma_start3A_34 : memref<1x128x32xf32, #tpu.memory_space<vmem>> -> memref<128x32xf32, #tpu.memory_space<vmem>>
    %dma_start3A_36 = arith.constant 0 : i32
    %dma_start3A_37 = tpu.memref_slice %arg7[%dma_start3A_30, %dma_start3A_36] : memref<40x128xi32, #tpu.memory_space<vmem>> -> memref<1x128xi32, #tpu.memory_space<vmem>>
    %dma_start3A_38 = tpu.memref_squeeze %dma_start3A_37 : memref<1x128xi32, #tpu.memory_space<vmem>> -> memref<128xi32, #tpu.memory_space<vmem>>
    %dma_start3A_39 = arith.constant 0 : i32
    %dma_start3A_40 = arith.constant 0 : i32
    %dma_start3A_41 = tpu.memref_slice %arg4[%dma_start3A_39, %dma_start3A_40] : memref<10000x32xf32, #tpu.memory_space<hbm>> -> memref<10000x32xf32, #tpu.memory_space<hbm>>
    tpu.enqueue_indirect_dma source(%dma_start3A_41 : memref<10000x32xf32, #tpu.memory_space<hbm>>) target(%dma_start3A_35 : memref<128x32xf32, #tpu.memory_space<vmem>>) offsets(%dma_start3A_38 : memref<128xi32, #tpu.memory_space<vmem>>) semaphore(%arg13 : memref<!tpu.dma_semaphore, #tpu.memory_space<semaphore_mem>>)
    %dma_start3A_42 = arith.constant 3 : i32
    %dma_start3A_43 = arith.constant 3 : i32
    %dma_start3A_44 = arith.constant 0 : i32
    %dma_start3A_45 = arith.constant 0 : i32
    %dma_start3A_46 = tpu.memref_slice %arg9[%dma_start3A_43, %dma_start3A_44, %dma_start3A_45] : memref<8x128x32xf32, #tpu.memory_space<vmem>> -> memref<1x128x32xf32, #tpu.memory_space<vmem>>
    %dma_start3A_47 = tpu.memref_squeeze %dma_start3A_46 : memref<1x128x32xf32, #tpu.memory_space<vmem>> -> memref<128x32xf32, #tpu.memory_space<vmem>>
    %dma_start3A_48 = arith.constant 0 : i32
    %dma_start3A_49 = tpu.memref_slice %arg7[%dma_start3A_42, %dma_start3A_48] : memref<40x128xi32, #tpu.memory_space<vmem>> -> memref<1x128xi32, #tpu.memory_space<vmem>>
    %dma_start3A_50 = tpu.memref_squeeze %dma_start3A_49 : memref<1x128xi32, #tpu.memory_space<vmem>> -> memref<128xi32, #tpu.memory_space<vmem>>
    %dma_start3A_51 = arith.constant 0 : i32
    %dma_start3A_52 = arith.constant 0 : i32
    %dma_start3A_53 = tpu.memref_slice %arg4[%dma_start3A_51, %dma_start3A_52] : memref<10000x32xf32, #tpu.memory_space<hbm>> -> memref<10000x32xf32, #tpu.memory_space<hbm>>
    tpu.enqueue_indirect_dma source(%dma_start3A_53 : memref<10000x32xf32, #tpu.memory_space<hbm>>) target(%dma_start3A_47 : memref<128x32xf32, #tpu.memory_space<vmem>>) offsets(%dma_start3A_50 : memref<128xi32, #tpu.memory_space<vmem>>) semaphore(%arg14 : memref<!tpu.dma_semaphore, #tpu.memory_space<semaphore_mem>>)
    %scan3A = arith.constant 0 : i32
    %scan3A_54 = arith.constant 0 : i32
    %scan3A_55 = arith.constant 5 : i32
    %scan3A_56 = arith.addi %scan3A_54, %scan3A_55 : i32
    %scan3A_57 = arith.constant 1 : i32
    scf.for %scan3A_110 = %scan3A_54 to %scan3A_56 step %scan3A_57  : i32 {
      %mul3A_111 = arith.constant 8 : i32
      %mul3A_112 = arith.muli %scan3A_110, %mul3A_111 : i32
      %add3A_113 = arith.constant 0 : i32
      %add3A_114 = arith.addi %mul3A_112, %add3A_113 : i32
      %dma_wait3A_115 = arith.constant 0 : i32
      %dma_wait3A_116 = arith.constant 0 : i32
      %dma_wait3A_117 = arith.constant 0 : i32
      %dma_wait3A_118 = tpu.memref_slice %arg9[%dma_wait3A_115, %dma_wait3A_116, %dma_wait3A_117] : memref<8x128x32xf32, #tpu.memory_space<vmem>> -> memref<1x128x32xf32, #tpu.memory_space<vmem>>
      %dma_wait3A_119 = tpu.memref_squeeze %dma_wait3A_118 : memref<1x128x32xf32, #tpu.memory_space<vmem>> -> memref<128x32xf32, #tpu.memory_space<vmem>>
      %dma_wait3A_120 = arith.constant 0 : i32
      %dma_wait3A_121 = tpu.memref_slice %arg7[%add3A_114, %dma_wait3A_120] : memref<40x128xi32, #tpu.memory_space<vmem>> -> memref<1x128xi32, #tpu.memory_space<vmem>>
      %dma_wait3A_122 = tpu.memref_squeeze %dma_wait3A_121 : memref<1x128xi32, #tpu.memory_space<vmem>> -> memref<128xi32, #tpu.memory_space<vmem>>
      %dma_wait3A_123 = arith.constant 0 : i32
      %dma_wait3A_124 = arith.constant 0 : i32
      %dma_wait3A_125 = tpu.memref_slice %arg4[%dma_wait3A_123, %dma_wait3A_124] : memref<10000x32xf32, #tpu.memory_space<hbm>> -> memref<10000x32xf32, #tpu.memory_space<hbm>>
      tpu.wait_indirect_dma semaphore(%arg11 : memref<!tpu.dma_semaphore, #tpu.memory_space<semaphore_mem>>) src(%dma_wait3A_125 : memref<10000x32xf32, #tpu.memory_space<hbm>>) dst(%dma_wait3A_119 : memref<128x32xf32, #tpu.memory_space<vmem>>)
      %dma_start3A_126 = arith.constant 0 : i32
      %dma_start3A_127 = arith.constant 0 : i32
      %dma_start3A_128 = arith.constant 0 : i32
      %dma_start3A_129 = tpu.memref_slice %arg9[%dma_start3A_126, %dma_start3A_127, %dma_start3A_128] : memref<8x128x32xf32, #tpu.memory_space<vmem>> -> memref<1x128x32xf32, #tpu.memory_space<vmem>>
      %dma_start3A_130 = tpu.memref_squeeze %dma_start3A_129 : memref<1x128x32xf32, #tpu.memory_space<vmem>> -> memref<128x32xf32, #tpu.memory_space<vmem>>
      %dma_start3A_131 = arith.constant 0 : i32
      %dma_start3A_132 = tpu.memref_slice %arg8[%add3A_114, %dma_start3A_131] : memref<40x128xi32, #tpu.memory_space<vmem>> -> memref<1x128xi32, #tpu.memory_space<vmem>>
      %dma_start3A_133 = tpu.memref_squeeze %dma_start3A_132 : memref<1x128xi32, #tpu.memory_space<vmem>> -> memref<128xi32, #tpu.memory_space<vmem>>
      %dma_start3A_134 = arith.constant 0 : i32
      %dma_start3A_135 = arith.constant 0 : i32
      %dma_start3A_136 = tpu.memref_slice %arg10[%dma_start3A_134, %dma_start3A_135] : memref<14096x32xf32, #tpu.memory_space<vmem_shared>> -> memref<14096x32xf32, #tpu.memory_space<vmem_shared>>
      tpu.enqueue_indirect_dma source(%dma_start3A_130 : memref<128x32xf32, #tpu.memory_space<vmem>>) target(%dma_start3A_136 : memref<14096x32xf32, #tpu.memory_space<vmem_shared>>) offsets(%dma_start3A_133 : memref<128xi32, #tpu.memory_space<vmem>>) semaphore(%arg19 : memref<!tpu.dma_semaphore, #tpu.memory_space<semaphore_mem>>) {add = true}
      %ge3A = arith.constant 4 : i32
      %ge3A_137 = arith.cmpi sge, %add3A_114, %ge3A : i32
      %convert_element_type3A = arith.extui %ge3A_137 : i1 to i32
      %cond3A = arith.constant 0 : i32
      %cond3A_138 = arith.cmpi ne, %convert_element_type3A, %cond3A : i32
      scf.if %cond3A_138 {
        %dma_wait3A_411 = arith.constant 4 : i32
        %dma_wait3A_412 = arith.constant 0 : i32
        %dma_wait3A_413 = arith.constant 0 : i32
        %dma_wait3A_414 = tpu.memref_slice %arg9[%dma_wait3A_411, %dma_wait3A_412, %dma_wait3A_413] : memref<8x128x32xf32, #tpu.memory_space<vmem>> -> memref<1x128x32xf32, #tpu.memory_space<vmem>>
        %dma_wait3A_415 = tpu.memref_squeeze %dma_wait3A_414 : memref<1x128x32xf32, #tpu.memory_space<vmem>> -> memref<128x32xf32, #tpu.memory_space<vmem>>
        %dma_wait3A_416 = arith.constant 0 : i32
        %dma_wait3A_417 = tpu.memref_slice %arg8[%add3A_114, %dma_wait3A_416] : memref<40x128xi32, #tpu.memory_space<vmem>> -> memref<1x128xi32, #tpu.memory_space<vmem>>
        %dma_wait3A_418 = tpu.memref_squeeze %dma_wait3A_417 : memref<1x128xi32, #tpu.memory_space<vmem>> -> memref<128xi32, #tpu.memory_space<vmem>>
        %dma_wait3A_419 = arith.constant 0 : i32
        %dma_wait3A_420 = arith.constant 0 : i32
        %dma_wait3A_421 = tpu.memref_slice %arg10[%dma_wait3A_419, %dma_wait3A_420] : memref<14096x32xf32, #tpu.memory_space<vmem_shared>> -> memref<14096x32xf32, #tpu.memory_space<vmem_shared>>
        tpu.wait_indirect_dma semaphore(%arg23 : memref<!tpu.dma_semaphore, #tpu.memory_space<semaphore_mem>>) src(%dma_wait3A_415 : memref<128x32xf32, #tpu.memory_space<vmem>>) dst(%dma_wait3A_421 : memref<14096x32xf32, #tpu.memory_space<vmem_shared>>)
      } else {
      }
      %add3A_139 = arith.constant 4 : i32
      %add3A_140 = arith.addi %add3A_114, %add3A_139 : i32
      %lt3A = arith.constant 40 : i32
      %lt3A_141 = arith.cmpi slt, %add3A_140, %lt3A : i32
      %convert_element_type3A_142 = arith.extui %lt3A_141 : i1 to i32
      %cond3A_143 = arith.constant 0 : i32
      %cond3A_144 = arith.cmpi ne, %convert_element_type3A_142, %cond3A_143 : i32
      scf.if %cond3A_144 {
        %add3A_411 = arith.constant 4 : i32
        %add3A_412 = arith.addi %add3A_114, %add3A_411 : i32
        %dma_start3A_413 = arith.constant 4 : i32
        %dma_start3A_414 = arith.constant 0 : i32
        %dma_start3A_415 = arith.constant 0 : i32
        %dma_start3A_416 = tpu.memref_slice %arg9[%dma_start3A_413, %dma_start3A_414, %dma_start3A_415] : memref<8x128x32xf32, #tpu.memory_space<vmem>> -> memref<1x128x32xf32, #tpu.memory_space<vmem>>
        %dma_start3A_417 = tpu.memref_squeeze %dma_start3A_416 : memref<1x128x32xf32, #tpu.memory_space<vmem>> -> memref<128x32xf32, #tpu.memory_space<vmem>>
        %dma_start3A_418 = arith.constant 0 : i32
        %dma_start3A_419 = tpu.memref_slice %arg7[%add3A_412, %dma_start3A_418] : memref<40x128xi32, #tpu.memory_space<vmem>> -> memref<1x128xi32, #tpu.memory_space<vmem>>
        %dma_start3A_420 = tpu.memref_squeeze %dma_start3A_419 : memref<1x128xi32, #tpu.memory_space<vmem>> -> memref<128xi32, #tpu.memory_space<vmem>>
        %dma_start3A_421 = arith.constant 0 : i32
        %dma_start3A_422 = arith.constant 0 : i32
        %dma_start3A_423 = tpu.memref_slice %arg4[%dma_start3A_421, %dma_start3A_422] : memref<10000x32xf32, #tpu.memory_space<hbm>> -> memref<10000x32xf32, #tpu.memory_space<hbm>>
        tpu.enqueue_indirect_dma source(%dma_start3A_423 : memref<10000x32xf32, #tpu.memory_space<hbm>>) target(%dma_start3A_417 : memref<128x32xf32, #tpu.memory_space<vmem>>) offsets(%dma_start3A_420 : memref<128xi32, #tpu.memory_space<vmem>>) semaphore(%arg15 : memref<!tpu.dma_semaphore, #tpu.memory_space<semaphore_mem>>)
      } else {
      }
      %mul3A_145 = arith.constant 8 : i32
      %mul3A_146 = arith.muli %scan3A_110, %mul3A_145 : i32
      %add3A_147 = arith.constant 1 : i32
      %add3A_148 = arith.addi %mul3A_146, %add3A_147 : i32
      %dma_wait3A_149 = arith.constant 1 : i32
      %dma_wait3A_150 = arith.constant 0 : i32
      %dma_wait3A_151 = arith.constant 0 : i32
      %dma_wait3A_152 = tpu.memref_slice %arg9[%dma_wait3A_149, %dma_wait3A_150, %dma_wait3A_151] : memref<8x128x32xf32, #tpu.memory_space<vmem>> -> memref<1x128x32xf32, #tpu.memory_space<vmem>>
      %dma_wait3A_153 = tpu.memref_squeeze %dma_wait3A_152 : memref<1x128x32xf32, #tpu.memory_space<vmem>> -> memref<128x32xf32, #tpu.memory_space<vmem>>
      %dma_wait3A_154 = arith.constant 0 : i32
      %dma_wait3A_155 = tpu.memref_slice %arg7[%add3A_148, %dma_wait3A_154] : memref<40x128xi32, #tpu.memory_space<vmem>> -> memref<1x128xi32, #tpu.memory_space<vmem>>
      %dma_wait3A_156 = tpu.memref_squeeze %dma_wait3A_155 : memref<1x128xi32, #tpu.memory_space<vmem>> -> memref<128xi32, #tpu.memory_space<vmem>>
      %dma_wait3A_157 = arith.constant 0 : i32
      %dma_wait3A_158 = arith.constant 0 : i32
      %dma_wait3A_159 = tpu.memref_slice %arg4[%dma_wait3A_157, %dma_wait3A_158] : memref<10000x32xf32, #tpu.memory_space<hbm>> -> memref<10000x32xf32, #tpu.memory_space<hbm>>
      tpu.wait_indirect_dma semaphore(%arg12 : memref<!tpu.dma_semaphore, #tpu.memory_space<semaphore_mem>>) src(%dma_wait3A_159 : memref<10000x32xf32, #tpu.memory_space<hbm>>) dst(%dma_wait3A_153 : memref<128x32xf32, #tpu.memory_space<vmem>>)
      %dma_start3A_160 = arith.constant 1 : i32
      %dma_start3A_161 = arith.constant 0 : i32
      %dma_start3A_162 = arith.constant 0 : i32
      %dma_start3A_163 = tpu.memref_slice %arg9[%dma_start3A_160, %dma_start3A_161, %dma_start3A_162] : memref<8x128x32xf32, #tpu.memory_space<vmem>> -> memref<1x128x32xf32, #tpu.memory_space<vmem>>
      %dma_start3A_164 = tpu.memref_squeeze %dma_start3A_163 : memref<1x128x32xf32, #tpu.memory_space<vmem>> -> memref<128x32xf32, #tpu.memory_space<vmem>>
      %dma_start3A_165 = arith.constant 0 : i32
      %dma_start3A_166 = tpu.memref_slice %arg8[%add3A_148, %dma_start3A_165] : memref<40x128xi32, #tpu.memory_space<vmem>> -> memref<1x128xi32, #tpu.memory_space<vmem>>
      %dma_start3A_167 = tpu.memref_squeeze %dma_start3A_166 : memref<1x128xi32, #tpu.memory_space<vmem>> -> memref<128xi32, #tpu.memory_space<vmem>>
      %dma_start3A_168 = arith.constant 0 : i32
      %dma_start3A_169 = arith.constant 0 : i32
      %dma_start3A_170 = tpu.memref_slice %arg10[%dma_start3A_168, %dma_start3A_169] : memref<14096x32xf32, #tpu.memory_space<vmem_shared>> -> memref<14096x32xf32, #tpu.memory_space<vmem_shared>>
      tpu.enqueue_indirect_dma source(%dma_start3A_164 : memref<128x32xf32, #tpu.memory_space<vmem>>) target(%dma_start3A_170 : memref<14096x32xf32, #tpu.memory_space<vmem_shared>>) offsets(%dma_start3A_167 : memref<128xi32, #tpu.memory_space<vmem>>) semaphore(%arg20 : memref<!tpu.dma_semaphore, #tpu.memory_space<semaphore_mem>>) {add = true}
      %ge3A_171 = arith.constant 4 : i32
      %ge3A_172 = arith.cmpi sge, %add3A_148, %ge3A_171 : i32
      %convert_element_type3A_173 = arith.extui %ge3A_172 : i1 to i32
      %cond3A_174 = arith.constant 0 : i32
      %cond3A_175 = arith.cmpi ne, %convert_element_type3A_173, %cond3A_174 : i32
      scf.if %cond3A_175 {
        %dma_wait3A_411 = arith.constant 5 : i32
        %dma_wait3A_412 = arith.constant 0 : i32
        %dma_wait3A_413 = arith.constant 0 : i32
        %dma_wait3A_414 = tpu.memref_slice %arg9[%dma_wait3A_411, %dma_wait3A_412, %dma_wait3A_413] : memref<8x128x32xf32, #tpu.memory_space<vmem>> -> memref<1x128x32xf32, #tpu.memory_space<vmem>>
        %dma_wait3A_415 = tpu.memref_squeeze %dma_wait3A_414 : memref<1x128x32xf32, #tpu.memory_space<vmem>> -> memref<128x32xf32, #tpu.memory_space<vmem>>
        %dma_wait3A_416 = arith.constant 0 : i32
        %dma_wait3A_417 = tpu.memref_slice %arg8[%add3A_148, %dma_wait3A_416] : memref<40x128xi32, #tpu.memory_space<vmem>> -> memref<1x128xi32, #tpu.memory_space<vmem>>
        %dma_wait3A_418 = tpu.memref_squeeze %dma_wait3A_417 : memref<1x128xi32, #tpu.memory_space<vmem>> -> memref<128xi32, #tpu.memory_space<vmem>>
        %dma_wait3A_419 = arith.constant 0 : i32
        %dma_wait3A_420 = arith.constant 0 : i32
        %dma_wait3A_421 = tpu.memref_slice %arg10[%dma_wait3A_419, %dma_wait3A_420] : memref<14096x32xf32, #tpu.memory_space<vmem_shared>> -> memref<14096x32xf32, #tpu.memory_space<vmem_shared>>
        tpu.wait_indirect_dma semaphore(%arg24 : memref<!tpu.dma_semaphore, #tpu.memory_space<semaphore_mem>>) src(%dma_wait3A_415 : memref<128x32xf32, #tpu.memory_space<vmem>>) dst(%dma_wait3A_421 : memref<14096x32xf32, #tpu.memory_space<vmem_shared>>)
      } else {
      }
      %add3A_176 = arith.constant 4 : i32
      %add3A_177 = arith.addi %add3A_148, %add3A_176 : i32
      %lt3A_178 = arith.constant 40 : i32
      %lt3A_179 = arith.cmpi slt, %add3A_177, %lt3A_178 : i32
      %convert_element_type3A_180 = arith.extui %lt3A_179 : i1 to i32
      %cond3A_181 = arith.constant 0 : i32
      %cond3A_182 = arith.cmpi ne, %convert_element_type3A_180, %cond3A_181 : i32
      scf.if %cond3A_182 {
        %add3A_411 = arith.constant 4 : i32
        %add3A_412 = arith.addi %add3A_148, %add3A_411 : i32
        %dma_start3A_413 = arith.constant 5 : i32
        %dma_start3A_414 = arith.constant 0 : i32
        %dma_start3A_415 = arith.constant 0 : i32
        %dma_start3A_416 = tpu.memref_slice %arg9[%dma_start3A_413, %dma_start3A_414, %dma_start3A_415] : memref<8x128x32xf32, #tpu.memory_space<vmem>> -> memref<1x128x32xf32, #tpu.memory_space<vmem>>
        %dma_start3A_417 = tpu.memref_squeeze %dma_start3A_416 : memref<1x128x32xf32, #tpu.memory_space<vmem>> -> memref<128x32xf32, #tpu.memory_space<vmem>>
        %dma_start3A_418 = arith.constant 0 : i32
        %dma_start3A_419 = tpu.memref_slice %arg7[%add3A_412, %dma_start3A_418] : memref<40x128xi32, #tpu.memory_space<vmem>> -> memref<1x128xi32, #tpu.memory_space<vmem>>
        %dma_start3A_420 = tpu.memref_squeeze %dma_start3A_419 : memref<1x128xi32, #tpu.memory_space<vmem>> -> memref<128xi32, #tpu.memory_space<vmem>>
        %dma_start3A_421 = arith.constant 0 : i32
        %dma_start3A_422 = arith.constant 0 : i32
        %dma_start3A_423 = tpu.memref_slice %arg4[%dma_start3A_421, %dma_start3A_422] : memref<10000x32xf32, #tpu.memory_space<hbm>> -> memref<10000x32xf32, #tpu.memory_space<hbm>>
        tpu.enqueue_indirect_dma source(%dma_start3A_423 : memref<10000x32xf32, #tpu.memory_space<hbm>>) target(%dma_start3A_417 : memref<128x32xf32, #tpu.memory_space<vmem>>) offsets(%dma_start3A_420 : memref<128xi32, #tpu.memory_space<vmem>>) semaphore(%arg16 : memref<!tpu.dma_semaphore, #tpu.memory_space<semaphore_mem>>)
      } else {
      }
      %mul3A_183 = arith.constant 8 : i32
      %mul3A_184 = arith.muli %scan3A_110, %mul3A_183 : i32
      %add3A_185 = arith.constant 2 : i32
      %add3A_186 = arith.addi %mul3A_184, %add3A_185 : i32
      %dma_wait3A_187 = arith.constant 2 : i32
      %dma_wait3A_188 = arith.constant 0 : i32
      %dma_wait3A_189 = arith.constant 0 : i32
      %dma_wait3A_190 = tpu.memref_slice %arg9[%dma_wait3A_187, %dma_wait3A_188, %dma_wait3A_189] : memref<8x128x32xf32, #tpu.memory_space<vmem>> -> memref<1x128x32xf32, #tpu.memory_space<vmem>>
      %dma_wait3A_191 = tpu.memref_squeeze %dma_wait3A_190 : memref<1x128x32xf32, #tpu.memory_space<vmem>> -> memref<128x32xf32, #tpu.memory_space<vmem>>
      %dma_wait3A_192 = arith.constant 0 : i32
      %dma_wait3A_193 = tpu.memref_slice %arg7[%add3A_186, %dma_wait3A_192] : memref<40x128xi32, #tpu.memory_space<vmem>> -> memref<1x128xi32, #tpu.memory_space<vmem>>
      %dma_wait3A_194 = tpu.memref_squeeze %dma_wait3A_193 : memref<1x128xi32, #tpu.memory_space<vmem>> -> memref<128xi32, #tpu.memory_space<vmem>>
      %dma_wait3A_195 = arith.constant 0 : i32
      %dma_wait3A_196 = arith.constant 0 : i32
      %dma_wait3A_197 = tpu.memref_slice %arg4[%dma_wait3A_195, %dma_wait3A_196] : memref<10000x32xf32, #tpu.memory_space<hbm>> -> memref<10000x32xf32, #tpu.memory_space<hbm>>
      tpu.wait_indirect_dma semaphore(%arg13 : memref<!tpu.dma_semaphore, #tpu.memory_space<semaphore_mem>>) src(%dma_wait3A_197 : memref<10000x32xf32, #tpu.memory_space<hbm>>) dst(%dma_wait3A_191 : memref<128x32xf32, #tpu.memory_space<vmem>>)
      %dma_start3A_198 = arith.constant 2 : i32
      %dma_start3A_199 = arith.constant 0 : i32
      %dma_start3A_200 = arith.constant 0 : i32
      %dma_start3A_201 = tpu.memref_slice %arg9[%dma_start3A_198, %dma_start3A_199, %dma_start3A_200] : memref<8x128x32xf32, #tpu.memory_space<vmem>> -> memref<1x128x32xf32, #tpu.memory_space<vmem>>
      %dma_start3A_202 = tpu.memref_squeeze %dma_start3A_201 : memref<1x128x32xf32, #tpu.memory_space<vmem>> -> memref<128x32xf32, #tpu.memory_space<vmem>>
      %dma_start3A_203 = arith.constant 0 : i32
      %dma_start3A_204 = tpu.memref_slice %arg8[%add3A_186, %dma_start3A_203] : memref<40x128xi32, #tpu.memory_space<vmem>> -> memref<1x128xi32, #tpu.memory_space<vmem>>
      %dma_start3A_205 = tpu.memref_squeeze %dma_start3A_204 : memref<1x128xi32, #tpu.memory_space<vmem>> -> memref<128xi32, #tpu.memory_space<vmem>>
      %dma_start3A_206 = arith.constant 0 : i32
      %dma_start3A_207 = arith.constant 0 : i32
      %dma_start3A_208 = tpu.memref_slice %arg10[%dma_start3A_206, %dma_start3A_207] : memref<14096x32xf32, #tpu.memory_space<vmem_shared>> -> memref<14096x32xf32, #tpu.memory_space<vmem_shared>>
      tpu.enqueue_indirect_dma source(%dma_start3A_202 : memref<128x32xf32, #tpu.memory_space<vmem>>) target(%dma_start3A_208 : memref<14096x32xf32, #tpu.memory_space<vmem_shared>>) offsets(%dma_start3A_205 : memref<128xi32, #tpu.memory_space<vmem>>) semaphore(%arg21 : memref<!tpu.dma_semaphore, #tpu.memory_space<semaphore_mem>>) {add = true}
      %ge3A_209 = arith.constant 4 : i32
      %ge3A_210 = arith.cmpi sge, %add3A_186, %ge3A_209 : i32
      %convert_element_type3A_211 = arith.extui %ge3A_210 : i1 to i32
      %cond3A_212 = arith.constant 0 : i32
      %cond3A_213 = arith.cmpi ne, %convert_element_type3A_211, %cond3A_212 : i32
      scf.if %cond3A_213 {
        %dma_wait3A_411 = arith.constant 6 : i32
        %dma_wait3A_412 = arith.constant 0 : i32
        %dma_wait3A_413 = arith.constant 0 : i32
        %dma_wait3A_414 = tpu.memref_slice %arg9[%dma_wait3A_411, %dma_wait3A_412, %dma_wait3A_413] : memref<8x128x32xf32, #tpu.memory_space<vmem>> -> memref<1x128x32xf32, #tpu.memory_space<vmem>>
        %dma_wait3A_415 = tpu.memref_squeeze %dma_wait3A_414 : memref<1x128x32xf32, #tpu.memory_space<vmem>> -> memref<128x32xf32, #tpu.memory_space<vmem>>
        %dma_wait3A_416 = arith.constant 0 : i32
        %dma_wait3A_417 = tpu.memref_slice %arg8[%add3A_186, %dma_wait3A_416] : memref<40x128xi32, #tpu.memory_space<vmem>> -> memref<1x128xi32, #tpu.memory_space<vmem>>
        %dma_wait3A_418 = tpu.memref_squeeze %dma_wait3A_417 : memref<1x128xi32, #tpu.memory_space<vmem>> -> memref<128xi32, #tpu.memory_space<vmem>>
        %dma_wait3A_419 = arith.constant 0 : i32
        %dma_wait3A_420 = arith.constant 0 : i32
        %dma_wait3A_421 = tpu.memref_slice %arg10[%dma_wait3A_419, %dma_wait3A_420] : memref<14096x32xf32, #tpu.memory_space<vmem_shared>> -> memref<14096x32xf32, #tpu.memory_space<vmem_shared>>
        tpu.wait_indirect_dma semaphore(%arg25 : memref<!tpu.dma_semaphore, #tpu.memory_space<semaphore_mem>>) src(%dma_wait3A_415 : memref<128x32xf32, #tpu.memory_space<vmem>>) dst(%dma_wait3A_421 : memref<14096x32xf32, #tpu.memory_space<vmem_shared>>)
      } else {
      }
      %add3A_214 = arith.constant 4 : i32
      %add3A_215 = arith.addi %add3A_186, %add3A_214 : i32
      %lt3A_216 = arith.constant 40 : i32
      %lt3A_217 = arith.cmpi slt, %add3A_215, %lt3A_216 : i32
      %convert_element_type3A_218 = arith.extui %lt3A_217 : i1 to i32
      %cond3A_219 = arith.constant 0 : i32
      %cond3A_220 = arith.cmpi ne, %convert_element_type3A_218, %cond3A_219 : i32
      scf.if %cond3A_220 {
        %add3A_411 = arith.constant 4 : i32
        %add3A_412 = arith.addi %add3A_186, %add3A_411 : i32
        %dma_start3A_413 = arith.constant 6 : i32
        %dma_start3A_414 = arith.constant 0 : i32
        %dma_start3A_415 = arith.constant 0 : i32
        %dma_start3A_416 = tpu.memref_slice %arg9[%dma_start3A_413, %dma_start3A_414, %dma_start3A_415] : memref<8x128x32xf32, #tpu.memory_space<vmem>> -> memref<1x128x32xf32, #tpu.memory_space<vmem>>
        %dma_start3A_417 = tpu.memref_squeeze %dma_start3A_416 : memref<1x128x32xf32, #tpu.memory_space<vmem>> -> memref<128x32xf32, #tpu.memory_space<vmem>>
        %dma_start3A_418 = arith.constant 0 : i32
        %dma_start3A_419 = tpu.memref_slice %arg7[%add3A_412, %dma_start3A_418] : memref<40x128xi32, #tpu.memory_space<vmem>> -> memref<1x128xi32, #tpu.memory_space<vmem>>
        %dma_start3A_420 = tpu.memref_squeeze %dma_start3A_419 : memref<1x128xi32, #tpu.memory_space<vmem>> -> memref<128xi32, #tpu.memory_space<vmem>>
        %dma_start3A_421 = arith.constant 0 : i32
        %dma_start3A_422 = arith.constant 0 : i32
        %dma_start3A_423 = tpu.memref_slice %arg4[%dma_start3A_421, %dma_start3A_422] : memref<10000x32xf32, #tpu.memory_space<hbm>> -> memref<10000x32xf32, #tpu.memory_space<hbm>>
        tpu.enqueue_indirect_dma source(%dma_start3A_423 : memref<10000x32xf32, #tpu.memory_space<hbm>>) target(%dma_start3A_417 : memref<128x32xf32, #tpu.memory_space<vmem>>) offsets(%dma_start3A_420 : memref<128xi32, #tpu.memory_space<vmem>>) semaphore(%arg17 : memref<!tpu.dma_semaphore, #tpu.memory_space<semaphore_mem>>)
      } else {
      }
      %mul3A_221 = arith.constant 8 : i32
      %mul3A_222 = arith.muli %scan3A_110, %mul3A_221 : i32
      %add3A_223 = arith.constant 3 : i32
      %add3A_224 = arith.addi %mul3A_222, %add3A_223 : i32
      %dma_wait3A_225 = arith.constant 3 : i32
      %dma_wait3A_226 = arith.constant 0 : i32
      %dma_wait3A_227 = arith.constant 0 : i32
      %dma_wait3A_228 = tpu.memref_slice %arg9[%dma_wait3A_225, %dma_wait3A_226, %dma_wait3A_227] : memref<8x128x32xf32, #tpu.memory_space<vmem>> -> memref<1x128x32xf32, #tpu.memory_space<vmem>>
      %dma_wait3A_229 = tpu.memref_squeeze %dma_wait3A_228 : memref<1x128x32xf32, #tpu.memory_space<vmem>> -> memref<128x32xf32, #tpu.memory_space<vmem>>
      %dma_wait3A_230 = arith.constant 0 : i32
      %dma_wait3A_231 = tpu.memref_slice %arg7[%add3A_224, %dma_wait3A_230] : memref<40x128xi32, #tpu.memory_space<vmem>> -> memref<1x128xi32, #tpu.memory_space<vmem>>
      %dma_wait3A_232 = tpu.memref_squeeze %dma_wait3A_231 : memref<1x128xi32, #tpu.memory_space<vmem>> -> memref<128xi32, #tpu.memory_space<vmem>>
      %dma_wait3A_233 = arith.constant 0 : i32
      %dma_wait3A_234 = arith.constant 0 : i32
      %dma_wait3A_235 = tpu.memref_slice %arg4[%dma_wait3A_233, %dma_wait3A_234] : memref<10000x32xf32, #tpu.memory_space<hbm>> -> memref<10000x32xf32, #tpu.memory_space<hbm>>
      tpu.wait_indirect_dma semaphore(%arg14 : memref<!tpu.dma_semaphore, #tpu.memory_space<semaphore_mem>>) src(%dma_wait3A_235 : memref<10000x32xf32, #tpu.memory_space<hbm>>) dst(%dma_wait3A_229 : memref<128x32xf32, #tpu.memory_space<vmem>>)
      %dma_start3A_236 = arith.constant 3 : i32
      %dma_start3A_237 = arith.constant 0 : i32
      %dma_start3A_238 = arith.constant 0 : i32
      %dma_start3A_239 = tpu.memref_slice %arg9[%dma_start3A_236, %dma_start3A_237, %dma_start3A_238] : memref<8x128x32xf32, #tpu.memory_space<vmem>> -> memref<1x128x32xf32, #tpu.memory_space<vmem>>
      %dma_start3A_240 = tpu.memref_squeeze %dma_start3A_239 : memref<1x128x32xf32, #tpu.memory_space<vmem>> -> memref<128x32xf32, #tpu.memory_space<vmem>>
      %dma_start3A_241 = arith.constant 0 : i32
      %dma_start3A_242 = tpu.memref_slice %arg8[%add3A_224, %dma_start3A_241] : memref<40x128xi32, #tpu.memory_space<vmem>> -> memref<1x128xi32, #tpu.memory_space<vmem>>
      %dma_start3A_243 = tpu.memref_squeeze %dma_start3A_242 : memref<1x128xi32, #tpu.memory_space<vmem>> -> memref<128xi32, #tpu.memory_space<vmem>>
      %dma_start3A_244 = arith.constant 0 : i32
      %dma_start3A_245 = arith.constant 0 : i32
      %dma_start3A_246 = tpu.memref_slice %arg10[%dma_start3A_244, %dma_start3A_245] : memref<14096x32xf32, #tpu.memory_space<vmem_shared>> -> memref<14096x32xf32, #tpu.memory_space<vmem_shared>>
      tpu.enqueue_indirect_dma source(%dma_start3A_240 : memref<128x32xf32, #tpu.memory_space<vmem>>) target(%dma_start3A_246 : memref<14096x32xf32, #tpu.memory_space<vmem_shared>>) offsets(%dma_start3A_243 : memref<128xi32, #tpu.memory_space<vmem>>) semaphore(%arg22 : memref<!tpu.dma_semaphore, #tpu.memory_space<semaphore_mem>>) {add = true}
      %ge3A_247 = arith.constant 4 : i32
      %ge3A_248 = arith.cmpi sge, %add3A_224, %ge3A_247 : i32
      %convert_element_type3A_249 = arith.extui %ge3A_248 : i1 to i32
      %cond3A_250 = arith.constant 0 : i32
      %cond3A_251 = arith.cmpi ne, %convert_element_type3A_249, %cond3A_250 : i32
      scf.if %cond3A_251 {
        %dma_wait3A_411 = arith.constant 7 : i32
        %dma_wait3A_412 = arith.constant 0 : i32
        %dma_wait3A_413 = arith.constant 0 : i32
        %dma_wait3A_414 = tpu.memref_slice %arg9[%dma_wait3A_411, %dma_wait3A_412, %dma_wait3A_413] : memref<8x128x32xf32, #tpu.memory_space<vmem>> -> memref<1x128x32xf32, #tpu.memory_space<vmem>>
        %dma_wait3A_415 = tpu.memref_squeeze %dma_wait3A_414 : memref<1x128x32xf32, #tpu.memory_space<vmem>> -> memref<128x32xf32, #tpu.memory_space<vmem>>
        %dma_wait3A_416 = arith.constant 0 : i32
        %dma_wait3A_417 = tpu.memref_slice %arg8[%add3A_224, %dma_wait3A_416] : memref<40x128xi32, #tpu.memory_space<vmem>> -> memref<1x128xi32, #tpu.memory_space<vmem>>
        %dma_wait3A_418 = tpu.memref_squeeze %dma_wait3A_417 : memref<1x128xi32, #tpu.memory_space<vmem>> -> memref<128xi32, #tpu.memory_space<vmem>>
        %dma_wait3A_419 = arith.constant 0 : i32
        %dma_wait3A_420 = arith.constant 0 : i32
        %dma_wait3A_421 = tpu.memref_slice %arg10[%dma_wait3A_419, %dma_wait3A_420] : memref<14096x32xf32, #tpu.memory_space<vmem_shared>> -> memref<14096x32xf32, #tpu.memory_space<vmem_shared>>
        tpu.wait_indirect_dma semaphore(%arg26 : memref<!tpu.dma_semaphore, #tpu.memory_space<semaphore_mem>>) src(%dma_wait3A_415 : memref<128x32xf32, #tpu.memory_space<vmem>>) dst(%dma_wait3A_421 : memref<14096x32xf32, #tpu.memory_space<vmem_shared>>)
      } else {
      }
      %add3A_252 = arith.constant 4 : i32
      %add3A_253 = arith.addi %add3A_224, %add3A_252 : i32
      %lt3A_254 = arith.constant 40 : i32
      %lt3A_255 = arith.cmpi slt, %add3A_253, %lt3A_254 : i32
      %convert_element_type3A_256 = arith.extui %lt3A_255 : i1 to i32
      %cond3A_257 = arith.constant 0 : i32
      %cond3A_258 = arith.cmpi ne, %convert_element_type3A_256, %cond3A_257 : i32
      scf.if %cond3A_258 {
        %add3A_411 = arith.constant 4 : i32
        %add3A_412 = arith.addi %add3A_224, %add3A_411 : i32
        %dma_start3A_413 = arith.constant 7 : i32
        %dma_start3A_414 = arith.constant 0 : i32
        %dma_start3A_415 = arith.constant 0 : i32
        %dma_start3A_416 = tpu.memref_slice %arg9[%dma_start3A_413, %dma_start3A_414, %dma_start3A_415] : memref<8x128x32xf32, #tpu.memory_space<vmem>> -> memref<1x128x32xf32, #tpu.memory_space<vmem>>
        %dma_start3A_417 = tpu.memref_squeeze %dma_start3A_416 : memref<1x128x32xf32, #tpu.memory_space<vmem>> -> memref<128x32xf32, #tpu.memory_space<vmem>>
        %dma_start3A_418 = arith.constant 0 : i32
        %dma_start3A_419 = tpu.memref_slice %arg7[%add3A_412, %dma_start3A_418] : memref<40x128xi32, #tpu.memory_space<vmem>> -> memref<1x128xi32, #tpu.memory_space<vmem>>
        %dma_start3A_420 = tpu.memref_squeeze %dma_start3A_419 : memref<1x128xi32, #tpu.memory_space<vmem>> -> memref<128xi32, #tpu.memory_space<vmem>>
        %dma_start3A_421 = arith.constant 0 : i32
        %dma_start3A_422 = arith.constant 0 : i32
        %dma_start3A_423 = tpu.memref_slice %arg4[%dma_start3A_421, %dma_start3A_422] : memref<10000x32xf32, #tpu.memory_space<hbm>> -> memref<10000x32xf32, #tpu.memory_space<hbm>>
        tpu.enqueue_indirect_dma source(%dma_start3A_423 : memref<10000x32xf32, #tpu.memory_space<hbm>>) target(%dma_start3A_417 : memref<128x32xf32, #tpu.memory_space<vmem>>) offsets(%dma_start3A_420 : memref<128xi32, #tpu.memory_space<vmem>>) semaphore(%arg18 : memref<!tpu.dma_semaphore, #tpu.memory_space<semaphore_mem>>)
      } else {
      }
      %mul3A_259 = arith.constant 8 : i32
      %mul3A_260 = arith.muli %scan3A_110, %mul3A_259 : i32
      %add3A_261 = arith.constant 4 : i32
      %add3A_262 = arith.addi %mul3A_260, %add3A_261 : i32
      %dma_wait3A_263 = arith.constant 4 : i32
      %dma_wait3A_264 = arith.constant 0 : i32
      %dma_wait3A_265 = arith.constant 0 : i32
      %dma_wait3A_266 = tpu.memref_slice %arg9[%dma_wait3A_263, %dma_wait3A_264, %dma_wait3A_265] : memref<8x128x32xf32, #tpu.memory_space<vmem>> -> memref<1x128x32xf32, #tpu.memory_space<vmem>>
      %dma_wait3A_267 = tpu.memref_squeeze %dma_wait3A_266 : memref<1x128x32xf32, #tpu.memory_space<vmem>> -> memref<128x32xf32, #tpu.memory_space<vmem>>
      %dma_wait3A_268 = arith.constant 0 : i32
      %dma_wait3A_269 = tpu.memref_slice %arg7[%add3A_262, %dma_wait3A_268] : memref<40x128xi32, #tpu.memory_space<vmem>> -> memref<1x128xi32, #tpu.memory_space<vmem>>
      %dma_wait3A_270 = tpu.memref_squeeze %dma_wait3A_269 : memref<1x128xi32, #tpu.memory_space<vmem>> -> memref<128xi32, #tpu.memory_space<vmem>>
      %dma_wait3A_271 = arith.constant 0 : i32
      %dma_wait3A_272 = arith.constant 0 : i32
      %dma_wait3A_273 = tpu.memref_slice %arg4[%dma_wait3A_271, %dma_wait3A_272] : memref<10000x32xf32, #tpu.memory_space<hbm>> -> memref<10000x32xf32, #tpu.memory_space<hbm>>
      tpu.wait_indirect_dma semaphore(%arg15 : memref<!tpu.dma_semaphore, #tpu.memory_space<semaphore_mem>>) src(%dma_wait3A_273 : memref<10000x32xf32, #tpu.memory_space<hbm>>) dst(%dma_wait3A_267 : memref<128x32xf32, #tpu.memory_space<vmem>>)
      %dma_start3A_274 = arith.constant 4 : i32
      %dma_start3A_275 = arith.constant 0 : i32
      %dma_start3A_276 = arith.constant 0 : i32
      %dma_start3A_277 = tpu.memref_slice %arg9[%dma_start3A_274, %dma_start3A_275, %dma_start3A_276] : memref<8x128x32xf32, #tpu.memory_space<vmem>> -> memref<1x128x32xf32, #tpu.memory_space<vmem>>
      %dma_start3A_278 = tpu.memref_squeeze %dma_start3A_277 : memref<1x128x32xf32, #tpu.memory_space<vmem>> -> memref<128x32xf32, #tpu.memory_space<vmem>>
      %dma_start3A_279 = arith.constant 0 : i32
      %dma_start3A_280 = tpu.memref_slice %arg8[%add3A_262, %dma_start3A_279] : memref<40x128xi32, #tpu.memory_space<vmem>> -> memref<1x128xi32, #tpu.memory_space<vmem>>
      %dma_start3A_281 = tpu.memref_squeeze %dma_start3A_280 : memref<1x128xi32, #tpu.memory_space<vmem>> -> memref<128xi32, #tpu.memory_space<vmem>>
      %dma_start3A_282 = arith.constant 0 : i32
      %dma_start3A_283 = arith.constant 0 : i32
      %dma_start3A_284 = tpu.memref_slice %arg10[%dma_start3A_282, %dma_start3A_283] : memref<14096x32xf32, #tpu.memory_space<vmem_shared>> -> memref<14096x32xf32, #tpu.memory_space<vmem_shared>>
      tpu.enqueue_indirect_dma source(%dma_start3A_278 : memref<128x32xf32, #tpu.memory_space<vmem>>) target(%dma_start3A_284 : memref<14096x32xf32, #tpu.memory_space<vmem_shared>>) offsets(%dma_start3A_281 : memref<128xi32, #tpu.memory_space<vmem>>) semaphore(%arg23 : memref<!tpu.dma_semaphore, #tpu.memory_space<semaphore_mem>>) {add = true}
      %ge3A_285 = arith.constant 4 : i32
      %ge3A_286 = arith.cmpi sge, %add3A_262, %ge3A_285 : i32
      %convert_element_type3A_287 = arith.extui %ge3A_286 : i1 to i32
      %cond3A_288 = arith.constant 0 : i32
      %cond3A_289 = arith.cmpi ne, %convert_element_type3A_287, %cond3A_288 : i32
      scf.if %cond3A_289 {
        %dma_wait3A_411 = arith.constant 0 : i32
        %dma_wait3A_412 = arith.constant 0 : i32
        %dma_wait3A_413 = arith.constant 0 : i32
        %dma_wait3A_414 = tpu.memref_slice %arg9[%dma_wait3A_411, %dma_wait3A_412, %dma_wait3A_413] : memref<8x128x32xf32, #tpu.memory_space<vmem>> -> memref<1x128x32xf32, #tpu.memory_space<vmem>>
        %dma_wait3A_415 = tpu.memref_squeeze %dma_wait3A_414 : memref<1x128x32xf32, #tpu.memory_space<vmem>> -> memref<128x32xf32, #tpu.memory_space<vmem>>
        %dma_wait3A_416 = arith.constant 0 : i32
        %dma_wait3A_417 = tpu.memref_slice %arg8[%add3A_262, %dma_wait3A_416] : memref<40x128xi32, #tpu.memory_space<vmem>> -> memref<1x128xi32, #tpu.memory_space<vmem>>
        %dma_wait3A_418 = tpu.memref_squeeze %dma_wait3A_417 : memref<1x128xi32, #tpu.memory_space<vmem>> -> memref<128xi32, #tpu.memory_space<vmem>>
        %dma_wait3A_419 = arith.constant 0 : i32
        %dma_wait3A_420 = arith.constant 0 : i32
        %dma_wait3A_421 = tpu.memref_slice %arg10[%dma_wait3A_419, %dma_wait3A_420] : memref<14096x32xf32, #tpu.memory_space<vmem_shared>> -> memref<14096x32xf32, #tpu.memory_space<vmem_shared>>
        tpu.wait_indirect_dma semaphore(%arg19 : memref<!tpu.dma_semaphore, #tpu.memory_space<semaphore_mem>>) src(%dma_wait3A_415 : memref<128x32xf32, #tpu.memory_space<vmem>>) dst(%dma_wait3A_421 : memref<14096x32xf32, #tpu.memory_space<vmem_shared>>)
      } else {
      }
      %add3A_290 = arith.constant 4 : i32
      %add3A_291 = arith.addi %add3A_262, %add3A_290 : i32
      %lt3A_292 = arith.constant 40 : i32
      %lt3A_293 = arith.cmpi slt, %add3A_291, %lt3A_292 : i32
      %convert_element_type3A_294 = arith.extui %lt3A_293 : i1 to i32
      %cond3A_295 = arith.constant 0 : i32
      %cond3A_296 = arith.cmpi ne, %convert_element_type3A_294, %cond3A_295 : i32
      scf.if %cond3A_296 {
        %add3A_411 = arith.constant 4 : i32
        %add3A_412 = arith.addi %add3A_262, %add3A_411 : i32
        %dma_start3A_413 = arith.constant 0 : i32
        %dma_start3A_414 = arith.constant 0 : i32
        %dma_start3A_415 = arith.constant 0 : i32
        %dma_start3A_416 = tpu.memref_slice %arg9[%dma_start3A_413, %dma_start3A_414, %dma_start3A_415] : memref<8x128x32xf32, #tpu.memory_space<vmem>> -> memref<1x128x32xf32, #tpu.memory_space<vmem>>
        %dma_start3A_417 = tpu.memref_squeeze %dma_start3A_416 : memref<1x128x32xf32, #tpu.memory_space<vmem>> -> memref<128x32xf32, #tpu.memory_space<vmem>>
        %dma_start3A_418 = arith.constant 0 : i32
        %dma_start3A_419 = tpu.memref_slice %arg7[%add3A_412, %dma_start3A_418] : memref<40x128xi32, #tpu.memory_space<vmem>> -> memref<1x128xi32, #tpu.memory_space<vmem>>
        %dma_start3A_420 = tpu.memref_squeeze %dma_start3A_419 : memref<1x128xi32, #tpu.memory_space<vmem>> -> memref<128xi32, #tpu.memory_space<vmem>>
        %dma_start3A_421 = arith.constant 0 : i32
        %dma_start3A_422 = arith.constant 0 : i32
        %dma_start3A_423 = tpu.memref_slice %arg4[%dma_start3A_421, %dma_start3A_422] : memref<10000x32xf32, #tpu.memory_space<hbm>> -> memref<10000x32xf32, #tpu.memory_space<hbm>>
        tpu.enqueue_indirect_dma source(%dma_start3A_423 : memref<10000x32xf32, #tpu.memory_space<hbm>>) target(%dma_start3A_417 : memref<128x32xf32, #tpu.memory_space<vmem>>) offsets(%dma_start3A_420 : memref<128xi32, #tpu.memory_space<vmem>>) semaphore(%arg11 : memref<!tpu.dma_semaphore, #tpu.memory_space<semaphore_mem>>)
      } else {
      }
      %mul3A_297 = arith.constant 8 : i32
      %mul3A_298 = arith.muli %scan3A_110, %mul3A_297 : i32
      %add3A_299 = arith.constant 5 : i32
      %add3A_300 = arith.addi %mul3A_298, %add3A_299 : i32
      %dma_wait3A_301 = arith.constant 5 : i32
      %dma_wait3A_302 = arith.constant 0 : i32
      %dma_wait3A_303 = arith.constant 0 : i32
      %dma_wait3A_304 = tpu.memref_slice %arg9[%dma_wait3A_301, %dma_wait3A_302, %dma_wait3A_303] : memref<8x128x32xf32, #tpu.memory_space<vmem>> -> memref<1x128x32xf32, #tpu.memory_space<vmem>>
      %dma_wait3A_305 = tpu.memref_squeeze %dma_wait3A_304 : memref<1x128x32xf32, #tpu.memory_space<vmem>> -> memref<128x32xf32, #tpu.memory_space<vmem>>
      %dma_wait3A_306 = arith.constant 0 : i32
      %dma_wait3A_307 = tpu.memref_slice %arg7[%add3A_300, %dma_wait3A_306] : memref<40x128xi32, #tpu.memory_space<vmem>> -> memref<1x128xi32, #tpu.memory_space<vmem>>
      %dma_wait3A_308 = tpu.memref_squeeze %dma_wait3A_307 : memref<1x128xi32, #tpu.memory_space<vmem>> -> memref<128xi32, #tpu.memory_space<vmem>>
      %dma_wait3A_309 = arith.constant 0 : i32
      %dma_wait3A_310 = arith.constant 0 : i32
      %dma_wait3A_311 = tpu.memref_slice %arg4[%dma_wait3A_309, %dma_wait3A_310] : memref<10000x32xf32, #tpu.memory_space<hbm>> -> memref<10000x32xf32, #tpu.memory_space<hbm>>
      tpu.wait_indirect_dma semaphore(%arg16 : memref<!tpu.dma_semaphore, #tpu.memory_space<semaphore_mem>>) src(%dma_wait3A_311 : memref<10000x32xf32, #tpu.memory_space<hbm>>) dst(%dma_wait3A_305 : memref<128x32xf32, #tpu.memory_space<vmem>>)
      %dma_start3A_312 = arith.constant 5 : i32
      %dma_start3A_313 = arith.constant 0 : i32
      %dma_start3A_314 = arith.constant 0 : i32
      %dma_start3A_315 = tpu.memref_slice %arg9[%dma_start3A_312, %dma_start3A_313, %dma_start3A_314] : memref<8x128x32xf32, #tpu.memory_space<vmem>> -> memref<1x128x32xf32, #tpu.memory_space<vmem>>
      %dma_start3A_316 = tpu.memref_squeeze %dma_start3A_315 : memref<1x128x32xf32, #tpu.memory_space<vmem>> -> memref<128x32xf32, #tpu.memory_space<vmem>>
      %dma_start3A_317 = arith.constant 0 : i32
      %dma_start3A_318 = tpu.memref_slice %arg8[%add3A_300, %dma_start3A_317] : memref<40x128xi32, #tpu.memory_space<vmem>> -> memref<1x128xi32, #tpu.memory_space<vmem>>
      %dma_start3A_319 = tpu.memref_squeeze %dma_start3A_318 : memref<1x128xi32, #tpu.memory_space<vmem>> -> memref<128xi32, #tpu.memory_space<vmem>>
      %dma_start3A_320 = arith.constant 0 : i32
      %dma_start3A_321 = arith.constant 0 : i32
      %dma_start3A_322 = tpu.memref_slice %arg10[%dma_start3A_320, %dma_start3A_321] : memref<14096x32xf32, #tpu.memory_space<vmem_shared>> -> memref<14096x32xf32, #tpu.memory_space<vmem_shared>>
      tpu.enqueue_indirect_dma source(%dma_start3A_316 : memref<128x32xf32, #tpu.memory_space<vmem>>) target(%dma_start3A_322 : memref<14096x32xf32, #tpu.memory_space<vmem_shared>>) offsets(%dma_start3A_319 : memref<128xi32, #tpu.memory_space<vmem>>) semaphore(%arg24 : memref<!tpu.dma_semaphore, #tpu.memory_space<semaphore_mem>>) {add = true}
      %ge3A_323 = arith.constant 4 : i32
      %ge3A_324 = arith.cmpi sge, %add3A_300, %ge3A_323 : i32
      %convert_element_type3A_325 = arith.extui %ge3A_324 : i1 to i32
      %cond3A_326 = arith.constant 0 : i32
      %cond3A_327 = arith.cmpi ne, %convert_element_type3A_325, %cond3A_326 : i32
      scf.if %cond3A_327 {
        %dma_wait3A_411 = arith.constant 1 : i32
        %dma_wait3A_412 = arith.constant 0 : i32
        %dma_wait3A_413 = arith.constant 0 : i32
        %dma_wait3A_414 = tpu.memref_slice %arg9[%dma_wait3A_411, %dma_wait3A_412, %dma_wait3A_413] : memref<8x128x32xf32, #tpu.memory_space<vmem>> -> memref<1x128x32xf32, #tpu.memory_space<vmem>>
        %dma_wait3A_415 = tpu.memref_squeeze %dma_wait3A_414 : memref<1x128x32xf32, #tpu.memory_space<vmem>> -> memref<128x32xf32, #tpu.memory_space<vmem>>
        %dma_wait3A_416 = arith.constant 0 : i32
        %dma_wait3A_417 = tpu.memref_slice %arg8[%add3A_300, %dma_wait3A_416] : memref<40x128xi32, #tpu.memory_space<vmem>> -> memref<1x128xi32, #tpu.memory_space<vmem>>
        %dma_wait3A_418 = tpu.memref_squeeze %dma_wait3A_417 : memref<1x128xi32, #tpu.memory_space<vmem>> -> memref<128xi32, #tpu.memory_space<vmem>>
        %dma_wait3A_419 = arith.constant 0 : i32
        %dma_wait3A_420 = arith.constant 0 : i32
        %dma_wait3A_421 = tpu.memref_slice %arg10[%dma_wait3A_419, %dma_wait3A_420] : memref<14096x32xf32, #tpu.memory_space<vmem_shared>> -> memref<14096x32xf32, #tpu.memory_space<vmem_shared>>
        tpu.wait_indirect_dma semaphore(%arg20 : memref<!tpu.dma_semaphore, #tpu.memory_space<semaphore_mem>>) src(%dma_wait3A_415 : memref<128x32xf32, #tpu.memory_space<vmem>>) dst(%dma_wait3A_421 : memref<14096x32xf32, #tpu.memory_space<vmem_shared>>)
      } else {
      }
      %add3A_328 = arith.constant 4 : i32
      %add3A_329 = arith.addi %add3A_300, %add3A_328 : i32
      %lt3A_330 = arith.constant 40 : i32
      %lt3A_331 = arith.cmpi slt, %add3A_329, %lt3A_330 : i32
      %convert_element_type3A_332 = arith.extui %lt3A_331 : i1 to i32
      %cond3A_333 = arith.constant 0 : i32
      %cond3A_334 = arith.cmpi ne, %convert_element_type3A_332, %cond3A_333 : i32
      scf.if %cond3A_334 {
        %add3A_411 = arith.constant 4 : i32
        %add3A_412 = arith.addi %add3A_300, %add3A_411 : i32
        %dma_start3A_413 = arith.constant 1 : i32
        %dma_start3A_414 = arith.constant 0 : i32
        %dma_start3A_415 = arith.constant 0 : i32
        %dma_start3A_416 = tpu.memref_slice %arg9[%dma_start3A_413, %dma_start3A_414, %dma_start3A_415] : memref<8x128x32xf32, #tpu.memory_space<vmem>> -> memref<1x128x32xf32, #tpu.memory_space<vmem>>
        %dma_start3A_417 = tpu.memref_squeeze %dma_start3A_416 : memref<1x128x32xf32, #tpu.memory_space<vmem>> -> memref<128x32xf32, #tpu.memory_space<vmem>>
        %dma_start3A_418 = arith.constant 0 : i32
        %dma_start3A_419 = tpu.memref_slice %arg7[%add3A_412, %dma_start3A_418] : memref<40x128xi32, #tpu.memory_space<vmem>> -> memref<1x128xi32, #tpu.memory_space<vmem>>
        %dma_start3A_420 = tpu.memref_squeeze %dma_start3A_419 : memref<1x128xi32, #tpu.memory_space<vmem>> -> memref<128xi32, #tpu.memory_space<vmem>>
        %dma_start3A_421 = arith.constant 0 : i32
        %dma_start3A_422 = arith.constant 0 : i32
        %dma_start3A_423 = tpu.memref_slice %arg4[%dma_start3A_421, %dma_start3A_422] : memref<10000x32xf32, #tpu.memory_space<hbm>> -> memref<10000x32xf32, #tpu.memory_space<hbm>>
        tpu.enqueue_indirect_dma source(%dma_start3A_423 : memref<10000x32xf32, #tpu.memory_space<hbm>>) target(%dma_start3A_417 : memref<128x32xf32, #tpu.memory_space<vmem>>) offsets(%dma_start3A_420 : memref<128xi32, #tpu.memory_space<vmem>>) semaphore(%arg12 : memref<!tpu.dma_semaphore, #tpu.memory_space<semaphore_mem>>)
      } else {
      }
      %mul3A_335 = arith.constant 8 : i32
      %mul3A_336 = arith.muli %scan3A_110, %mul3A_335 : i32
      %add3A_337 = arith.constant 6 : i32
      %add3A_338 = arith.addi %mul3A_336, %add3A_337 : i32
      %dma_wait3A_339 = arith.constant 6 : i32
      %dma_wait3A_340 = arith.constant 0 : i32
      %dma_wait3A_341 = arith.constant 0 : i32
      %dma_wait3A_342 = tpu.memref_slice %arg9[%dma_wait3A_339, %dma_wait3A_340, %dma_wait3A_341] : memref<8x128x32xf32, #tpu.memory_space<vmem>> -> memref<1x128x32xf32, #tpu.memory_space<vmem>>
      %dma_wait3A_343 = tpu.memref_squeeze %dma_wait3A_342 : memref<1x128x32xf32, #tpu.memory_space<vmem>> -> memref<128x32xf32, #tpu.memory_space<vmem>>
      %dma_wait3A_344 = arith.constant 0 : i32
      %dma_wait3A_345 = tpu.memref_slice %arg7[%add3A_338, %dma_wait3A_344] : memref<40x128xi32, #tpu.memory_space<vmem>> -> memref<1x128xi32, #tpu.memory_space<vmem>>
      %dma_wait3A_346 = tpu.memref_squeeze %dma_wait3A_345 : memref<1x128xi32, #tpu.memory_space<vmem>> -> memref<128xi32, #tpu.memory_space<vmem>>
      %dma_wait3A_347 = arith.constant 0 : i32
      %dma_wait3A_348 = arith.constant 0 : i32
      %dma_wait3A_349 = tpu.memref_slice %arg4[%dma_wait3A_347, %dma_wait3A_348] : memref<10000x32xf32, #tpu.memory_space<hbm>> -> memref<10000x32xf32, #tpu.memory_space<hbm>>
      tpu.wait_indirect_dma semaphore(%arg17 : memref<!tpu.dma_semaphore, #tpu.memory_space<semaphore_mem>>) src(%dma_wait3A_349 : memref<10000x32xf32, #tpu.memory_space<hbm>>) dst(%dma_wait3A_343 : memref<128x32xf32, #tpu.memory_space<vmem>>)
      %dma_start3A_350 = arith.constant 6 : i32
      %dma_start3A_351 = arith.constant 0 : i32
      %dma_start3A_352 = arith.constant 0 : i32
      %dma_start3A_353 = tpu.memref_slice %arg9[%dma_start3A_350, %dma_start3A_351, %dma_start3A_352] : memref<8x128x32xf32, #tpu.memory_space<vmem>> -> memref<1x128x32xf32, #tpu.memory_space<vmem>>
      %dma_start3A_354 = tpu.memref_squeeze %dma_start3A_353 : memref<1x128x32xf32, #tpu.memory_space<vmem>> -> memref<128x32xf32, #tpu.memory_space<vmem>>
      %dma_start3A_355 = arith.constant 0 : i32
      %dma_start3A_356 = tpu.memref_slice %arg8[%add3A_338, %dma_start3A_355] : memref<40x128xi32, #tpu.memory_space<vmem>> -> memref<1x128xi32, #tpu.memory_space<vmem>>
      %dma_start3A_357 = tpu.memref_squeeze %dma_start3A_356 : memref<1x128xi32, #tpu.memory_space<vmem>> -> memref<128xi32, #tpu.memory_space<vmem>>
      %dma_start3A_358 = arith.constant 0 : i32
      %dma_start3A_359 = arith.constant 0 : i32
      %dma_start3A_360 = tpu.memref_slice %arg10[%dma_start3A_358, %dma_start3A_359] : memref<14096x32xf32, #tpu.memory_space<vmem_shared>> -> memref<14096x32xf32, #tpu.memory_space<vmem_shared>>
      tpu.enqueue_indirect_dma source(%dma_start3A_354 : memref<128x32xf32, #tpu.memory_space<vmem>>) target(%dma_start3A_360 : memref<14096x32xf32, #tpu.memory_space<vmem_shared>>) offsets(%dma_start3A_357 : memref<128xi32, #tpu.memory_space<vmem>>) semaphore(%arg25 : memref<!tpu.dma_semaphore, #tpu.memory_space<semaphore_mem>>) {add = true}
      %ge3A_361 = arith.constant 4 : i32
      %ge3A_362 = arith.cmpi sge, %add3A_338, %ge3A_361 : i32
      %convert_element_type3A_363 = arith.extui %ge3A_362 : i1 to i32
      %cond3A_364 = arith.constant 0 : i32
      %cond3A_365 = arith.cmpi ne, %convert_element_type3A_363, %cond3A_364 : i32
      scf.if %cond3A_365 {
        %dma_wait3A_411 = arith.constant 2 : i32
        %dma_wait3A_412 = arith.constant 0 : i32
        %dma_wait3A_413 = arith.constant 0 : i32
        %dma_wait3A_414 = tpu.memref_slice %arg9[%dma_wait3A_411, %dma_wait3A_412, %dma_wait3A_413] : memref<8x128x32xf32, #tpu.memory_space<vmem>> -> memref<1x128x32xf32, #tpu.memory_space<vmem>>
        %dma_wait3A_415 = tpu.memref_squeeze %dma_wait3A_414 : memref<1x128x32xf32, #tpu.memory_space<vmem>> -> memref<128x32xf32, #tpu.memory_space<vmem>>
        %dma_wait3A_416 = arith.constant 0 : i32
        %dma_wait3A_417 = tpu.memref_slice %arg8[%add3A_338, %dma_wait3A_416] : memref<40x128xi32, #tpu.memory_space<vmem>> -> memref<1x128xi32, #tpu.memory_space<vmem>>
        %dma_wait3A_418 = tpu.memref_squeeze %dma_wait3A_417 : memref<1x128xi32, #tpu.memory_space<vmem>> -> memref<128xi32, #tpu.memory_space<vmem>>
        %dma_wait3A_419 = arith.constant 0 : i32
        %dma_wait3A_420 = arith.constant 0 : i32
        %dma_wait3A_421 = tpu.memref_slice %arg10[%dma_wait3A_419, %dma_wait3A_420] : memref<14096x32xf32, #tpu.memory_space<vmem_shared>> -> memref<14096x32xf32, #tpu.memory_space<vmem_shared>>
        tpu.wait_indirect_dma semaphore(%arg21 : memref<!tpu.dma_semaphore, #tpu.memory_space<semaphore_mem>>) src(%dma_wait3A_415 : memref<128x32xf32, #tpu.memory_space<vmem>>) dst(%dma_wait3A_421 : memref<14096x32xf32, #tpu.memory_space<vmem_shared>>)
      } else {
      }
      %add3A_366 = arith.constant 4 : i32
      %add3A_367 = arith.addi %add3A_338, %add3A_366 : i32
      %lt3A_368 = arith.constant 40 : i32
      %lt3A_369 = arith.cmpi slt, %add3A_367, %lt3A_368 : i32
      %convert_element_type3A_370 = arith.extui %lt3A_369 : i1 to i32
      %cond3A_371 = arith.constant 0 : i32
      %cond3A_372 = arith.cmpi ne, %convert_element_type3A_370, %cond3A_371 : i32
      scf.if %cond3A_372 {
        %add3A_411 = arith.constant 4 : i32
        %add3A_412 = arith.addi %add3A_338, %add3A_411 : i32
        %dma_start3A_413 = arith.constant 2 : i32
        %dma_start3A_414 = arith.constant 0 : i32
        %dma_start3A_415 = arith.constant 0 : i32
        %dma_start3A_416 = tpu.memref_slice %arg9[%dma_start3A_413, %dma_start3A_414, %dma_start3A_415] : memref<8x128x32xf32, #tpu.memory_space<vmem>> -> memref<1x128x32xf32, #tpu.memory_space<vmem>>
        %dma_start3A_417 = tpu.memref_squeeze %dma_start3A_416 : memref<1x128x32xf32, #tpu.memory_space<vmem>> -> memref<128x32xf32, #tpu.memory_space<vmem>>
        %dma_start3A_418 = arith.constant 0 : i32
        %dma_start3A_419 = tpu.memref_slice %arg7[%add3A_412, %dma_start3A_418] : memref<40x128xi32, #tpu.memory_space<vmem>> -> memref<1x128xi32, #tpu.memory_space<vmem>>
        %dma_start3A_420 = tpu.memref_squeeze %dma_start3A_419 : memref<1x128xi32, #tpu.memory_space<vmem>> -> memref<128xi32, #tpu.memory_space<vmem>>
        %dma_start3A_421 = arith.constant 0 : i32
        %dma_start3A_422 = arith.constant 0 : i32
        %dma_start3A_423 = tpu.memref_slice %arg4[%dma_start3A_421, %dma_start3A_422] : memref<10000x32xf32, #tpu.memory_space<hbm>> -> memref<10000x32xf32, #tpu.memory_space<hbm>>
        tpu.enqueue_indirect_dma source(%dma_start3A_423 : memref<10000x32xf32, #tpu.memory_space<hbm>>) target(%dma_start3A_417 : memref<128x32xf32, #tpu.memory_space<vmem>>) offsets(%dma_start3A_420 : memref<128xi32, #tpu.memory_space<vmem>>) semaphore(%arg13 : memref<!tpu.dma_semaphore, #tpu.memory_space<semaphore_mem>>)
      } else {
      }
      %mul3A_373 = arith.constant 8 : i32
      %mul3A_374 = arith.muli %scan3A_110, %mul3A_373 : i32
      %add3A_375 = arith.constant 7 : i32
      %add3A_376 = arith.addi %mul3A_374, %add3A_375 : i32
      %dma_wait3A_377 = arith.constant 7 : i32
      %dma_wait3A_378 = arith.constant 0 : i32
      %dma_wait3A_379 = arith.constant 0 : i32
      %dma_wait3A_380 = tpu.memref_slice %arg9[%dma_wait3A_377, %dma_wait3A_378, %dma_wait3A_379] : memref<8x128x32xf32, #tpu.memory_space<vmem>> -> memref<1x128x32xf32, #tpu.memory_space<vmem>>
      %dma_wait3A_381 = tpu.memref_squeeze %dma_wait3A_380 : memref<1x128x32xf32, #tpu.memory_space<vmem>> -> memref<128x32xf32, #tpu.memory_space<vmem>>
      %dma_wait3A_382 = arith.constant 0 : i32
      %dma_wait3A_383 = tpu.memref_slice %arg7[%add3A_376, %dma_wait3A_382] : memref<40x128xi32, #tpu.memory_space<vmem>> -> memref<1x128xi32, #tpu.memory_space<vmem>>
      %dma_wait3A_384 = tpu.memref_squeeze %dma_wait3A_383 : memref<1x128xi32, #tpu.memory_space<vmem>> -> memref<128xi32, #tpu.memory_space<vmem>>
      %dma_wait3A_385 = arith.constant 0 : i32
      %dma_wait3A_386 = arith.constant 0 : i32
      %dma_wait3A_387 = tpu.memref_slice %arg4[%dma_wait3A_385, %dma_wait3A_386] : memref<10000x32xf32, #tpu.memory_space<hbm>> -> memref<10000x32xf32, #tpu.memory_space<hbm>>
      tpu.wait_indirect_dma semaphore(%arg18 : memref<!tpu.dma_semaphore, #tpu.memory_space<semaphore_mem>>) src(%dma_wait3A_387 : memref<10000x32xf32, #tpu.memory_space<hbm>>) dst(%dma_wait3A_381 : memref<128x32xf32, #tpu.memory_space<vmem>>)
      %dma_start3A_388 = arith.constant 7 : i32
      %dma_start3A_389 = arith.constant 0 : i32
      %dma_start3A_390 = arith.constant 0 : i32
      %dma_start3A_391 = tpu.memref_slice %arg9[%dma_start3A_388, %dma_start3A_389, %dma_start3A_390] : memref<8x128x32xf32, #tpu.memory_space<vmem>> -> memref<1x128x32xf32, #tpu.memory_space<vmem>>
      %dma_start3A_392 = tpu.memref_squeeze %dma_start3A_391 : memref<1x128x32xf32, #tpu.memory_space<vmem>> -> memref<128x32xf32, #tpu.memory_space<vmem>>
      %dma_start3A_393 = arith.constant 0 : i32
      %dma_start3A_394 = tpu.memref_slice %arg8[%add3A_376, %dma_start3A_393] : memref<40x128xi32, #tpu.memory_space<vmem>> -> memref<1x128xi32, #tpu.memory_space<vmem>>
      %dma_start3A_395 = tpu.memref_squeeze %dma_start3A_394 : memref<1x128xi32, #tpu.memory_space<vmem>> -> memref<128xi32, #tpu.memory_space<vmem>>
      %dma_start3A_396 = arith.constant 0 : i32
      %dma_start3A_397 = arith.constant 0 : i32
      %dma_start3A_398 = tpu.memref_slice %arg10[%dma_start3A_396, %dma_start3A_397] : memref<14096x32xf32, #tpu.memory_space<vmem_shared>> -> memref<14096x32xf32, #tpu.memory_space<vmem_shared>>
      tpu.enqueue_indirect_dma source(%dma_start3A_392 : memref<128x32xf32, #tpu.memory_space<vmem>>) target(%dma_start3A_398 : memref<14096x32xf32, #tpu.memory_space<vmem_shared>>) offsets(%dma_start3A_395 : memref<128xi32, #tpu.memory_space<vmem>>) semaphore(%arg26 : memref<!tpu.dma_semaphore, #tpu.memory_space<semaphore_mem>>) {add = true}
      %ge3A_399 = arith.constant 4 : i32
      %ge3A_400 = arith.cmpi sge, %add3A_376, %ge3A_399 : i32
      %convert_element_type3A_401 = arith.extui %ge3A_400 : i1 to i32
      %cond3A_402 = arith.constant 0 : i32
      %cond3A_403 = arith.cmpi ne, %convert_element_type3A_401, %cond3A_402 : i32
      scf.if %cond3A_403 {
        %dma_wait3A_411 = arith.constant 3 : i32
        %dma_wait3A_412 = arith.constant 0 : i32
        %dma_wait3A_413 = arith.constant 0 : i32
        %dma_wait3A_414 = tpu.memref_slice %arg9[%dma_wait3A_411, %dma_wait3A_412, %dma_wait3A_413] : memref<8x128x32xf32, #tpu.memory_space<vmem>> -> memref<1x128x32xf32, #tpu.memory_space<vmem>>
        %dma_wait3A_415 = tpu.memref_squeeze %dma_wait3A_414 : memref<1x128x32xf32, #tpu.memory_space<vmem>> -> memref<128x32xf32, #tpu.memory_space<vmem>>
        %dma_wait3A_416 = arith.constant 0 : i32
        %dma_wait3A_417 = tpu.memref_slice %arg8[%add3A_376, %dma_wait3A_416] : memref<40x128xi32, #tpu.memory_space<vmem>> -> memref<1x128xi32, #tpu.memory_space<vmem>>
        %dma_wait3A_418 = tpu.memref_squeeze %dma_wait3A_417 : memref<1x128xi32, #tpu.memory_space<vmem>> -> memref<128xi32, #tpu.memory_space<vmem>>
        %dma_wait3A_419 = arith.constant 0 : i32
        %dma_wait3A_420 = arith.constant 0 : i32
        %dma_wait3A_421 = tpu.memref_slice %arg10[%dma_wait3A_419, %dma_wait3A_420] : memref<14096x32xf32, #tpu.memory_space<vmem_shared>> -> memref<14096x32xf32, #tpu.memory_space<vmem_shared>>
        tpu.wait_indirect_dma semaphore(%arg22 : memref<!tpu.dma_semaphore, #tpu.memory_space<semaphore_mem>>) src(%dma_wait3A_415 : memref<128x32xf32, #tpu.memory_space<vmem>>) dst(%dma_wait3A_421 : memref<14096x32xf32, #tpu.memory_space<vmem_shared>>)
      } else {
      }
      %add3A_404 = arith.constant 4 : i32
      %add3A_405 = arith.addi %add3A_376, %add3A_404 : i32
      %lt3A_406 = arith.constant 40 : i32
      %lt3A_407 = arith.cmpi slt, %add3A_405, %lt3A_406 : i32
      %convert_element_type3A_408 = arith.extui %lt3A_407 : i1 to i32
      %cond3A_409 = arith.constant 0 : i32
      %cond3A_410 = arith.cmpi ne, %convert_element_type3A_408, %cond3A_409 : i32
      scf.if %cond3A_410 {
        %add3A_411 = arith.constant 4 : i32
        %add3A_412 = arith.addi %add3A_376, %add3A_411 : i32
        %dma_start3A_413 = arith.constant 3 : i32
        %dma_start3A_414 = arith.constant 0 : i32
        %dma_start3A_415 = arith.constant 0 : i32
        %dma_start3A_416 = tpu.memref_slice %arg9[%dma_start3A_413, %dma_start3A_414, %dma_start3A_415] : memref<8x128x32xf32, #tpu.memory_space<vmem>> -> memref<1x128x32xf32, #tpu.memory_space<vmem>>
        %dma_start3A_417 = tpu.memref_squeeze %dma_start3A_416 : memref<1x128x32xf32, #tpu.memory_space<vmem>> -> memref<128x32xf32, #tpu.memory_space<vmem>>
        %dma_start3A_418 = arith.constant 0 : i32
        %dma_start3A_419 = tpu.memref_slice %arg7[%add3A_412, %dma_start3A_418] : memref<40x128xi32, #tpu.memory_space<vmem>> -> memref<1x128xi32, #tpu.memory_space<vmem>>
        %dma_start3A_420 = tpu.memref_squeeze %dma_start3A_419 : memref<1x128xi32, #tpu.memory_space<vmem>> -> memref<128xi32, #tpu.memory_space<vmem>>
        %dma_start3A_421 = arith.constant 0 : i32
        %dma_start3A_422 = arith.constant 0 : i32
        %dma_start3A_423 = tpu.memref_slice %arg4[%dma_start3A_421, %dma_start3A_422] : memref<10000x32xf32, #tpu.memory_space<hbm>> -> memref<10000x32xf32, #tpu.memory_space<hbm>>
        tpu.enqueue_indirect_dma source(%dma_start3A_423 : memref<10000x32xf32, #tpu.memory_space<hbm>>) target(%dma_start3A_417 : memref<128x32xf32, #tpu.memory_space<vmem>>) offsets(%dma_start3A_420 : memref<128xi32, #tpu.memory_space<vmem>>) semaphore(%arg14 : memref<!tpu.dma_semaphore, #tpu.memory_space<semaphore_mem>>)
      } else {
      }
    }
    %scan3A_58 = arith.constant 5 : i32
    %dma_wait3A = arith.constant 4 : i32
    %dma_wait3A_59 = arith.constant 0 : i32
    %dma_wait3A_60 = arith.constant 0 : i32
    %dma_wait3A_61 = arith.constant 0 : i32
    %dma_wait3A_62 = tpu.memref_slice %arg9[%dma_wait3A, %dma_wait3A_60, %dma_wait3A_61] : memref<8x128x32xf32, #tpu.memory_space<vmem>> -> memref<1x128x32xf32, #tpu.memory_space<vmem>>
    %dma_wait3A_63 = tpu.memref_squeeze %dma_wait3A_62 : memref<1x128x32xf32, #tpu.memory_space<vmem>> -> memref<128x32xf32, #tpu.memory_space<vmem>>
    %dma_wait3A_64 = arith.constant 0 : i32
    %dma_wait3A_65 = tpu.memref_slice %arg8[%dma_wait3A_59, %dma_wait3A_64] : memref<40x128xi32, #tpu.memory_space<vmem>> -> memref<1x128xi32, #tpu.memory_space<vmem>>
    %dma_wait3A_66 = tpu.memref_squeeze %dma_wait3A_65 : memref<1x128xi32, #tpu.memory_space<vmem>> -> memref<128xi32, #tpu.memory_space<vmem>>
    %dma_wait3A_67 = arith.constant 0 : i32
    %dma_wait3A_68 = arith.constant 0 : i32
    %dma_wait3A_69 = tpu.memref_slice %arg10[%dma_wait3A_67, %dma_wait3A_68] : memref<14096x32xf32, #tpu.memory_space<vmem_shared>> -> memref<14096x32xf32, #tpu.memory_space<vmem_shared>>
    tpu.wait_indirect_dma semaphore(%arg23 : memref<!tpu.dma_semaphore, #tpu.memory_space<semaphore_mem>>) src(%dma_wait3A_63 : memref<128x32xf32, #tpu.memory_space<vmem>>) dst(%dma_wait3A_69 : memref<14096x32xf32, #tpu.memory_space<vmem_shared>>)
    %dma_wait3A_70 = arith.constant 5 : i32
    %dma_wait3A_71 = arith.constant 0 : i32
    %dma_wait3A_72 = arith.constant 0 : i32
    %dma_wait3A_73 = arith.constant 0 : i32
    %dma_wait3A_74 = tpu.memref_slice %arg9[%dma_wait3A_70, %dma_wait3A_72, %dma_wait3A_73] : memref<8x128x32xf32, #tpu.memory_space<vmem>> -> memref<1x128x32xf32, #tpu.memory_space<vmem>>
    %dma_wait3A_75 = tpu.memref_squeeze %dma_wait3A_74 : memref<1x128x32xf32, #tpu.memory_space<vmem>> -> memref<128x32xf32, #tpu.memory_space<vmem>>
    %dma_wait3A_76 = arith.constant 0 : i32
    %dma_wait3A_77 = tpu.memref_slice %arg8[%dma_wait3A_71, %dma_wait3A_76] : memref<40x128xi32, #tpu.memory_space<vmem>> -> memref<1x128xi32, #tpu.memory_space<vmem>>
    %dma_wait3A_78 = tpu.memref_squeeze %dma_wait3A_77 : memref<1x128xi32, #tpu.memory_space<vmem>> -> memref<128xi32, #tpu.memory_space<vmem>>
    %dma_wait3A_79 = arith.constant 0 : i32
    %dma_wait3A_80 = arith.constant 0 : i32
    %dma_wait3A_81 = tpu.memref_slice %arg10[%dma_wait3A_79, %dma_wait3A_80] : memref<14096x32xf32, #tpu.memory_space<vmem_shared>> -> memref<14096x32xf32, #tpu.memory_space<vmem_shared>>
    tpu.wait_indirect_dma semaphore(%arg24 : memref<!tpu.dma_semaphore, #tpu.memory_space<semaphore_mem>>) src(%dma_wait3A_75 : memref<128x32xf32, #tpu.memory_space<vmem>>) dst(%dma_wait3A_81 : memref<14096x32xf32, #tpu.memory_space<vmem_shared>>)
    %dma_wait3A_82 = arith.constant 6 : i32
    %dma_wait3A_83 = arith.constant 0 : i32
    %dma_wait3A_84 = arith.constant 0 : i32
    %dma_wait3A_85 = arith.constant 0 : i32
    %dma_wait3A_86 = tpu.memref_slice %arg9[%dma_wait3A_82, %dma_wait3A_84, %dma_wait3A_85] : memref<8x128x32xf32, #tpu.memory_space<vmem>> -> memref<1x128x32xf32, #tpu.memory_space<vmem>>
    %dma_wait3A_87 = tpu.memref_squeeze %dma_wait3A_86 : memref<1x128x32xf32, #tpu.memory_space<vmem>> -> memref<128x32xf32, #tpu.memory_space<vmem>>
    %dma_wait3A_88 = arith.constant 0 : i32
    %dma_wait3A_89 = tpu.memref_slice %arg8[%dma_wait3A_83, %dma_wait3A_88] : memref<40x128xi32, #tpu.memory_space<vmem>> -> memref<1x128xi32, #tpu.memory_space<vmem>>
    %dma_wait3A_90 = tpu.memref_squeeze %dma_wait3A_89 : memref<1x128xi32, #tpu.memory_space<vmem>> -> memref<128xi32, #tpu.memory_space<vmem>>
    %dma_wait3A_91 = arith.constant 0 : i32
    %dma_wait3A_92 = arith.constant 0 : i32
    %dma_wait3A_93 = tpu.memref_slice %arg10[%dma_wait3A_91, %dma_wait3A_92] : memref<14096x32xf32, #tpu.memory_space<vmem_shared>> -> memref<14096x32xf32, #tpu.memory_space<vmem_shared>>
    tpu.wait_indirect_dma semaphore(%arg25 : memref<!tpu.dma_semaphore, #tpu.memory_space<semaphore_mem>>) src(%dma_wait3A_87 : memref<128x32xf32, #tpu.memory_space<vmem>>) dst(%dma_wait3A_93 : memref<14096x32xf32, #tpu.memory_space<vmem_shared>>)
    %dma_wait3A_94 = arith.constant 7 : i32
    %dma_wait3A_95 = arith.constant 0 : i32
    %dma_wait3A_96 = arith.constant 0 : i32
    %dma_wait3A_97 = arith.constant 0 : i32
    %dma_wait3A_98 = tpu.memref_slice %arg9[%dma_wait3A_94, %dma_wait3A_96, %dma_wait3A_97] : memref<8x128x32xf32, #tpu.memory_space<vmem>> -> memref<1x128x32xf32, #tpu.memory_space<vmem>>
    %dma_wait3A_99 = tpu.memref_squeeze %dma_wait3A_98 : memref<1x128x32xf32, #tpu.memory_space<vmem>> -> memref<128x32xf32, #tpu.memory_space<vmem>>
    %dma_wait3A_100 = arith.constant 0 : i32
    %dma_wait3A_101 = tpu.memref_slice %arg8[%dma_wait3A_95, %dma_wait3A_100] : memref<40x128xi32, #tpu.memory_space<vmem>> -> memref<1x128xi32, #tpu.memory_space<vmem>>
    %dma_wait3A_102 = tpu.memref_squeeze %dma_wait3A_101 : memref<1x128xi32, #tpu.memory_space<vmem>> -> memref<128xi32, #tpu.memory_space<vmem>>
    %dma_wait3A_103 = arith.constant 0 : i32
    %dma_wait3A_104 = arith.constant 0 : i32
    %dma_wait3A_105 = tpu.memref_slice %arg10[%dma_wait3A_103, %dma_wait3A_104] : memref<14096x32xf32, #tpu.memory_space<vmem_shared>> -> memref<14096x32xf32, #tpu.memory_space<vmem_shared>>
    tpu.wait_indirect_dma semaphore(%arg26 : memref<!tpu.dma_semaphore, #tpu.memory_space<semaphore_mem>>) src(%dma_wait3A_99 : memref<128x32xf32, #tpu.memory_space<vmem>>) dst(%dma_wait3A_105 : memref<14096x32xf32, #tpu.memory_space<vmem_shared>>)
    %barrier3A_106 = arith.constant 0 : index
    tpu.barrier barrier_id(%barrier3A_106)
    %mul3A_107 = arith.constant 10000 : i32
    %mul3A_108 = arith.muli %arg0, %mul3A_107 : i32
    %add3A_109 = arith.addi %mul3A_108, %mul3A_2 : i32
    "tpu.region"() ({
      %run_scoped3A = tpu.sem_alloc : memref<!tpu.dma_semaphore, #tpu.memory_space<semaphore_mem>>
      %dma_start3A_110 = arith.constant 0 : i32
      %dma_start3A_111 = tpu.memref_slice %arg6[%add3A_109, %dma_start3A_110] : memref<20000x32xf32, #tpu.memory_space<hbm>> -> memref<625x32xf32, #tpu.memory_space<hbm>>
      %dma_start3A_112 = arith.constant 0 : i32
      %dma_start3A_113 = tpu.memref_slice %arg10[%mul3A_2, %dma_start3A_112] : memref<14096x32xf32, #tpu.memory_space<vmem_shared>> -> memref<625x32xf32, #tpu.memory_space<vmem_shared>>
      tpu.enqueue_dma source(%dma_start3A_113 : memref<625x32xf32, #tpu.memory_space<vmem_shared>>) target(%dma_start3A_111 : memref<625x32xf32, #tpu.memory_space<hbm>>) target_semaphore(%run_scoped3A : memref<!tpu.dma_semaphore, #tpu.memory_space<semaphore_mem>>)
      %dma_wait3A_114 = arith.constant 0 : i32
      %dma_wait3A_115 = tpu.memref_slice %arg6[%add3A_109, %dma_wait3A_114] : memref<20000x32xf32, #tpu.memory_space<hbm>> -> memref<625x32xf32, #tpu.memory_space<hbm>>
      %dma_wait3A_116 = arith.constant 0 : i32
      %dma_wait3A_117 = tpu.memref_slice %arg10[%mul3A_2, %dma_wait3A_116] : memref<14096x32xf32, #tpu.memory_space<vmem_shared>> -> memref<625x32xf32, #tpu.memory_space<vmem_shared>>
      tpu.wait_dma2 semaphore(%run_scoped3A : memref<!tpu.dma_semaphore, #tpu.memory_space<semaphore_mem>>) src(%dma_wait3A_117 : memref<625x32xf32, #tpu.memory_space<vmem_shared>>) dst(%dma_wait3A_115 : memref<625x32xf32, #tpu.memory_space<hbm>>)
      tpu.yield
    }) : () -> ()
    return
  }
}

#map = affine_map<(d0, d1) -> (0, 0)>
module attributes {stable_mosaic.version = 14 : i64} {
  func.func @_sc_agg(%arg0: i32, %arg1: i32, %arg2: memref<1280x128xi32, #tpu.memory_space<hbm>>, %arg3: memref<1280x128xi32, #tpu.memory_space<hbm>>, %arg4: memref<10000x32xf32, #tpu.memory_space<hbm>>, %arg5: memref<10000x32xf32, #tpu.memory_space<hbm>>, %arg6: memref<20000x32xf32, #tpu.memory_space<hbm>>, %arg7: memref<40x128xi32, #tpu.memory_space<vmem>>, %arg8: memref<40x128xi32, #tpu.memory_space<vmem>>, %arg9: memref<8x128x32xf32, #tpu.memory_space<vmem>>, %arg10: memref<14096x32xf32, #tpu.memory_space<vmem_shared>>, %arg11: memref<!tpu.dma_semaphore, #tpu.memory_space<semaphore_mem>>, %arg12: memref<!tpu.dma_semaphore, #tpu.memory_space<semaphore_mem>>, %arg13: memref<!tpu.dma_semaphore, #tpu.memory_space<semaphore_mem>>, %arg14: memref<!tpu.dma_semaphore, #tpu.memory_space<semaphore_mem>>, %arg15: memref<!tpu.dma_semaphore, #tpu.memory_space<semaphore_mem>>, %arg16: memref<!tpu.dma_semaphore, #tpu.memory_space<semaphore_mem>>, %arg17: memref<!tpu.dma_semaphore, #tpu.memory_space<semaphore_mem>>, %arg18: memref<!tpu.dma_semaphore, #tpu.memory_space<semaphore_mem>>, %arg19: memref<!tpu.dma_semaphore, #tpu.memory_space<semaphore_mem>>, %arg20: memref<!tpu.dma_semaphore, #tpu.memory_space<semaphore_mem>>, %arg21: memref<!tpu.dma_semaphore, #tpu.memory_space<semaphore_mem>>, %arg22: memref<!tpu.dma_semaphore, #tpu.memory_space<semaphore_mem>>, %arg23: memref<!tpu.dma_semaphore, #tpu.memory_space<semaphore_mem>>, %arg24: memref<!tpu.dma_semaphore, #tpu.memory_space<semaphore_mem>>, %arg25: memref<!tpu.dma_semaphore, #tpu.memory_space<semaphore_mem>>, %arg26: memref<!tpu.dma_semaphore, #tpu.memory_space<semaphore_mem>>) attributes {dimension_semantics = [#tpu.dimension_semantics<core_parallel>, #tpu.dimension_semantics<subcore_parallel>], iteration_bounds = array<i64: 2, 16>, scalar_prefetch = 0 : i64, scratch_operands = 20 : i64, tpu.core_type = #tpu.core_type<sc_vector_subcore>, window_params = [{transform_indices = #map}, {transform_indices = #map}, {transform_indices = #map}, {transform_indices = #map}, {transform_indices = #map}]} {
    %mul3A = arith.constant 2 : i32
    %mul3A_0 = arith.muli %arg1, %mul3A : i32
    %add3A = arith.addi %mul3A_0, %arg0 : i32
    %mul3A_1 = arith.constant 625 : i32
    %mul3A_2 = arith.muli %arg1, %mul3A_1 : i32
    "tpu.region"() ({
      %run_scoped3A = tpu.sem_alloc : memref<!tpu.dma_semaphore, #tpu.memory_space<semaphore_mem>>
      %dma_start3A_110 = arith.constant 0 : i32
      %dma_start3A_111 = tpu.memref_slice %arg10[%mul3A_2, %dma_start3A_110] : memref<14096x32xf32, #tpu.memory_space<vmem_shared>> -> memref<625x32xf32, #tpu.memory_space<vmem_shared>>
      %dma_start3A_112 = arith.constant 0 : i32
      %dma_start3A_113 = tpu.memref_slice %arg5[%mul3A_2, %dma_start3A_112] : memref<10000x32xf32, #tpu.memory_space<hbm>> -> memref<625x32xf32, #tpu.memory_space<hbm>>
      tpu.enqueue_dma source(%dma_start3A_113 : memref<625x32xf32, #tpu.memory_space<hbm>>) target(%dma_start3A_111 : memref<625x32xf32, #tpu.memory_space<vmem_shared>>) target_semaphore(%run_scoped3A : memref<!tpu.dma_semaphore, #tpu.memory_space<semaphore_mem>>)
      %dma_wait3A_114 = arith.constant 0 : i32
      %dma_wait3A_115 = tpu.memref_slice %arg10[%mul3A_2, %dma_wait3A_114] : memref<14096x32xf32, #tpu.memory_space<vmem_shared>> -> memref<625x32xf32, #tpu.memory_space<vmem_shared>>
      %dma_wait3A_116 = arith.constant 0 : i32
      %dma_wait3A_117 = tpu.memref_slice %arg5[%mul3A_2, %dma_wait3A_116] : memref<10000x32xf32, #tpu.memory_space<hbm>> -> memref<625x32xf32, #tpu.memory_space<hbm>>
      tpu.wait_dma2 semaphore(%run_scoped3A : memref<!tpu.dma_semaphore, #tpu.memory_space<semaphore_mem>>) src(%dma_wait3A_117 : memref<625x32xf32, #tpu.memory_space<hbm>>) dst(%dma_wait3A_115 : memref<625x32xf32, #tpu.memory_space<vmem_shared>>)
      tpu.yield
    }) : () -> ()
    %mul3A_3 = arith.constant 40 : i32
    %mul3A_4 = arith.muli %add3A, %mul3A_3 : i32
    "tpu.region"() ({
      %run_scoped3A = tpu.sem_alloc : memref<!tpu.dma_semaphore, #tpu.memory_space<semaphore_mem>>
      %dma_start3A_110 = arith.constant 0 : i32
      %dma_start3A_111 = tpu.memref_slice %arg2[%mul3A_4, %dma_start3A_110] : memref<1280x128xi32, #tpu.memory_space<hbm>> -> memref<40x128xi32, #tpu.memory_space<hbm>>
      %dma_start3A_112 = arith.constant 0 : i32
      %dma_start3A_113 = tpu.memref_slice %arg2[%mul3A_4, %dma_start3A_112] : memref<1280x128xi32, #tpu.memory_space<hbm>> -> memref<40x128xi32, #tpu.memory_space<hbm>>
      tpu.enqueue_dma source(%dma_start3A_113 : memref<40x128xi32, #tpu.memory_space<hbm>>) target(%arg7 : memref<40x128xi32, #tpu.memory_space<vmem>>) target_semaphore(%run_scoped3A : memref<!tpu.dma_semaphore, #tpu.memory_space<semaphore_mem>>)
      %dma_wait3A_114 = arith.constant 0 : i32
      %dma_wait3A_115 = tpu.memref_slice %arg2[%mul3A_4, %dma_wait3A_114] : memref<1280x128xi32, #tpu.memory_space<hbm>> -> memref<40x128xi32, #tpu.memory_space<hbm>>
      %dma_wait3A_116 = arith.constant 0 : i32
      %dma_wait3A_117 = tpu.memref_slice %arg2[%mul3A_4, %dma_wait3A_116] : memref<1280x128xi32, #tpu.memory_space<hbm>> -> memref<40x128xi32, #tpu.memory_space<hbm>>
      tpu.wait_dma2 semaphore(%run_scoped3A : memref<!tpu.dma_semaphore, #tpu.memory_space<semaphore_mem>>) src(%dma_wait3A_117 : memref<40x128xi32, #tpu.memory_space<hbm>>) dst(%arg7 : memref<40x128xi32, #tpu.memory_space<vmem>>)
      tpu.yield
    }) : () -> ()
    %mul3A_5 = arith.constant 40 : i32
    %mul3A_6 = arith.muli %add3A, %mul3A_5 : i32
    "tpu.region"() ({
      %run_scoped3A = tpu.sem_alloc : memref<!tpu.dma_semaphore, #tpu.memory_space<semaphore_mem>>
      %dma_start3A_110 = arith.constant 0 : i32
      %dma_start3A_111 = tpu.memref_slice %arg3[%mul3A_6, %dma_start3A_110] : memref<1280x128xi32, #tpu.memory_space<hbm>> -> memref<40x128xi32, #tpu.memory_space<hbm>>
      %dma_start3A_112 = arith.constant 0 : i32
      %dma_start3A_113 = tpu.memref_slice %arg3[%mul3A_6, %dma_start3A_112] : memref<1280x128xi32, #tpu.memory_space<hbm>> -> memref<40x128xi32, #tpu.memory_space<hbm>>
      tpu.enqueue_dma source(%dma_start3A_113 : memref<40x128xi32, #tpu.memory_space<hbm>>) target(%arg8 : memref<40x128xi32, #tpu.memory_space<vmem>>) target_semaphore(%run_scoped3A : memref<!tpu.dma_semaphore, #tpu.memory_space<semaphore_mem>>)
      %dma_wait3A_114 = arith.constant 0 : i32
      %dma_wait3A_115 = tpu.memref_slice %arg3[%mul3A_6, %dma_wait3A_114] : memref<1280x128xi32, #tpu.memory_space<hbm>> -> memref<40x128xi32, #tpu.memory_space<hbm>>
      %dma_wait3A_116 = arith.constant 0 : i32
      %dma_wait3A_117 = tpu.memref_slice %arg3[%mul3A_6, %dma_wait3A_116] : memref<1280x128xi32, #tpu.memory_space<hbm>> -> memref<40x128xi32, #tpu.memory_space<hbm>>
      tpu.wait_dma2 semaphore(%run_scoped3A : memref<!tpu.dma_semaphore, #tpu.memory_space<semaphore_mem>>) src(%dma_wait3A_117 : memref<40x128xi32, #tpu.memory_space<hbm>>) dst(%arg8 : memref<40x128xi32, #tpu.memory_space<vmem>>)
      tpu.yield
    }) : () -> ()
    %barrier3A = arith.constant 0 : index
    tpu.barrier barrier_id(%barrier3A)
    %dma_start3A = arith.constant 0 : i32
    %dma_start3A_7 = arith.constant 0 : i32
    %dma_start3A_8 = arith.constant 0 : i32
    %dma_start3A_9 = arith.constant 0 : i32
    %dma_start3A_10 = tpu.memref_slice %arg9[%dma_start3A_7, %dma_start3A_8, %dma_start3A_9] : memref<8x128x32xf32, #tpu.memory_space<vmem>> -> memref<1x128x32xf32, #tpu.memory_space<vmem>>
    %dma_start3A_11 = tpu.memref_squeeze %dma_start3A_10 : memref<1x128x32xf32, #tpu.memory_space<vmem>> -> memref<128x32xf32, #tpu.memory_space<vmem>>
    %dma_start3A_12 = arith.constant 0 : i32
    %dma_start3A_13 = tpu.memref_slice %arg7[%dma_start3A, %dma_start3A_12] : memref<40x128xi32, #tpu.memory_space<vmem>> -> memref<1x128xi32, #tpu.memory_space<vmem>>
    %dma_start3A_14 = tpu.memref_squeeze %dma_start3A_13 : memref<1x128xi32, #tpu.memory_space<vmem>> -> memref<128xi32, #tpu.memory_space<vmem>>
    %dma_start3A_15 = arith.constant 0 : i32
    %dma_start3A_16 = arith.constant 0 : i32
    %dma_start3A_17 = tpu.memref_slice %arg4[%dma_start3A_15, %dma_start3A_16] : memref<10000x32xf32, #tpu.memory_space<hbm>> -> memref<10000x32xf32, #tpu.memory_space<hbm>>
    tpu.enqueue_indirect_dma source(%dma_start3A_17 : memref<10000x32xf32, #tpu.memory_space<hbm>>) target(%dma_start3A_11 : memref<128x32xf32, #tpu.memory_space<vmem>>) offsets(%dma_start3A_14 : memref<128xi32, #tpu.memory_space<vmem>>) semaphore(%arg11 : memref<!tpu.dma_semaphore, #tpu.memory_space<semaphore_mem>>)
    %dma_start3A_18 = arith.constant 1 : i32
    %dma_start3A_19 = arith.constant 1 : i32
    %dma_start3A_20 = arith.constant 0 : i32
    %dma_start3A_21 = arith.constant 0 : i32
    %dma_start3A_22 = tpu.memref_slice %arg9[%dma_start3A_19, %dma_start3A_20, %dma_start3A_21] : memref<8x128x32xf32, #tpu.memory_space<vmem>> -> memref<1x128x32xf32, #tpu.memory_space<vmem>>
    %dma_start3A_23 = tpu.memref_squeeze %dma_start3A_22 : memref<1x128x32xf32, #tpu.memory_space<vmem>> -> memref<128x32xf32, #tpu.memory_space<vmem>>
    %dma_start3A_24 = arith.constant 0 : i32
    %dma_start3A_25 = tpu.memref_slice %arg7[%dma_start3A_18, %dma_start3A_24] : memref<40x128xi32, #tpu.memory_space<vmem>> -> memref<1x128xi32, #tpu.memory_space<vmem>>
    %dma_start3A_26 = tpu.memref_squeeze %dma_start3A_25 : memref<1x128xi32, #tpu.memory_space<vmem>> -> memref<128xi32, #tpu.memory_space<vmem>>
    %dma_start3A_27 = arith.constant 0 : i32
    %dma_start3A_28 = arith.constant 0 : i32
    %dma_start3A_29 = tpu.memref_slice %arg4[%dma_start3A_27, %dma_start3A_28] : memref<10000x32xf32, #tpu.memory_space<hbm>> -> memref<10000x32xf32, #tpu.memory_space<hbm>>
    tpu.enqueue_indirect_dma source(%dma_start3A_29 : memref<10000x32xf32, #tpu.memory_space<hbm>>) target(%dma_start3A_23 : memref<128x32xf32, #tpu.memory_space<vmem>>) offsets(%dma_start3A_26 : memref<128xi32, #tpu.memory_space<vmem>>) semaphore(%arg12 : memref<!tpu.dma_semaphore, #tpu.memory_space<semaphore_mem>>)
    %dma_start3A_30 = arith.constant 2 : i32
    %dma_start3A_31 = arith.constant 2 : i32
    %dma_start3A_32 = arith.constant 0 : i32
    %dma_start3A_33 = arith.constant 0 : i32
    %dma_start3A_34 = tpu.memref_slice %arg9[%dma_start3A_31, %dma_start3A_32, %dma_start3A_33] : memref<8x128x32xf32, #tpu.memory_space<vmem>> -> memref<1x128x32xf32, #tpu.memory_space<vmem>>
    %dma_start3A_35 = tpu.memref_squeeze %dma_start3A_34 : memref<1x128x32xf32, #tpu.memory_space<vmem>> -> memref<128x32xf32, #tpu.memory_space<vmem>>
    %dma_start3A_36 = arith.constant 0 : i32
    %dma_start3A_37 = tpu.memref_slice %arg7[%dma_start3A_30, %dma_start3A_36] : memref<40x128xi32, #tpu.memory_space<vmem>> -> memref<1x128xi32, #tpu.memory_space<vmem>>
    %dma_start3A_38 = tpu.memref_squeeze %dma_start3A_37 : memref<1x128xi32, #tpu.memory_space<vmem>> -> memref<128xi32, #tpu.memory_space<vmem>>
    %dma_start3A_39 = arith.constant 0 : i32
    %dma_start3A_40 = arith.constant 0 : i32
    %dma_start3A_41 = tpu.memref_slice %arg4[%dma_start3A_39, %dma_start3A_40] : memref<10000x32xf32, #tpu.memory_space<hbm>> -> memref<10000x32xf32, #tpu.memory_space<hbm>>
    tpu.enqueue_indirect_dma source(%dma_start3A_41 : memref<10000x32xf32, #tpu.memory_space<hbm>>) target(%dma_start3A_35 : memref<128x32xf32, #tpu.memory_space<vmem>>) offsets(%dma_start3A_38 : memref<128xi32, #tpu.memory_space<vmem>>) semaphore(%arg13 : memref<!tpu.dma_semaphore, #tpu.memory_space<semaphore_mem>>)
    %dma_start3A_42 = arith.constant 3 : i32
    %dma_start3A_43 = arith.constant 3 : i32
    %dma_start3A_44 = arith.constant 0 : i32
    %dma_start3A_45 = arith.constant 0 : i32
    %dma_start3A_46 = tpu.memref_slice %arg9[%dma_start3A_43, %dma_start3A_44, %dma_start3A_45] : memref<8x128x32xf32, #tpu.memory_space<vmem>> -> memref<1x128x32xf32, #tpu.memory_space<vmem>>
    %dma_start3A_47 = tpu.memref_squeeze %dma_start3A_46 : memref<1x128x32xf32, #tpu.memory_space<vmem>> -> memref<128x32xf32, #tpu.memory_space<vmem>>
    %dma_start3A_48 = arith.constant 0 : i32
    %dma_start3A_49 = tpu.memref_slice %arg7[%dma_start3A_42, %dma_start3A_48] : memref<40x128xi32, #tpu.memory_space<vmem>> -> memref<1x128xi32, #tpu.memory_space<vmem>>
    %dma_start3A_50 = tpu.memref_squeeze %dma_start3A_49 : memref<1x128xi32, #tpu.memory_space<vmem>> -> memref<128xi32, #tpu.memory_space<vmem>>
    %dma_start3A_51 = arith.constant 0 : i32
    %dma_start3A_52 = arith.constant 0 : i32
    %dma_start3A_53 = tpu.memref_slice %arg4[%dma_start3A_51, %dma_start3A_52] : memref<10000x32xf32, #tpu.memory_space<hbm>> -> memref<10000x32xf32, #tpu.memory_space<hbm>>
    tpu.enqueue_indirect_dma source(%dma_start3A_53 : memref<10000x32xf32, #tpu.memory_space<hbm>>) target(%dma_start3A_47 : memref<128x32xf32, #tpu.memory_space<vmem>>) offsets(%dma_start3A_50 : memref<128xi32, #tpu.memory_space<vmem>>) semaphore(%arg14 : memref<!tpu.dma_semaphore, #tpu.memory_space<semaphore_mem>>)
    %scan3A = arith.constant 0 : i32
    %scan3A_54 = arith.constant 0 : i32
    %scan3A_55 = arith.constant 5 : i32
    %scan3A_56 = arith.addi %scan3A_54, %scan3A_55 : i32
    %scan3A_57 = arith.constant 1 : i32
    scf.for %scan3A_110 = %scan3A_54 to %scan3A_56 step %scan3A_57  : i32 {
      %mul3A_111 = arith.constant 8 : i32
      %mul3A_112 = arith.muli %scan3A_110, %mul3A_111 : i32
      %add3A_113 = arith.constant 0 : i32
      %add3A_114 = arith.addi %mul3A_112, %add3A_113 : i32
      %dma_wait3A_115 = arith.constant 0 : i32
      %dma_wait3A_116 = arith.constant 0 : i32
      %dma_wait3A_117 = arith.constant 0 : i32
      %dma_wait3A_118 = tpu.memref_slice %arg9[%dma_wait3A_115, %dma_wait3A_116, %dma_wait3A_117] : memref<8x128x32xf32, #tpu.memory_space<vmem>> -> memref<1x128x32xf32, #tpu.memory_space<vmem>>
      %dma_wait3A_119 = tpu.memref_squeeze %dma_wait3A_118 : memref<1x128x32xf32, #tpu.memory_space<vmem>> -> memref<128x32xf32, #tpu.memory_space<vmem>>
      %dma_wait3A_120 = arith.constant 0 : i32
      %dma_wait3A_121 = tpu.memref_slice %arg7[%add3A_114, %dma_wait3A_120] : memref<40x128xi32, #tpu.memory_space<vmem>> -> memref<1x128xi32, #tpu.memory_space<vmem>>
      %dma_wait3A_122 = tpu.memref_squeeze %dma_wait3A_121 : memref<1x128xi32, #tpu.memory_space<vmem>> -> memref<128xi32, #tpu.memory_space<vmem>>
      %dma_wait3A_123 = arith.constant 0 : i32
      %dma_wait3A_124 = arith.constant 0 : i32
      %dma_wait3A_125 = tpu.memref_slice %arg4[%dma_wait3A_123, %dma_wait3A_124] : memref<10000x32xf32, #tpu.memory_space<hbm>> -> memref<10000x32xf32, #tpu.memory_space<hbm>>
      tpu.wait_indirect_dma semaphore(%arg11 : memref<!tpu.dma_semaphore, #tpu.memory_space<semaphore_mem>>) src(%dma_wait3A_125 : memref<10000x32xf32, #tpu.memory_space<hbm>>) dst(%dma_wait3A_119 : memref<128x32xf32, #tpu.memory_space<vmem>>)
      %dma_start3A_126 = arith.constant 0 : i32
      %dma_start3A_127 = arith.constant 0 : i32
      %dma_start3A_128 = arith.constant 0 : i32
      %dma_start3A_129 = tpu.memref_slice %arg9[%dma_start3A_126, %dma_start3A_127, %dma_start3A_128] : memref<8x128x32xf32, #tpu.memory_space<vmem>> -> memref<1x128x32xf32, #tpu.memory_space<vmem>>
      %dma_start3A_130 = tpu.memref_squeeze %dma_start3A_129 : memref<1x128x32xf32, #tpu.memory_space<vmem>> -> memref<128x32xf32, #tpu.memory_space<vmem>>
      %dma_start3A_131 = arith.constant 0 : i32
      %dma_start3A_132 = tpu.memref_slice %arg8[%add3A_114, %dma_start3A_131] : memref<40x128xi32, #tpu.memory_space<vmem>> -> memref<1x128xi32, #tpu.memory_space<vmem>>
      %dma_start3A_133 = tpu.memref_squeeze %dma_start3A_132 : memref<1x128xi32, #tpu.memory_space<vmem>> -> memref<128xi32, #tpu.memory_space<vmem>>
      %dma_start3A_134 = arith.constant 0 : i32
      %dma_start3A_135 = arith.constant 0 : i32
      %dma_start3A_136 = tpu.memref_slice %arg10[%dma_start3A_134, %dma_start3A_135] : memref<14096x32xf32, #tpu.memory_space<vmem_shared>> -> memref<14096x32xf32, #tpu.memory_space<vmem_shared>>
      tpu.enqueue_indirect_dma source(%dma_start3A_130 : memref<128x32xf32, #tpu.memory_space<vmem>>) target(%dma_start3A_136 : memref<14096x32xf32, #tpu.memory_space<vmem_shared>>) offsets(%dma_start3A_133 : memref<128xi32, #tpu.memory_space<vmem>>) semaphore(%arg19 : memref<!tpu.dma_semaphore, #tpu.memory_space<semaphore_mem>>) {add = true}
      %ge3A = arith.constant 4 : i32
      %ge3A_137 = arith.cmpi sge, %add3A_114, %ge3A : i32
      %convert_element_type3A = arith.extui %ge3A_137 : i1 to i32
      %cond3A = arith.constant 0 : i32
      %cond3A_138 = arith.cmpi ne, %convert_element_type3A, %cond3A : i32
      scf.if %cond3A_138 {
        %dma_wait3A_411 = arith.constant 4 : i32
        %dma_wait3A_412 = arith.constant 0 : i32
        %dma_wait3A_413 = arith.constant 0 : i32
        %dma_wait3A_414 = tpu.memref_slice %arg9[%dma_wait3A_411, %dma_wait3A_412, %dma_wait3A_413] : memref<8x128x32xf32, #tpu.memory_space<vmem>> -> memref<1x128x32xf32, #tpu.memory_space<vmem>>
        %dma_wait3A_415 = tpu.memref_squeeze %dma_wait3A_414 : memref<1x128x32xf32, #tpu.memory_space<vmem>> -> memref<128x32xf32, #tpu.memory_space<vmem>>
        %dma_wait3A_416 = arith.constant 0 : i32
        %dma_wait3A_417 = tpu.memref_slice %arg8[%add3A_114, %dma_wait3A_416] : memref<40x128xi32, #tpu.memory_space<vmem>> -> memref<1x128xi32, #tpu.memory_space<vmem>>
        %dma_wait3A_418 = tpu.memref_squeeze %dma_wait3A_417 : memref<1x128xi32, #tpu.memory_space<vmem>> -> memref<128xi32, #tpu.memory_space<vmem>>
        %dma_wait3A_419 = arith.constant 0 : i32
        %dma_wait3A_420 = arith.constant 0 : i32
        %dma_wait3A_421 = tpu.memref_slice %arg10[%dma_wait3A_419, %dma_wait3A_420] : memref<14096x32xf32, #tpu.memory_space<vmem_shared>> -> memref<14096x32xf32, #tpu.memory_space<vmem_shared>>
        tpu.wait_indirect_dma semaphore(%arg23 : memref<!tpu.dma_semaphore, #tpu.memory_space<semaphore_mem>>) src(%dma_wait3A_415 : memref<128x32xf32, #tpu.memory_space<vmem>>) dst(%dma_wait3A_421 : memref<14096x32xf32, #tpu.memory_space<vmem_shared>>)
      } else {
      }
      %add3A_139 = arith.constant 4 : i32
      %add3A_140 = arith.addi %add3A_114, %add3A_139 : i32
      %lt3A = arith.constant 40 : i32
      %lt3A_141 = arith.cmpi slt, %add3A_140, %lt3A : i32
      %convert_element_type3A_142 = arith.extui %lt3A_141 : i1 to i32
      %cond3A_143 = arith.constant 0 : i32
      %cond3A_144 = arith.cmpi ne, %convert_element_type3A_142, %cond3A_143 : i32
      scf.if %cond3A_144 {
        %add3A_411 = arith.constant 4 : i32
        %add3A_412 = arith.addi %add3A_114, %add3A_411 : i32
        %dma_start3A_413 = arith.constant 4 : i32
        %dma_start3A_414 = arith.constant 0 : i32
        %dma_start3A_415 = arith.constant 0 : i32
        %dma_start3A_416 = tpu.memref_slice %arg9[%dma_start3A_413, %dma_start3A_414, %dma_start3A_415] : memref<8x128x32xf32, #tpu.memory_space<vmem>> -> memref<1x128x32xf32, #tpu.memory_space<vmem>>
        %dma_start3A_417 = tpu.memref_squeeze %dma_start3A_416 : memref<1x128x32xf32, #tpu.memory_space<vmem>> -> memref<128x32xf32, #tpu.memory_space<vmem>>
        %dma_start3A_418 = arith.constant 0 : i32
        %dma_start3A_419 = tpu.memref_slice %arg7[%add3A_412, %dma_start3A_418] : memref<40x128xi32, #tpu.memory_space<vmem>> -> memref<1x128xi32, #tpu.memory_space<vmem>>
        %dma_start3A_420 = tpu.memref_squeeze %dma_start3A_419 : memref<1x128xi32, #tpu.memory_space<vmem>> -> memref<128xi32, #tpu.memory_space<vmem>>
        %dma_start3A_421 = arith.constant 0 : i32
        %dma_start3A_422 = arith.constant 0 : i32
        %dma_start3A_423 = tpu.memref_slice %arg4[%dma_start3A_421, %dma_start3A_422] : memref<10000x32xf32, #tpu.memory_space<hbm>> -> memref<10000x32xf32, #tpu.memory_space<hbm>>
        tpu.enqueue_indirect_dma source(%dma_start3A_423 : memref<10000x32xf32, #tpu.memory_space<hbm>>) target(%dma_start3A_417 : memref<128x32xf32, #tpu.memory_space<vmem>>) offsets(%dma_start3A_420 : memref<128xi32, #tpu.memory_space<vmem>>) semaphore(%arg15 : memref<!tpu.dma_semaphore, #tpu.memory_space<semaphore_mem>>)
      } else {
      }
      %mul3A_145 = arith.constant 8 : i32
      %mul3A_146 = arith.muli %scan3A_110, %mul3A_145 : i32
      %add3A_147 = arith.constant 1 : i32
      %add3A_148 = arith.addi %mul3A_146, %add3A_147 : i32
      %dma_wait3A_149 = arith.constant 1 : i32
      %dma_wait3A_150 = arith.constant 0 : i32
      %dma_wait3A_151 = arith.constant 0 : i32
      %dma_wait3A_152 = tpu.memref_slice %arg9[%dma_wait3A_149, %dma_wait3A_150, %dma_wait3A_151] : memref<8x128x32xf32, #tpu.memory_space<vmem>> -> memref<1x128x32xf32, #tpu.memory_space<vmem>>
      %dma_wait3A_153 = tpu.memref_squeeze %dma_wait3A_152 : memref<1x128x32xf32, #tpu.memory_space<vmem>> -> memref<128x32xf32, #tpu.memory_space<vmem>>
      %dma_wait3A_154 = arith.constant 0 : i32
      %dma_wait3A_155 = tpu.memref_slice %arg7[%add3A_148, %dma_wait3A_154] : memref<40x128xi32, #tpu.memory_space<vmem>> -> memref<1x128xi32, #tpu.memory_space<vmem>>
      %dma_wait3A_156 = tpu.memref_squeeze %dma_wait3A_155 : memref<1x128xi32, #tpu.memory_space<vmem>> -> memref<128xi32, #tpu.memory_space<vmem>>
      %dma_wait3A_157 = arith.constant 0 : i32
      %dma_wait3A_158 = arith.constant 0 : i32
      %dma_wait3A_159 = tpu.memref_slice %arg4[%dma_wait3A_157, %dma_wait3A_158] : memref<10000x32xf32, #tpu.memory_space<hbm>> -> memref<10000x32xf32, #tpu.memory_space<hbm>>
      tpu.wait_indirect_dma semaphore(%arg12 : memref<!tpu.dma_semaphore, #tpu.memory_space<semaphore_mem>>) src(%dma_wait3A_159 : memref<10000x32xf32, #tpu.memory_space<hbm>>) dst(%dma_wait3A_153 : memref<128x32xf32, #tpu.memory_space<vmem>>)
      %dma_start3A_160 = arith.constant 1 : i32
      %dma_start3A_161 = arith.constant 0 : i32
      %dma_start3A_162 = arith.constant 0 : i32
      %dma_start3A_163 = tpu.memref_slice %arg9[%dma_start3A_160, %dma_start3A_161, %dma_start3A_162] : memref<8x128x32xf32, #tpu.memory_space<vmem>> -> memref<1x128x32xf32, #tpu.memory_space<vmem>>
      %dma_start3A_164 = tpu.memref_squeeze %dma_start3A_163 : memref<1x128x32xf32, #tpu.memory_space<vmem>> -> memref<128x32xf32, #tpu.memory_space<vmem>>
      %dma_start3A_165 = arith.constant 0 : i32
      %dma_start3A_166 = tpu.memref_slice %arg8[%add3A_148, %dma_start3A_165] : memref<40x128xi32, #tpu.memory_space<vmem>> -> memref<1x128xi32, #tpu.memory_space<vmem>>
      %dma_start3A_167 = tpu.memref_squeeze %dma_start3A_166 : memref<1x128xi32, #tpu.memory_space<vmem>> -> memref<128xi32, #tpu.memory_space<vmem>>
      %dma_start3A_168 = arith.constant 0 : i32
      %dma_start3A_169 = arith.constant 0 : i32
      %dma_start3A_170 = tpu.memref_slice %arg10[%dma_start3A_168, %dma_start3A_169] : memref<14096x32xf32, #tpu.memory_space<vmem_shared>> -> memref<14096x32xf32, #tpu.memory_space<vmem_shared>>
      tpu.enqueue_indirect_dma source(%dma_start3A_164 : memref<128x32xf32, #tpu.memory_space<vmem>>) target(%dma_start3A_170 : memref<14096x32xf32, #tpu.memory_space<vmem_shared>>) offsets(%dma_start3A_167 : memref<128xi32, #tpu.memory_space<vmem>>) semaphore(%arg20 : memref<!tpu.dma_semaphore, #tpu.memory_space<semaphore_mem>>) {add = true}
      %ge3A_171 = arith.constant 4 : i32
      %ge3A_172 = arith.cmpi sge, %add3A_148, %ge3A_171 : i32
      %convert_element_type3A_173 = arith.extui %ge3A_172 : i1 to i32
      %cond3A_174 = arith.constant 0 : i32
      %cond3A_175 = arith.cmpi ne, %convert_element_type3A_173, %cond3A_174 : i32
      scf.if %cond3A_175 {
        %dma_wait3A_411 = arith.constant 5 : i32
        %dma_wait3A_412 = arith.constant 0 : i32
        %dma_wait3A_413 = arith.constant 0 : i32
        %dma_wait3A_414 = tpu.memref_slice %arg9[%dma_wait3A_411, %dma_wait3A_412, %dma_wait3A_413] : memref<8x128x32xf32, #tpu.memory_space<vmem>> -> memref<1x128x32xf32, #tpu.memory_space<vmem>>
        %dma_wait3A_415 = tpu.memref_squeeze %dma_wait3A_414 : memref<1x128x32xf32, #tpu.memory_space<vmem>> -> memref<128x32xf32, #tpu.memory_space<vmem>>
        %dma_wait3A_416 = arith.constant 0 : i32
        %dma_wait3A_417 = tpu.memref_slice %arg8[%add3A_148, %dma_wait3A_416] : memref<40x128xi32, #tpu.memory_space<vmem>> -> memref<1x128xi32, #tpu.memory_space<vmem>>
        %dma_wait3A_418 = tpu.memref_squeeze %dma_wait3A_417 : memref<1x128xi32, #tpu.memory_space<vmem>> -> memref<128xi32, #tpu.memory_space<vmem>>
        %dma_wait3A_419 = arith.constant 0 : i32
        %dma_wait3A_420 = arith.constant 0 : i32
        %dma_wait3A_421 = tpu.memref_slice %arg10[%dma_wait3A_419, %dma_wait3A_420] : memref<14096x32xf32, #tpu.memory_space<vmem_shared>> -> memref<14096x32xf32, #tpu.memory_space<vmem_shared>>
        tpu.wait_indirect_dma semaphore(%arg24 : memref<!tpu.dma_semaphore, #tpu.memory_space<semaphore_mem>>) src(%dma_wait3A_415 : memref<128x32xf32, #tpu.memory_space<vmem>>) dst(%dma_wait3A_421 : memref<14096x32xf32, #tpu.memory_space<vmem_shared>>)
      } else {
      }
      %add3A_176 = arith.constant 4 : i32
      %add3A_177 = arith.addi %add3A_148, %add3A_176 : i32
      %lt3A_178 = arith.constant 40 : i32
      %lt3A_179 = arith.cmpi slt, %add3A_177, %lt3A_178 : i32
      %convert_element_type3A_180 = arith.extui %lt3A_179 : i1 to i32
      %cond3A_181 = arith.constant 0 : i32
      %cond3A_182 = arith.cmpi ne, %convert_element_type3A_180, %cond3A_181 : i32
      scf.if %cond3A_182 {
        %add3A_411 = arith.constant 4 : i32
        %add3A_412 = arith.addi %add3A_148, %add3A_411 : i32
        %dma_start3A_413 = arith.constant 5 : i32
        %dma_start3A_414 = arith.constant 0 : i32
        %dma_start3A_415 = arith.constant 0 : i32
        %dma_start3A_416 = tpu.memref_slice %arg9[%dma_start3A_413, %dma_start3A_414, %dma_start3A_415] : memref<8x128x32xf32, #tpu.memory_space<vmem>> -> memref<1x128x32xf32, #tpu.memory_space<vmem>>
        %dma_start3A_417 = tpu.memref_squeeze %dma_start3A_416 : memref<1x128x32xf32, #tpu.memory_space<vmem>> -> memref<128x32xf32, #tpu.memory_space<vmem>>
        %dma_start3A_418 = arith.constant 0 : i32
        %dma_start3A_419 = tpu.memref_slice %arg7[%add3A_412, %dma_start3A_418] : memref<40x128xi32, #tpu.memory_space<vmem>> -> memref<1x128xi32, #tpu.memory_space<vmem>>
        %dma_start3A_420 = tpu.memref_squeeze %dma_start3A_419 : memref<1x128xi32, #tpu.memory_space<vmem>> -> memref<128xi32, #tpu.memory_space<vmem>>
        %dma_start3A_421 = arith.constant 0 : i32
        %dma_start3A_422 = arith.constant 0 : i32
        %dma_start3A_423 = tpu.memref_slice %arg4[%dma_start3A_421, %dma_start3A_422] : memref<10000x32xf32, #tpu.memory_space<hbm>> -> memref<10000x32xf32, #tpu.memory_space<hbm>>
        tpu.enqueue_indirect_dma source(%dma_start3A_423 : memref<10000x32xf32, #tpu.memory_space<hbm>>) target(%dma_start3A_417 : memref<128x32xf32, #tpu.memory_space<vmem>>) offsets(%dma_start3A_420 : memref<128xi32, #tpu.memory_space<vmem>>) semaphore(%arg16 : memref<!tpu.dma_semaphore, #tpu.memory_space<semaphore_mem>>)
      } else {
      }
      %mul3A_183 = arith.constant 8 : i32
      %mul3A_184 = arith.muli %scan3A_110, %mul3A_183 : i32
      %add3A_185 = arith.constant 2 : i32
      %add3A_186 = arith.addi %mul3A_184, %add3A_185 : i32
      %dma_wait3A_187 = arith.constant 2 : i32
      %dma_wait3A_188 = arith.constant 0 : i32
      %dma_wait3A_189 = arith.constant 0 : i32
      %dma_wait3A_190 = tpu.memref_slice %arg9[%dma_wait3A_187, %dma_wait3A_188, %dma_wait3A_189] : memref<8x128x32xf32, #tpu.memory_space<vmem>> -> memref<1x128x32xf32, #tpu.memory_space<vmem>>
      %dma_wait3A_191 = tpu.memref_squeeze %dma_wait3A_190 : memref<1x128x32xf32, #tpu.memory_space<vmem>> -> memref<128x32xf32, #tpu.memory_space<vmem>>
      %dma_wait3A_192 = arith.constant 0 : i32
      %dma_wait3A_193 = tpu.memref_slice %arg7[%add3A_186, %dma_wait3A_192] : memref<40x128xi32, #tpu.memory_space<vmem>> -> memref<1x128xi32, #tpu.memory_space<vmem>>
      %dma_wait3A_194 = tpu.memref_squeeze %dma_wait3A_193 : memref<1x128xi32, #tpu.memory_space<vmem>> -> memref<128xi32, #tpu.memory_space<vmem>>
      %dma_wait3A_195 = arith.constant 0 : i32
      %dma_wait3A_196 = arith.constant 0 : i32
      %dma_wait3A_197 = tpu.memref_slice %arg4[%dma_wait3A_195, %dma_wait3A_196] : memref<10000x32xf32, #tpu.memory_space<hbm>> -> memref<10000x32xf32, #tpu.memory_space<hbm>>
      tpu.wait_indirect_dma semaphore(%arg13 : memref<!tpu.dma_semaphore, #tpu.memory_space<semaphore_mem>>) src(%dma_wait3A_197 : memref<10000x32xf32, #tpu.memory_space<hbm>>) dst(%dma_wait3A_191 : memref<128x32xf32, #tpu.memory_space<vmem>>)
      %dma_start3A_198 = arith.constant 2 : i32
      %dma_start3A_199 = arith.constant 0 : i32
      %dma_start3A_200 = arith.constant 0 : i32
      %dma_start3A_201 = tpu.memref_slice %arg9[%dma_start3A_198, %dma_start3A_199, %dma_start3A_200] : memref<8x128x32xf32, #tpu.memory_space<vmem>> -> memref<1x128x32xf32, #tpu.memory_space<vmem>>
      %dma_start3A_202 = tpu.memref_squeeze %dma_start3A_201 : memref<1x128x32xf32, #tpu.memory_space<vmem>> -> memref<128x32xf32, #tpu.memory_space<vmem>>
      %dma_start3A_203 = arith.constant 0 : i32
      %dma_start3A_204 = tpu.memref_slice %arg8[%add3A_186, %dma_start3A_203] : memref<40x128xi32, #tpu.memory_space<vmem>> -> memref<1x128xi32, #tpu.memory_space<vmem>>
      %dma_start3A_205 = tpu.memref_squeeze %dma_start3A_204 : memref<1x128xi32, #tpu.memory_space<vmem>> -> memref<128xi32, #tpu.memory_space<vmem>>
      %dma_start3A_206 = arith.constant 0 : i32
      %dma_start3A_207 = arith.constant 0 : i32
      %dma_start3A_208 = tpu.memref_slice %arg10[%dma_start3A_206, %dma_start3A_207] : memref<14096x32xf32, #tpu.memory_space<vmem_shared>> -> memref<14096x32xf32, #tpu.memory_space<vmem_shared>>
      tpu.enqueue_indirect_dma source(%dma_start3A_202 : memref<128x32xf32, #tpu.memory_space<vmem>>) target(%dma_start3A_208 : memref<14096x32xf32, #tpu.memory_space<vmem_shared>>) offsets(%dma_start3A_205 : memref<128xi32, #tpu.memory_space<vmem>>) semaphore(%arg21 : memref<!tpu.dma_semaphore, #tpu.memory_space<semaphore_mem>>) {add = true}
      %ge3A_209 = arith.constant 4 : i32
      %ge3A_210 = arith.cmpi sge, %add3A_186, %ge3A_209 : i32
      %convert_element_type3A_211 = arith.extui %ge3A_210 : i1 to i32
      %cond3A_212 = arith.constant 0 : i32
      %cond3A_213 = arith.cmpi ne, %convert_element_type3A_211, %cond3A_212 : i32
      scf.if %cond3A_213 {
        %dma_wait3A_411 = arith.constant 6 : i32
        %dma_wait3A_412 = arith.constant 0 : i32
        %dma_wait3A_413 = arith.constant 0 : i32
        %dma_wait3A_414 = tpu.memref_slice %arg9[%dma_wait3A_411, %dma_wait3A_412, %dma_wait3A_413] : memref<8x128x32xf32, #tpu.memory_space<vmem>> -> memref<1x128x32xf32, #tpu.memory_space<vmem>>
        %dma_wait3A_415 = tpu.memref_squeeze %dma_wait3A_414 : memref<1x128x32xf32, #tpu.memory_space<vmem>> -> memref<128x32xf32, #tpu.memory_space<vmem>>
        %dma_wait3A_416 = arith.constant 0 : i32
        %dma_wait3A_417 = tpu.memref_slice %arg8[%add3A_186, %dma_wait3A_416] : memref<40x128xi32, #tpu.memory_space<vmem>> -> memref<1x128xi32, #tpu.memory_space<vmem>>
        %dma_wait3A_418 = tpu.memref_squeeze %dma_wait3A_417 : memref<1x128xi32, #tpu.memory_space<vmem>> -> memref<128xi32, #tpu.memory_space<vmem>>
        %dma_wait3A_419 = arith.constant 0 : i32
        %dma_wait3A_420 = arith.constant 0 : i32
        %dma_wait3A_421 = tpu.memref_slice %arg10[%dma_wait3A_419, %dma_wait3A_420] : memref<14096x32xf32, #tpu.memory_space<vmem_shared>> -> memref<14096x32xf32, #tpu.memory_space<vmem_shared>>
        tpu.wait_indirect_dma semaphore(%arg25 : memref<!tpu.dma_semaphore, #tpu.memory_space<semaphore_mem>>) src(%dma_wait3A_415 : memref<128x32xf32, #tpu.memory_space<vmem>>) dst(%dma_wait3A_421 : memref<14096x32xf32, #tpu.memory_space<vmem_shared>>)
      } else {
      }
      %add3A_214 = arith.constant 4 : i32
      %add3A_215 = arith.addi %add3A_186, %add3A_214 : i32
      %lt3A_216 = arith.constant 40 : i32
      %lt3A_217 = arith.cmpi slt, %add3A_215, %lt3A_216 : i32
      %convert_element_type3A_218 = arith.extui %lt3A_217 : i1 to i32
      %cond3A_219 = arith.constant 0 : i32
      %cond3A_220 = arith.cmpi ne, %convert_element_type3A_218, %cond3A_219 : i32
      scf.if %cond3A_220 {
        %add3A_411 = arith.constant 4 : i32
        %add3A_412 = arith.addi %add3A_186, %add3A_411 : i32
        %dma_start3A_413 = arith.constant 6 : i32
        %dma_start3A_414 = arith.constant 0 : i32
        %dma_start3A_415 = arith.constant 0 : i32
        %dma_start3A_416 = tpu.memref_slice %arg9[%dma_start3A_413, %dma_start3A_414, %dma_start3A_415] : memref<8x128x32xf32, #tpu.memory_space<vmem>> -> memref<1x128x32xf32, #tpu.memory_space<vmem>>
        %dma_start3A_417 = tpu.memref_squeeze %dma_start3A_416 : memref<1x128x32xf32, #tpu.memory_space<vmem>> -> memref<128x32xf32, #tpu.memory_space<vmem>>
        %dma_start3A_418 = arith.constant 0 : i32
        %dma_start3A_419 = tpu.memref_slice %arg7[%add3A_412, %dma_start3A_418] : memref<40x128xi32, #tpu.memory_space<vmem>> -> memref<1x128xi32, #tpu.memory_space<vmem>>
        %dma_start3A_420 = tpu.memref_squeeze %dma_start3A_419 : memref<1x128xi32, #tpu.memory_space<vmem>> -> memref<128xi32, #tpu.memory_space<vmem>>
        %dma_start3A_421 = arith.constant 0 : i32
        %dma_start3A_422 = arith.constant 0 : i32
        %dma_start3A_423 = tpu.memref_slice %arg4[%dma_start3A_421, %dma_start3A_422] : memref<10000x32xf32, #tpu.memory_space<hbm>> -> memref<10000x32xf32, #tpu.memory_space<hbm>>
        tpu.enqueue_indirect_dma source(%dma_start3A_423 : memref<10000x32xf32, #tpu.memory_space<hbm>>) target(%dma_start3A_417 : memref<128x32xf32, #tpu.memory_space<vmem>>) offsets(%dma_start3A_420 : memref<128xi32, #tpu.memory_space<vmem>>) semaphore(%arg17 : memref<!tpu.dma_semaphore, #tpu.memory_space<semaphore_mem>>)
      } else {
      }
      %mul3A_221 = arith.constant 8 : i32
      %mul3A_222 = arith.muli %scan3A_110, %mul3A_221 : i32
      %add3A_223 = arith.constant 3 : i32
      %add3A_224 = arith.addi %mul3A_222, %add3A_223 : i32
      %dma_wait3A_225 = arith.constant 3 : i32
      %dma_wait3A_226 = arith.constant 0 : i32
      %dma_wait3A_227 = arith.constant 0 : i32
      %dma_wait3A_228 = tpu.memref_slice %arg9[%dma_wait3A_225, %dma_wait3A_226, %dma_wait3A_227] : memref<8x128x32xf32, #tpu.memory_space<vmem>> -> memref<1x128x32xf32, #tpu.memory_space<vmem>>
      %dma_wait3A_229 = tpu.memref_squeeze %dma_wait3A_228 : memref<1x128x32xf32, #tpu.memory_space<vmem>> -> memref<128x32xf32, #tpu.memory_space<vmem>>
      %dma_wait3A_230 = arith.constant 0 : i32
      %dma_wait3A_231 = tpu.memref_slice %arg7[%add3A_224, %dma_wait3A_230] : memref<40x128xi32, #tpu.memory_space<vmem>> -> memref<1x128xi32, #tpu.memory_space<vmem>>
      %dma_wait3A_232 = tpu.memref_squeeze %dma_wait3A_231 : memref<1x128xi32, #tpu.memory_space<vmem>> -> memref<128xi32, #tpu.memory_space<vmem>>
      %dma_wait3A_233 = arith.constant 0 : i32
      %dma_wait3A_234 = arith.constant 0 : i32
      %dma_wait3A_235 = tpu.memref_slice %arg4[%dma_wait3A_233, %dma_wait3A_234] : memref<10000x32xf32, #tpu.memory_space<hbm>> -> memref<10000x32xf32, #tpu.memory_space<hbm>>
      tpu.wait_indirect_dma semaphore(%arg14 : memref<!tpu.dma_semaphore, #tpu.memory_space<semaphore_mem>>) src(%dma_wait3A_235 : memref<10000x32xf32, #tpu.memory_space<hbm>>) dst(%dma_wait3A_229 : memref<128x32xf32, #tpu.memory_space<vmem>>)
      %dma_start3A_236 = arith.constant 3 : i32
      %dma_start3A_237 = arith.constant 0 : i32
      %dma_start3A_238 = arith.constant 0 : i32
      %dma_start3A_239 = tpu.memref_slice %arg9[%dma_start3A_236, %dma_start3A_237, %dma_start3A_238] : memref<8x128x32xf32, #tpu.memory_space<vmem>> -> memref<1x128x32xf32, #tpu.memory_space<vmem>>
      %dma_start3A_240 = tpu.memref_squeeze %dma_start3A_239 : memref<1x128x32xf32, #tpu.memory_space<vmem>> -> memref<128x32xf32, #tpu.memory_space<vmem>>
      %dma_start3A_241 = arith.constant 0 : i32
      %dma_start3A_242 = tpu.memref_slice %arg8[%add3A_224, %dma_start3A_241] : memref<40x128xi32, #tpu.memory_space<vmem>> -> memref<1x128xi32, #tpu.memory_space<vmem>>
      %dma_start3A_243 = tpu.memref_squeeze %dma_start3A_242 : memref<1x128xi32, #tpu.memory_space<vmem>> -> memref<128xi32, #tpu.memory_space<vmem>>
      %dma_start3A_244 = arith.constant 0 : i32
      %dma_start3A_245 = arith.constant 0 : i32
      %dma_start3A_246 = tpu.memref_slice %arg10[%dma_start3A_244, %dma_start3A_245] : memref<14096x32xf32, #tpu.memory_space<vmem_shared>> -> memref<14096x32xf32, #tpu.memory_space<vmem_shared>>
      tpu.enqueue_indirect_dma source(%dma_start3A_240 : memref<128x32xf32, #tpu.memory_space<vmem>>) target(%dma_start3A_246 : memref<14096x32xf32, #tpu.memory_space<vmem_shared>>) offsets(%dma_start3A_243 : memref<128xi32, #tpu.memory_space<vmem>>) semaphore(%arg22 : memref<!tpu.dma_semaphore, #tpu.memory_space<semaphore_mem>>) {add = true}
      %ge3A_247 = arith.constant 4 : i32
      %ge3A_248 = arith.cmpi sge, %add3A_224, %ge3A_247 : i32
      %convert_element_type3A_249 = arith.extui %ge3A_248 : i1 to i32
      %cond3A_250 = arith.constant 0 : i32
      %cond3A_251 = arith.cmpi ne, %convert_element_type3A_249, %cond3A_250 : i32
      scf.if %cond3A_251 {
        %dma_wait3A_411 = arith.constant 7 : i32
        %dma_wait3A_412 = arith.constant 0 : i32
        %dma_wait3A_413 = arith.constant 0 : i32
        %dma_wait3A_414 = tpu.memref_slice %arg9[%dma_wait3A_411, %dma_wait3A_412, %dma_wait3A_413] : memref<8x128x32xf32, #tpu.memory_space<vmem>> -> memref<1x128x32xf32, #tpu.memory_space<vmem>>
        %dma_wait3A_415 = tpu.memref_squeeze %dma_wait3A_414 : memref<1x128x32xf32, #tpu.memory_space<vmem>> -> memref<128x32xf32, #tpu.memory_space<vmem>>
        %dma_wait3A_416 = arith.constant 0 : i32
        %dma_wait3A_417 = tpu.memref_slice %arg8[%add3A_224, %dma_wait3A_416] : memref<40x128xi32, #tpu.memory_space<vmem>> -> memref<1x128xi32, #tpu.memory_space<vmem>>
        %dma_wait3A_418 = tpu.memref_squeeze %dma_wait3A_417 : memref<1x128xi32, #tpu.memory_space<vmem>> -> memref<128xi32, #tpu.memory_space<vmem>>
        %dma_wait3A_419 = arith.constant 0 : i32
        %dma_wait3A_420 = arith.constant 0 : i32
        %dma_wait3A_421 = tpu.memref_slice %arg10[%dma_wait3A_419, %dma_wait3A_420] : memref<14096x32xf32, #tpu.memory_space<vmem_shared>> -> memref<14096x32xf32, #tpu.memory_space<vmem_shared>>
        tpu.wait_indirect_dma semaphore(%arg26 : memref<!tpu.dma_semaphore, #tpu.memory_space<semaphore_mem>>) src(%dma_wait3A_415 : memref<128x32xf32, #tpu.memory_space<vmem>>) dst(%dma_wait3A_421 : memref<14096x32xf32, #tpu.memory_space<vmem_shared>>)
      } else {
      }
      %add3A_252 = arith.constant 4 : i32
      %add3A_253 = arith.addi %add3A_224, %add3A_252 : i32
      %lt3A_254 = arith.constant 40 : i32
      %lt3A_255 = arith.cmpi slt, %add3A_253, %lt3A_254 : i32
      %convert_element_type3A_256 = arith.extui %lt3A_255 : i1 to i32
      %cond3A_257 = arith.constant 0 : i32
      %cond3A_258 = arith.cmpi ne, %convert_element_type3A_256, %cond3A_257 : i32
      scf.if %cond3A_258 {
        %add3A_411 = arith.constant 4 : i32
        %add3A_412 = arith.addi %add3A_224, %add3A_411 : i32
        %dma_start3A_413 = arith.constant 7 : i32
        %dma_start3A_414 = arith.constant 0 : i32
        %dma_start3A_415 = arith.constant 0 : i32
        %dma_start3A_416 = tpu.memref_slice %arg9[%dma_start3A_413, %dma_start3A_414, %dma_start3A_415] : memref<8x128x32xf32, #tpu.memory_space<vmem>> -> memref<1x128x32xf32, #tpu.memory_space<vmem>>
        %dma_start3A_417 = tpu.memref_squeeze %dma_start3A_416 : memref<1x128x32xf32, #tpu.memory_space<vmem>> -> memref<128x32xf32, #tpu.memory_space<vmem>>
        %dma_start3A_418 = arith.constant 0 : i32
        %dma_start3A_419 = tpu.memref_slice %arg7[%add3A_412, %dma_start3A_418] : memref<40x128xi32, #tpu.memory_space<vmem>> -> memref<1x128xi32, #tpu.memory_space<vmem>>
        %dma_start3A_420 = tpu.memref_squeeze %dma_start3A_419 : memref<1x128xi32, #tpu.memory_space<vmem>> -> memref<128xi32, #tpu.memory_space<vmem>>
        %dma_start3A_421 = arith.constant 0 : i32
        %dma_start3A_422 = arith.constant 0 : i32
        %dma_start3A_423 = tpu.memref_slice %arg4[%dma_start3A_421, %dma_start3A_422] : memref<10000x32xf32, #tpu.memory_space<hbm>> -> memref<10000x32xf32, #tpu.memory_space<hbm>>
        tpu.enqueue_indirect_dma source(%dma_start3A_423 : memref<10000x32xf32, #tpu.memory_space<hbm>>) target(%dma_start3A_417 : memref<128x32xf32, #tpu.memory_space<vmem>>) offsets(%dma_start3A_420 : memref<128xi32, #tpu.memory_space<vmem>>) semaphore(%arg18 : memref<!tpu.dma_semaphore, #tpu.memory_space<semaphore_mem>>)
      } else {
      }
      %mul3A_259 = arith.constant 8 : i32
      %mul3A_260 = arith.muli %scan3A_110, %mul3A_259 : i32
      %add3A_261 = arith.constant 4 : i32
      %add3A_262 = arith.addi %mul3A_260, %add3A_261 : i32
      %dma_wait3A_263 = arith.constant 4 : i32
      %dma_wait3A_264 = arith.constant 0 : i32
      %dma_wait3A_265 = arith.constant 0 : i32
      %dma_wait3A_266 = tpu.memref_slice %arg9[%dma_wait3A_263, %dma_wait3A_264, %dma_wait3A_265] : memref<8x128x32xf32, #tpu.memory_space<vmem>> -> memref<1x128x32xf32, #tpu.memory_space<vmem>>
      %dma_wait3A_267 = tpu.memref_squeeze %dma_wait3A_266 : memref<1x128x32xf32, #tpu.memory_space<vmem>> -> memref<128x32xf32, #tpu.memory_space<vmem>>
      %dma_wait3A_268 = arith.constant 0 : i32
      %dma_wait3A_269 = tpu.memref_slice %arg7[%add3A_262, %dma_wait3A_268] : memref<40x128xi32, #tpu.memory_space<vmem>> -> memref<1x128xi32, #tpu.memory_space<vmem>>
      %dma_wait3A_270 = tpu.memref_squeeze %dma_wait3A_269 : memref<1x128xi32, #tpu.memory_space<vmem>> -> memref<128xi32, #tpu.memory_space<vmem>>
      %dma_wait3A_271 = arith.constant 0 : i32
      %dma_wait3A_272 = arith.constant 0 : i32
      %dma_wait3A_273 = tpu.memref_slice %arg4[%dma_wait3A_271, %dma_wait3A_272] : memref<10000x32xf32, #tpu.memory_space<hbm>> -> memref<10000x32xf32, #tpu.memory_space<hbm>>
      tpu.wait_indirect_dma semaphore(%arg15 : memref<!tpu.dma_semaphore, #tpu.memory_space<semaphore_mem>>) src(%dma_wait3A_273 : memref<10000x32xf32, #tpu.memory_space<hbm>>) dst(%dma_wait3A_267 : memref<128x32xf32, #tpu.memory_space<vmem>>)
      %dma_start3A_274 = arith.constant 4 : i32
      %dma_start3A_275 = arith.constant 0 : i32
      %dma_start3A_276 = arith.constant 0 : i32
      %dma_start3A_277 = tpu.memref_slice %arg9[%dma_start3A_274, %dma_start3A_275, %dma_start3A_276] : memref<8x128x32xf32, #tpu.memory_space<vmem>> -> memref<1x128x32xf32, #tpu.memory_space<vmem>>
      %dma_start3A_278 = tpu.memref_squeeze %dma_start3A_277 : memref<1x128x32xf32, #tpu.memory_space<vmem>> -> memref<128x32xf32, #tpu.memory_space<vmem>>
      %dma_start3A_279 = arith.constant 0 : i32
      %dma_start3A_280 = tpu.memref_slice %arg8[%add3A_262, %dma_start3A_279] : memref<40x128xi32, #tpu.memory_space<vmem>> -> memref<1x128xi32, #tpu.memory_space<vmem>>
      %dma_start3A_281 = tpu.memref_squeeze %dma_start3A_280 : memref<1x128xi32, #tpu.memory_space<vmem>> -> memref<128xi32, #tpu.memory_space<vmem>>
      %dma_start3A_282 = arith.constant 0 : i32
      %dma_start3A_283 = arith.constant 0 : i32
      %dma_start3A_284 = tpu.memref_slice %arg10[%dma_start3A_282, %dma_start3A_283] : memref<14096x32xf32, #tpu.memory_space<vmem_shared>> -> memref<14096x32xf32, #tpu.memory_space<vmem_shared>>
      tpu.enqueue_indirect_dma source(%dma_start3A_278 : memref<128x32xf32, #tpu.memory_space<vmem>>) target(%dma_start3A_284 : memref<14096x32xf32, #tpu.memory_space<vmem_shared>>) offsets(%dma_start3A_281 : memref<128xi32, #tpu.memory_space<vmem>>) semaphore(%arg23 : memref<!tpu.dma_semaphore, #tpu.memory_space<semaphore_mem>>) {add = true}
      %ge3A_285 = arith.constant 4 : i32
      %ge3A_286 = arith.cmpi sge, %add3A_262, %ge3A_285 : i32
      %convert_element_type3A_287 = arith.extui %ge3A_286 : i1 to i32
      %cond3A_288 = arith.constant 0 : i32
      %cond3A_289 = arith.cmpi ne, %convert_element_type3A_287, %cond3A_288 : i32
      scf.if %cond3A_289 {
        %dma_wait3A_411 = arith.constant 0 : i32
        %dma_wait3A_412 = arith.constant 0 : i32
        %dma_wait3A_413 = arith.constant 0 : i32
        %dma_wait3A_414 = tpu.memref_slice %arg9[%dma_wait3A_411, %dma_wait3A_412, %dma_wait3A_413] : memref<8x128x32xf32, #tpu.memory_space<vmem>> -> memref<1x128x32xf32, #tpu.memory_space<vmem>>
        %dma_wait3A_415 = tpu.memref_squeeze %dma_wait3A_414 : memref<1x128x32xf32, #tpu.memory_space<vmem>> -> memref<128x32xf32, #tpu.memory_space<vmem>>
        %dma_wait3A_416 = arith.constant 0 : i32
        %dma_wait3A_417 = tpu.memref_slice %arg8[%add3A_262, %dma_wait3A_416] : memref<40x128xi32, #tpu.memory_space<vmem>> -> memref<1x128xi32, #tpu.memory_space<vmem>>
        %dma_wait3A_418 = tpu.memref_squeeze %dma_wait3A_417 : memref<1x128xi32, #tpu.memory_space<vmem>> -> memref<128xi32, #tpu.memory_space<vmem>>
        %dma_wait3A_419 = arith.constant 0 : i32
        %dma_wait3A_420 = arith.constant 0 : i32
        %dma_wait3A_421 = tpu.memref_slice %arg10[%dma_wait3A_419, %dma_wait3A_420] : memref<14096x32xf32, #tpu.memory_space<vmem_shared>> -> memref<14096x32xf32, #tpu.memory_space<vmem_shared>>
        tpu.wait_indirect_dma semaphore(%arg19 : memref<!tpu.dma_semaphore, #tpu.memory_space<semaphore_mem>>) src(%dma_wait3A_415 : memref<128x32xf32, #tpu.memory_space<vmem>>) dst(%dma_wait3A_421 : memref<14096x32xf32, #tpu.memory_space<vmem_shared>>)
      } else {
      }
      %add3A_290 = arith.constant 4 : i32
      %add3A_291 = arith.addi %add3A_262, %add3A_290 : i32
      %lt3A_292 = arith.constant 40 : i32
      %lt3A_293 = arith.cmpi slt, %add3A_291, %lt3A_292 : i32
      %convert_element_type3A_294 = arith.extui %lt3A_293 : i1 to i32
      %cond3A_295 = arith.constant 0 : i32
      %cond3A_296 = arith.cmpi ne, %convert_element_type3A_294, %cond3A_295 : i32
      scf.if %cond3A_296 {
        %add3A_411 = arith.constant 4 : i32
        %add3A_412 = arith.addi %add3A_262, %add3A_411 : i32
        %dma_start3A_413 = arith.constant 0 : i32
        %dma_start3A_414 = arith.constant 0 : i32
        %dma_start3A_415 = arith.constant 0 : i32
        %dma_start3A_416 = tpu.memref_slice %arg9[%dma_start3A_413, %dma_start3A_414, %dma_start3A_415] : memref<8x128x32xf32, #tpu.memory_space<vmem>> -> memref<1x128x32xf32, #tpu.memory_space<vmem>>
        %dma_start3A_417 = tpu.memref_squeeze %dma_start3A_416 : memref<1x128x32xf32, #tpu.memory_space<vmem>> -> memref<128x32xf32, #tpu.memory_space<vmem>>
        %dma_start3A_418 = arith.constant 0 : i32
        %dma_start3A_419 = tpu.memref_slice %arg7[%add3A_412, %dma_start3A_418] : memref<40x128xi32, #tpu.memory_space<vmem>> -> memref<1x128xi32, #tpu.memory_space<vmem>>
        %dma_start3A_420 = tpu.memref_squeeze %dma_start3A_419 : memref<1x128xi32, #tpu.memory_space<vmem>> -> memref<128xi32, #tpu.memory_space<vmem>>
        %dma_start3A_421 = arith.constant 0 : i32
        %dma_start3A_422 = arith.constant 0 : i32
        %dma_start3A_423 = tpu.memref_slice %arg4[%dma_start3A_421, %dma_start3A_422] : memref<10000x32xf32, #tpu.memory_space<hbm>> -> memref<10000x32xf32, #tpu.memory_space<hbm>>
        tpu.enqueue_indirect_dma source(%dma_start3A_423 : memref<10000x32xf32, #tpu.memory_space<hbm>>) target(%dma_start3A_417 : memref<128x32xf32, #tpu.memory_space<vmem>>) offsets(%dma_start3A_420 : memref<128xi32, #tpu.memory_space<vmem>>) semaphore(%arg11 : memref<!tpu.dma_semaphore, #tpu.memory_space<semaphore_mem>>)
      } else {
      }
      %mul3A_297 = arith.constant 8 : i32
      %mul3A_298 = arith.muli %scan3A_110, %mul3A_297 : i32
      %add3A_299 = arith.constant 5 : i32
      %add3A_300 = arith.addi %mul3A_298, %add3A_299 : i32
      %dma_wait3A_301 = arith.constant 5 : i32
      %dma_wait3A_302 = arith.constant 0 : i32
      %dma_wait3A_303 = arith.constant 0 : i32
      %dma_wait3A_304 = tpu.memref_slice %arg9[%dma_wait3A_301, %dma_wait3A_302, %dma_wait3A_303] : memref<8x128x32xf32, #tpu.memory_space<vmem>> -> memref<1x128x32xf32, #tpu.memory_space<vmem>>
      %dma_wait3A_305 = tpu.memref_squeeze %dma_wait3A_304 : memref<1x128x32xf32, #tpu.memory_space<vmem>> -> memref<128x32xf32, #tpu.memory_space<vmem>>
      %dma_wait3A_306 = arith.constant 0 : i32
      %dma_wait3A_307 = tpu.memref_slice %arg7[%add3A_300, %dma_wait3A_306] : memref<40x128xi32, #tpu.memory_space<vmem>> -> memref<1x128xi32, #tpu.memory_space<vmem>>
      %dma_wait3A_308 = tpu.memref_squeeze %dma_wait3A_307 : memref<1x128xi32, #tpu.memory_space<vmem>> -> memref<128xi32, #tpu.memory_space<vmem>>
      %dma_wait3A_309 = arith.constant 0 : i32
      %dma_wait3A_310 = arith.constant 0 : i32
      %dma_wait3A_311 = tpu.memref_slice %arg4[%dma_wait3A_309, %dma_wait3A_310] : memref<10000x32xf32, #tpu.memory_space<hbm>> -> memref<10000x32xf32, #tpu.memory_space<hbm>>
      tpu.wait_indirect_dma semaphore(%arg16 : memref<!tpu.dma_semaphore, #tpu.memory_space<semaphore_mem>>) src(%dma_wait3A_311 : memref<10000x32xf32, #tpu.memory_space<hbm>>) dst(%dma_wait3A_305 : memref<128x32xf32, #tpu.memory_space<vmem>>)
      %dma_start3A_312 = arith.constant 5 : i32
      %dma_start3A_313 = arith.constant 0 : i32
      %dma_start3A_314 = arith.constant 0 : i32
      %dma_start3A_315 = tpu.memref_slice %arg9[%dma_start3A_312, %dma_start3A_313, %dma_start3A_314] : memref<8x128x32xf32, #tpu.memory_space<vmem>> -> memref<1x128x32xf32, #tpu.memory_space<vmem>>
      %dma_start3A_316 = tpu.memref_squeeze %dma_start3A_315 : memref<1x128x32xf32, #tpu.memory_space<vmem>> -> memref<128x32xf32, #tpu.memory_space<vmem>>
      %dma_start3A_317 = arith.constant 0 : i32
      %dma_start3A_318 = tpu.memref_slice %arg8[%add3A_300, %dma_start3A_317] : memref<40x128xi32, #tpu.memory_space<vmem>> -> memref<1x128xi32, #tpu.memory_space<vmem>>
      %dma_start3A_319 = tpu.memref_squeeze %dma_start3A_318 : memref<1x128xi32, #tpu.memory_space<vmem>> -> memref<128xi32, #tpu.memory_space<vmem>>
      %dma_start3A_320 = arith.constant 0 : i32
      %dma_start3A_321 = arith.constant 0 : i32
      %dma_start3A_322 = tpu.memref_slice %arg10[%dma_start3A_320, %dma_start3A_321] : memref<14096x32xf32, #tpu.memory_space<vmem_shared>> -> memref<14096x32xf32, #tpu.memory_space<vmem_shared>>
      tpu.enqueue_indirect_dma source(%dma_start3A_316 : memref<128x32xf32, #tpu.memory_space<vmem>>) target(%dma_start3A_322 : memref<14096x32xf32, #tpu.memory_space<vmem_shared>>) offsets(%dma_start3A_319 : memref<128xi32, #tpu.memory_space<vmem>>) semaphore(%arg24 : memref<!tpu.dma_semaphore, #tpu.memory_space<semaphore_mem>>) {add = true}
      %ge3A_323 = arith.constant 4 : i32
      %ge3A_324 = arith.cmpi sge, %add3A_300, %ge3A_323 : i32
      %convert_element_type3A_325 = arith.extui %ge3A_324 : i1 to i32
      %cond3A_326 = arith.constant 0 : i32
      %cond3A_327 = arith.cmpi ne, %convert_element_type3A_325, %cond3A_326 : i32
      scf.if %cond3A_327 {
        %dma_wait3A_411 = arith.constant 1 : i32
        %dma_wait3A_412 = arith.constant 0 : i32
        %dma_wait3A_413 = arith.constant 0 : i32
        %dma_wait3A_414 = tpu.memref_slice %arg9[%dma_wait3A_411, %dma_wait3A_412, %dma_wait3A_413] : memref<8x128x32xf32, #tpu.memory_space<vmem>> -> memref<1x128x32xf32, #tpu.memory_space<vmem>>
        %dma_wait3A_415 = tpu.memref_squeeze %dma_wait3A_414 : memref<1x128x32xf32, #tpu.memory_space<vmem>> -> memref<128x32xf32, #tpu.memory_space<vmem>>
        %dma_wait3A_416 = arith.constant 0 : i32
        %dma_wait3A_417 = tpu.memref_slice %arg8[%add3A_300, %dma_wait3A_416] : memref<40x128xi32, #tpu.memory_space<vmem>> -> memref<1x128xi32, #tpu.memory_space<vmem>>
        %dma_wait3A_418 = tpu.memref_squeeze %dma_wait3A_417 : memref<1x128xi32, #tpu.memory_space<vmem>> -> memref<128xi32, #tpu.memory_space<vmem>>
        %dma_wait3A_419 = arith.constant 0 : i32
        %dma_wait3A_420 = arith.constant 0 : i32
        %dma_wait3A_421 = tpu.memref_slice %arg10[%dma_wait3A_419, %dma_wait3A_420] : memref<14096x32xf32, #tpu.memory_space<vmem_shared>> -> memref<14096x32xf32, #tpu.memory_space<vmem_shared>>
        tpu.wait_indirect_dma semaphore(%arg20 : memref<!tpu.dma_semaphore, #tpu.memory_space<semaphore_mem>>) src(%dma_wait3A_415 : memref<128x32xf32, #tpu.memory_space<vmem>>) dst(%dma_wait3A_421 : memref<14096x32xf32, #tpu.memory_space<vmem_shared>>)
      } else {
      }
      %add3A_328 = arith.constant 4 : i32
      %add3A_329 = arith.addi %add3A_300, %add3A_328 : i32
      %lt3A_330 = arith.constant 40 : i32
      %lt3A_331 = arith.cmpi slt, %add3A_329, %lt3A_330 : i32
      %convert_element_type3A_332 = arith.extui %lt3A_331 : i1 to i32
      %cond3A_333 = arith.constant 0 : i32
      %cond3A_334 = arith.cmpi ne, %convert_element_type3A_332, %cond3A_333 : i32
      scf.if %cond3A_334 {
        %add3A_411 = arith.constant 4 : i32
        %add3A_412 = arith.addi %add3A_300, %add3A_411 : i32
        %dma_start3A_413 = arith.constant 1 : i32
        %dma_start3A_414 = arith.constant 0 : i32
        %dma_start3A_415 = arith.constant 0 : i32
        %dma_start3A_416 = tpu.memref_slice %arg9[%dma_start3A_413, %dma_start3A_414, %dma_start3A_415] : memref<8x128x32xf32, #tpu.memory_space<vmem>> -> memref<1x128x32xf32, #tpu.memory_space<vmem>>
        %dma_start3A_417 = tpu.memref_squeeze %dma_start3A_416 : memref<1x128x32xf32, #tpu.memory_space<vmem>> -> memref<128x32xf32, #tpu.memory_space<vmem>>
        %dma_start3A_418 = arith.constant 0 : i32
        %dma_start3A_419 = tpu.memref_slice %arg7[%add3A_412, %dma_start3A_418] : memref<40x128xi32, #tpu.memory_space<vmem>> -> memref<1x128xi32, #tpu.memory_space<vmem>>
        %dma_start3A_420 = tpu.memref_squeeze %dma_start3A_419 : memref<1x128xi32, #tpu.memory_space<vmem>> -> memref<128xi32, #tpu.memory_space<vmem>>
        %dma_start3A_421 = arith.constant 0 : i32
        %dma_start3A_422 = arith.constant 0 : i32
        %dma_start3A_423 = tpu.memref_slice %arg4[%dma_start3A_421, %dma_start3A_422] : memref<10000x32xf32, #tpu.memory_space<hbm>> -> memref<10000x32xf32, #tpu.memory_space<hbm>>
        tpu.enqueue_indirect_dma source(%dma_start3A_423 : memref<10000x32xf32, #tpu.memory_space<hbm>>) target(%dma_start3A_417 : memref<128x32xf32, #tpu.memory_space<vmem>>) offsets(%dma_start3A_420 : memref<128xi32, #tpu.memory_space<vmem>>) semaphore(%arg12 : memref<!tpu.dma_semaphore, #tpu.memory_space<semaphore_mem>>)
      } else {
      }
      %mul3A_335 = arith.constant 8 : i32
      %mul3A_336 = arith.muli %scan3A_110, %mul3A_335 : i32
      %add3A_337 = arith.constant 6 : i32
      %add3A_338 = arith.addi %mul3A_336, %add3A_337 : i32
      %dma_wait3A_339 = arith.constant 6 : i32
      %dma_wait3A_340 = arith.constant 0 : i32
      %dma_wait3A_341 = arith.constant 0 : i32
      %dma_wait3A_342 = tpu.memref_slice %arg9[%dma_wait3A_339, %dma_wait3A_340, %dma_wait3A_341] : memref<8x128x32xf32, #tpu.memory_space<vmem>> -> memref<1x128x32xf32, #tpu.memory_space<vmem>>
      %dma_wait3A_343 = tpu.memref_squeeze %dma_wait3A_342 : memref<1x128x32xf32, #tpu.memory_space<vmem>> -> memref<128x32xf32, #tpu.memory_space<vmem>>
      %dma_wait3A_344 = arith.constant 0 : i32
      %dma_wait3A_345 = tpu.memref_slice %arg7[%add3A_338, %dma_wait3A_344] : memref<40x128xi32, #tpu.memory_space<vmem>> -> memref<1x128xi32, #tpu.memory_space<vmem>>
      %dma_wait3A_346 = tpu.memref_squeeze %dma_wait3A_345 : memref<1x128xi32, #tpu.memory_space<vmem>> -> memref<128xi32, #tpu.memory_space<vmem>>
      %dma_wait3A_347 = arith.constant 0 : i32
      %dma_wait3A_348 = arith.constant 0 : i32
      %dma_wait3A_349 = tpu.memref_slice %arg4[%dma_wait3A_347, %dma_wait3A_348] : memref<10000x32xf32, #tpu.memory_space<hbm>> -> memref<10000x32xf32, #tpu.memory_space<hbm>>
      tpu.wait_indirect_dma semaphore(%arg17 : memref<!tpu.dma_semaphore, #tpu.memory_space<semaphore_mem>>) src(%dma_wait3A_349 : memref<10000x32xf32, #tpu.memory_space<hbm>>) dst(%dma_wait3A_343 : memref<128x32xf32, #tpu.memory_space<vmem>>)
      %dma_start3A_350 = arith.constant 6 : i32
      %dma_start3A_351 = arith.constant 0 : i32
      %dma_start3A_352 = arith.constant 0 : i32
      %dma_start3A_353 = tpu.memref_slice %arg9[%dma_start3A_350, %dma_start3A_351, %dma_start3A_352] : memref<8x128x32xf32, #tpu.memory_space<vmem>> -> memref<1x128x32xf32, #tpu.memory_space<vmem>>
      %dma_start3A_354 = tpu.memref_squeeze %dma_start3A_353 : memref<1x128x32xf32, #tpu.memory_space<vmem>> -> memref<128x32xf32, #tpu.memory_space<vmem>>
      %dma_start3A_355 = arith.constant 0 : i32
      %dma_start3A_356 = tpu.memref_slice %arg8[%add3A_338, %dma_start3A_355] : memref<40x128xi32, #tpu.memory_space<vmem>> -> memref<1x128xi32, #tpu.memory_space<vmem>>
      %dma_start3A_357 = tpu.memref_squeeze %dma_start3A_356 : memref<1x128xi32, #tpu.memory_space<vmem>> -> memref<128xi32, #tpu.memory_space<vmem>>
      %dma_start3A_358 = arith.constant 0 : i32
      %dma_start3A_359 = arith.constant 0 : i32
      %dma_start3A_360 = tpu.memref_slice %arg10[%dma_start3A_358, %dma_start3A_359] : memref<14096x32xf32, #tpu.memory_space<vmem_shared>> -> memref<14096x32xf32, #tpu.memory_space<vmem_shared>>
      tpu.enqueue_indirect_dma source(%dma_start3A_354 : memref<128x32xf32, #tpu.memory_space<vmem>>) target(%dma_start3A_360 : memref<14096x32xf32, #tpu.memory_space<vmem_shared>>) offsets(%dma_start3A_357 : memref<128xi32, #tpu.memory_space<vmem>>) semaphore(%arg25 : memref<!tpu.dma_semaphore, #tpu.memory_space<semaphore_mem>>) {add = true}
      %ge3A_361 = arith.constant 4 : i32
      %ge3A_362 = arith.cmpi sge, %add3A_338, %ge3A_361 : i32
      %convert_element_type3A_363 = arith.extui %ge3A_362 : i1 to i32
      %cond3A_364 = arith.constant 0 : i32
      %cond3A_365 = arith.cmpi ne, %convert_element_type3A_363, %cond3A_364 : i32
      scf.if %cond3A_365 {
        %dma_wait3A_411 = arith.constant 2 : i32
        %dma_wait3A_412 = arith.constant 0 : i32
        %dma_wait3A_413 = arith.constant 0 : i32
        %dma_wait3A_414 = tpu.memref_slice %arg9[%dma_wait3A_411, %dma_wait3A_412, %dma_wait3A_413] : memref<8x128x32xf32, #tpu.memory_space<vmem>> -> memref<1x128x32xf32, #tpu.memory_space<vmem>>
        %dma_wait3A_415 = tpu.memref_squeeze %dma_wait3A_414 : memref<1x128x32xf32, #tpu.memory_space<vmem>> -> memref<128x32xf32, #tpu.memory_space<vmem>>
        %dma_wait3A_416 = arith.constant 0 : i32
        %dma_wait3A_417 = tpu.memref_slice %arg8[%add3A_338, %dma_wait3A_416] : memref<40x128xi32, #tpu.memory_space<vmem>> -> memref<1x128xi32, #tpu.memory_space<vmem>>
        %dma_wait3A_418 = tpu.memref_squeeze %dma_wait3A_417 : memref<1x128xi32, #tpu.memory_space<vmem>> -> memref<128xi32, #tpu.memory_space<vmem>>
        %dma_wait3A_419 = arith.constant 0 : i32
        %dma_wait3A_420 = arith.constant 0 : i32
        %dma_wait3A_421 = tpu.memref_slice %arg10[%dma_wait3A_419, %dma_wait3A_420] : memref<14096x32xf32, #tpu.memory_space<vmem_shared>> -> memref<14096x32xf32, #tpu.memory_space<vmem_shared>>
        tpu.wait_indirect_dma semaphore(%arg21 : memref<!tpu.dma_semaphore, #tpu.memory_space<semaphore_mem>>) src(%dma_wait3A_415 : memref<128x32xf32, #tpu.memory_space<vmem>>) dst(%dma_wait3A_421 : memref<14096x32xf32, #tpu.memory_space<vmem_shared>>)
      } else {
      }
      %add3A_366 = arith.constant 4 : i32
      %add3A_367 = arith.addi %add3A_338, %add3A_366 : i32
      %lt3A_368 = arith.constant 40 : i32
      %lt3A_369 = arith.cmpi slt, %add3A_367, %lt3A_368 : i32
      %convert_element_type3A_370 = arith.extui %lt3A_369 : i1 to i32
      %cond3A_371 = arith.constant 0 : i32
      %cond3A_372 = arith.cmpi ne, %convert_element_type3A_370, %cond3A_371 : i32
      scf.if %cond3A_372 {
        %add3A_411 = arith.constant 4 : i32
        %add3A_412 = arith.addi %add3A_338, %add3A_411 : i32
        %dma_start3A_413 = arith.constant 2 : i32
        %dma_start3A_414 = arith.constant 0 : i32
        %dma_start3A_415 = arith.constant 0 : i32
        %dma_start3A_416 = tpu.memref_slice %arg9[%dma_start3A_413, %dma_start3A_414, %dma_start3A_415] : memref<8x128x32xf32, #tpu.memory_space<vmem>> -> memref<1x128x32xf32, #tpu.memory_space<vmem>>
        %dma_start3A_417 = tpu.memref_squeeze %dma_start3A_416 : memref<1x128x32xf32, #tpu.memory_space<vmem>> -> memref<128x32xf32, #tpu.memory_space<vmem>>
        %dma_start3A_418 = arith.constant 0 : i32
        %dma_start3A_419 = tpu.memref_slice %arg7[%add3A_412, %dma_start3A_418] : memref<40x128xi32, #tpu.memory_space<vmem>> -> memref<1x128xi32, #tpu.memory_space<vmem>>
        %dma_start3A_420 = tpu.memref_squeeze %dma_start3A_419 : memref<1x128xi32, #tpu.memory_space<vmem>> -> memref<128xi32, #tpu.memory_space<vmem>>
        %dma_start3A_421 = arith.constant 0 : i32
        %dma_start3A_422 = arith.constant 0 : i32
        %dma_start3A_423 = tpu.memref_slice %arg4[%dma_start3A_421, %dma_start3A_422] : memref<10000x32xf32, #tpu.memory_space<hbm>> -> memref<10000x32xf32, #tpu.memory_space<hbm>>
        tpu.enqueue_indirect_dma source(%dma_start3A_423 : memref<10000x32xf32, #tpu.memory_space<hbm>>) target(%dma_start3A_417 : memref<128x32xf32, #tpu.memory_space<vmem>>) offsets(%dma_start3A_420 : memref<128xi32, #tpu.memory_space<vmem>>) semaphore(%arg13 : memref<!tpu.dma_semaphore, #tpu.memory_space<semaphore_mem>>)
      } else {
      }
      %mul3A_373 = arith.constant 8 : i32
      %mul3A_374 = arith.muli %scan3A_110, %mul3A_373 : i32
      %add3A_375 = arith.constant 7 : i32
      %add3A_376 = arith.addi %mul3A_374, %add3A_375 : i32
      %dma_wait3A_377 = arith.constant 7 : i32
      %dma_wait3A_378 = arith.constant 0 : i32
      %dma_wait3A_379 = arith.constant 0 : i32
      %dma_wait3A_380 = tpu.memref_slice %arg9[%dma_wait3A_377, %dma_wait3A_378, %dma_wait3A_379] : memref<8x128x32xf32, #tpu.memory_space<vmem>> -> memref<1x128x32xf32, #tpu.memory_space<vmem>>
      %dma_wait3A_381 = tpu.memref_squeeze %dma_wait3A_380 : memref<1x128x32xf32, #tpu.memory_space<vmem>> -> memref<128x32xf32, #tpu.memory_space<vmem>>
      %dma_wait3A_382 = arith.constant 0 : i32
      %dma_wait3A_383 = tpu.memref_slice %arg7[%add3A_376, %dma_wait3A_382] : memref<40x128xi32, #tpu.memory_space<vmem>> -> memref<1x128xi32, #tpu.memory_space<vmem>>
      %dma_wait3A_384 = tpu.memref_squeeze %dma_wait3A_383 : memref<1x128xi32, #tpu.memory_space<vmem>> -> memref<128xi32, #tpu.memory_space<vmem>>
      %dma_wait3A_385 = arith.constant 0 : i32
      %dma_wait3A_386 = arith.constant 0 : i32
      %dma_wait3A_387 = tpu.memref_slice %arg4[%dma_wait3A_385, %dma_wait3A_386] : memref<10000x32xf32, #tpu.memory_space<hbm>> -> memref<10000x32xf32, #tpu.memory_space<hbm>>
      tpu.wait_indirect_dma semaphore(%arg18 : memref<!tpu.dma_semaphore, #tpu.memory_space<semaphore_mem>>) src(%dma_wait3A_387 : memref<10000x32xf32, #tpu.memory_space<hbm>>) dst(%dma_wait3A_381 : memref<128x32xf32, #tpu.memory_space<vmem>>)
      %dma_start3A_388 = arith.constant 7 : i32
      %dma_start3A_389 = arith.constant 0 : i32
      %dma_start3A_390 = arith.constant 0 : i32
      %dma_start3A_391 = tpu.memref_slice %arg9[%dma_start3A_388, %dma_start3A_389, %dma_start3A_390] : memref<8x128x32xf32, #tpu.memory_space<vmem>> -> memref<1x128x32xf32, #tpu.memory_space<vmem>>
      %dma_start3A_392 = tpu.memref_squeeze %dma_start3A_391 : memref<1x128x32xf32, #tpu.memory_space<vmem>> -> memref<128x32xf32, #tpu.memory_space<vmem>>
      %dma_start3A_393 = arith.constant 0 : i32
      %dma_start3A_394 = tpu.memref_slice %arg8[%add3A_376, %dma_start3A_393] : memref<40x128xi32, #tpu.memory_space<vmem>> -> memref<1x128xi32, #tpu.memory_space<vmem>>
      %dma_start3A_395 = tpu.memref_squeeze %dma_start3A_394 : memref<1x128xi32, #tpu.memory_space<vmem>> -> memref<128xi32, #tpu.memory_space<vmem>>
      %dma_start3A_396 = arith.constant 0 : i32
      %dma_start3A_397 = arith.constant 0 : i32
      %dma_start3A_398 = tpu.memref_slice %arg10[%dma_start3A_396, %dma_start3A_397] : memref<14096x32xf32, #tpu.memory_space<vmem_shared>> -> memref<14096x32xf32, #tpu.memory_space<vmem_shared>>
      tpu.enqueue_indirect_dma source(%dma_start3A_392 : memref<128x32xf32, #tpu.memory_space<vmem>>) target(%dma_start3A_398 : memref<14096x32xf32, #tpu.memory_space<vmem_shared>>) offsets(%dma_start3A_395 : memref<128xi32, #tpu.memory_space<vmem>>) semaphore(%arg26 : memref<!tpu.dma_semaphore, #tpu.memory_space<semaphore_mem>>) {add = true}
      %ge3A_399 = arith.constant 4 : i32
      %ge3A_400 = arith.cmpi sge, %add3A_376, %ge3A_399 : i32
      %convert_element_type3A_401 = arith.extui %ge3A_400 : i1 to i32
      %cond3A_402 = arith.constant 0 : i32
      %cond3A_403 = arith.cmpi ne, %convert_element_type3A_401, %cond3A_402 : i32
      scf.if %cond3A_403 {
        %dma_wait3A_411 = arith.constant 3 : i32
        %dma_wait3A_412 = arith.constant 0 : i32
        %dma_wait3A_413 = arith.constant 0 : i32
        %dma_wait3A_414 = tpu.memref_slice %arg9[%dma_wait3A_411, %dma_wait3A_412, %dma_wait3A_413] : memref<8x128x32xf32, #tpu.memory_space<vmem>> -> memref<1x128x32xf32, #tpu.memory_space<vmem>>
        %dma_wait3A_415 = tpu.memref_squeeze %dma_wait3A_414 : memref<1x128x32xf32, #tpu.memory_space<vmem>> -> memref<128x32xf32, #tpu.memory_space<vmem>>
        %dma_wait3A_416 = arith.constant 0 : i32
        %dma_wait3A_417 = tpu.memref_slice %arg8[%add3A_376, %dma_wait3A_416] : memref<40x128xi32, #tpu.memory_space<vmem>> -> memref<1x128xi32, #tpu.memory_space<vmem>>
        %dma_wait3A_418 = tpu.memref_squeeze %dma_wait3A_417 : memref<1x128xi32, #tpu.memory_space<vmem>> -> memref<128xi32, #tpu.memory_space<vmem>>
        %dma_wait3A_419 = arith.constant 0 : i32
        %dma_wait3A_420 = arith.constant 0 : i32
        %dma_wait3A_421 = tpu.memref_slice %arg10[%dma_wait3A_419, %dma_wait3A_420] : memref<14096x32xf32, #tpu.memory_space<vmem_shared>> -> memref<14096x32xf32, #tpu.memory_space<vmem_shared>>
        tpu.wait_indirect_dma semaphore(%arg22 : memref<!tpu.dma_semaphore, #tpu.memory_space<semaphore_mem>>) src(%dma_wait3A_415 : memref<128x32xf32, #tpu.memory_space<vmem>>) dst(%dma_wait3A_421 : memref<14096x32xf32, #tpu.memory_space<vmem_shared>>)
      } else {
      }
      %add3A_404 = arith.constant 4 : i32
      %add3A_405 = arith.addi %add3A_376, %add3A_404 : i32
      %lt3A_406 = arith.constant 40 : i32
      %lt3A_407 = arith.cmpi slt, %add3A_405, %lt3A_406 : i32
      %convert_element_type3A_408 = arith.extui %lt3A_407 : i1 to i32
      %cond3A_409 = arith.constant 0 : i32
      %cond3A_410 = arith.cmpi ne, %convert_element_type3A_408, %cond3A_409 : i32
      scf.if %cond3A_410 {
        %add3A_411 = arith.constant 4 : i32
        %add3A_412 = arith.addi %add3A_376, %add3A_411 : i32
        %dma_start3A_413 = arith.constant 3 : i32
        %dma_start3A_414 = arith.constant 0 : i32
        %dma_start3A_415 = arith.constant 0 : i32
        %dma_start3A_416 = tpu.memref_slice %arg9[%dma_start3A_413, %dma_start3A_414, %dma_start3A_415] : memref<8x128x32xf32, #tpu.memory_space<vmem>> -> memref<1x128x32xf32, #tpu.memory_space<vmem>>
        %dma_start3A_417 = tpu.memref_squeeze %dma_start3A_416 : memref<1x128x32xf32, #tpu.memory_space<vmem>> -> memref<128x32xf32, #tpu.memory_space<vmem>>
        %dma_start3A_418 = arith.constant 0 : i32
        %dma_start3A_419 = tpu.memref_slice %arg7[%add3A_412, %dma_start3A_418] : memref<40x128xi32, #tpu.memory_space<vmem>> -> memref<1x128xi32, #tpu.memory_space<vmem>>
        %dma_start3A_420 = tpu.memref_squeeze %dma_start3A_419 : memref<1x128xi32, #tpu.memory_space<vmem>> -> memref<128xi32, #tpu.memory_space<vmem>>
        %dma_start3A_421 = arith.constant 0 : i32
        %dma_start3A_422 = arith.constant 0 : i32
        %dma_start3A_423 = tpu.memref_slice %arg4[%dma_start3A_421, %dma_start3A_422] : memref<10000x32xf32, #tpu.memory_space<hbm>> -> memref<10000x32xf32, #tpu.memory_space<hbm>>
        tpu.enqueue_indirect_dma source(%dma_start3A_423 : memref<10000x32xf32, #tpu.memory_space<hbm>>) target(%dma_start3A_417 : memref<128x32xf32, #tpu.memory_space<vmem>>) offsets(%dma_start3A_420 : memref<128xi32, #tpu.memory_space<vmem>>) semaphore(%arg14 : memref<!tpu.dma_semaphore, #tpu.memory_space<semaphore_mem>>)
      } else {
      }
    }
    %scan3A_58 = arith.constant 5 : i32
    %dma_wait3A = arith.constant 4 : i32
    %dma_wait3A_59 = arith.constant 0 : i32
    %dma_wait3A_60 = arith.constant 0 : i32
    %dma_wait3A_61 = arith.constant 0 : i32
    %dma_wait3A_62 = tpu.memref_slice %arg9[%dma_wait3A, %dma_wait3A_60, %dma_wait3A_61] : memref<8x128x32xf32, #tpu.memory_space<vmem>> -> memref<1x128x32xf32, #tpu.memory_space<vmem>>
    %dma_wait3A_63 = tpu.memref_squeeze %dma_wait3A_62 : memref<1x128x32xf32, #tpu.memory_space<vmem>> -> memref<128x32xf32, #tpu.memory_space<vmem>>
    %dma_wait3A_64 = arith.constant 0 : i32
    %dma_wait3A_65 = tpu.memref_slice %arg8[%dma_wait3A_59, %dma_wait3A_64] : memref<40x128xi32, #tpu.memory_space<vmem>> -> memref<1x128xi32, #tpu.memory_space<vmem>>
    %dma_wait3A_66 = tpu.memref_squeeze %dma_wait3A_65 : memref<1x128xi32, #tpu.memory_space<vmem>> -> memref<128xi32, #tpu.memory_space<vmem>>
    %dma_wait3A_67 = arith.constant 0 : i32
    %dma_wait3A_68 = arith.constant 0 : i32
    %dma_wait3A_69 = tpu.memref_slice %arg10[%dma_wait3A_67, %dma_wait3A_68] : memref<14096x32xf32, #tpu.memory_space<vmem_shared>> -> memref<14096x32xf32, #tpu.memory_space<vmem_shared>>
    tpu.wait_indirect_dma semaphore(%arg23 : memref<!tpu.dma_semaphore, #tpu.memory_space<semaphore_mem>>) src(%dma_wait3A_63 : memref<128x32xf32, #tpu.memory_space<vmem>>) dst(%dma_wait3A_69 : memref<14096x32xf32, #tpu.memory_space<vmem_shared>>)
    %dma_wait3A_70 = arith.constant 5 : i32
    %dma_wait3A_71 = arith.constant 0 : i32
    %dma_wait3A_72 = arith.constant 0 : i32
    %dma_wait3A_73 = arith.constant 0 : i32
    %dma_wait3A_74 = tpu.memref_slice %arg9[%dma_wait3A_70, %dma_wait3A_72, %dma_wait3A_73] : memref<8x128x32xf32, #tpu.memory_space<vmem>> -> memref<1x128x32xf32, #tpu.memory_space<vmem>>
    %dma_wait3A_75 = tpu.memref_squeeze %dma_wait3A_74 : memref<1x128x32xf32, #tpu.memory_space<vmem>> -> memref<128x32xf32, #tpu.memory_space<vmem>>
    %dma_wait3A_76 = arith.constant 0 : i32
    %dma_wait3A_77 = tpu.memref_slice %arg8[%dma_wait3A_71, %dma_wait3A_76] : memref<40x128xi32, #tpu.memory_space<vmem>> -> memref<1x128xi32, #tpu.memory_space<vmem>>
    %dma_wait3A_78 = tpu.memref_squeeze %dma_wait3A_77 : memref<1x128xi32, #tpu.memory_space<vmem>> -> memref<128xi32, #tpu.memory_space<vmem>>
    %dma_wait3A_79 = arith.constant 0 : i32
    %dma_wait3A_80 = arith.constant 0 : i32
    %dma_wait3A_81 = tpu.memref_slice %arg10[%dma_wait3A_79, %dma_wait3A_80] : memref<14096x32xf32, #tpu.memory_space<vmem_shared>> -> memref<14096x32xf32, #tpu.memory_space<vmem_shared>>
    tpu.wait_indirect_dma semaphore(%arg24 : memref<!tpu.dma_semaphore, #tpu.memory_space<semaphore_mem>>) src(%dma_wait3A_75 : memref<128x32xf32, #tpu.memory_space<vmem>>) dst(%dma_wait3A_81 : memref<14096x32xf32, #tpu.memory_space<vmem_shared>>)
    %dma_wait3A_82 = arith.constant 6 : i32
    %dma_wait3A_83 = arith.constant 0 : i32
    %dma_wait3A_84 = arith.constant 0 : i32
    %dma_wait3A_85 = arith.constant 0 : i32
    %dma_wait3A_86 = tpu.memref_slice %arg9[%dma_wait3A_82, %dma_wait3A_84, %dma_wait3A_85] : memref<8x128x32xf32, #tpu.memory_space<vmem>> -> memref<1x128x32xf32, #tpu.memory_space<vmem>>
    %dma_wait3A_87 = tpu.memref_squeeze %dma_wait3A_86 : memref<1x128x32xf32, #tpu.memory_space<vmem>> -> memref<128x32xf32, #tpu.memory_space<vmem>>
    %dma_wait3A_88 = arith.constant 0 : i32
    %dma_wait3A_89 = tpu.memref_slice %arg8[%dma_wait3A_83, %dma_wait3A_88] : memref<40x128xi32, #tpu.memory_space<vmem>> -> memref<1x128xi32, #tpu.memory_space<vmem>>
    %dma_wait3A_90 = tpu.memref_squeeze %dma_wait3A_89 : memref<1x128xi32, #tpu.memory_space<vmem>> -> memref<128xi32, #tpu.memory_space<vmem>>
    %dma_wait3A_91 = arith.constant 0 : i32
    %dma_wait3A_92 = arith.constant 0 : i32
    %dma_wait3A_93 = tpu.memref_slice %arg10[%dma_wait3A_91, %dma_wait3A_92] : memref<14096x32xf32, #tpu.memory_space<vmem_shared>> -> memref<14096x32xf32, #tpu.memory_space<vmem_shared>>
    tpu.wait_indirect_dma semaphore(%arg25 : memref<!tpu.dma_semaphore, #tpu.memory_space<semaphore_mem>>) src(%dma_wait3A_87 : memref<128x32xf32, #tpu.memory_space<vmem>>) dst(%dma_wait3A_93 : memref<14096x32xf32, #tpu.memory_space<vmem_shared>>)
    %dma_wait3A_94 = arith.constant 7 : i32
    %dma_wait3A_95 = arith.constant 0 : i32
    %dma_wait3A_96 = arith.constant 0 : i32
    %dma_wait3A_97 = arith.constant 0 : i32
    %dma_wait3A_98 = tpu.memref_slice %arg9[%dma_wait3A_94, %dma_wait3A_96, %dma_wait3A_97] : memref<8x128x32xf32, #tpu.memory_space<vmem>> -> memref<1x128x32xf32, #tpu.memory_space<vmem>>
    %dma_wait3A_99 = tpu.memref_squeeze %dma_wait3A_98 : memref<1x128x32xf32, #tpu.memory_space<vmem>> -> memref<128x32xf32, #tpu.memory_space<vmem>>
    %dma_wait3A_100 = arith.constant 0 : i32
    %dma_wait3A_101 = tpu.memref_slice %arg8[%dma_wait3A_95, %dma_wait3A_100] : memref<40x128xi32, #tpu.memory_space<vmem>> -> memref<1x128xi32, #tpu.memory_space<vmem>>
    %dma_wait3A_102 = tpu.memref_squeeze %dma_wait3A_101 : memref<1x128xi32, #tpu.memory_space<vmem>> -> memref<128xi32, #tpu.memory_space<vmem>>
    %dma_wait3A_103 = arith.constant 0 : i32
    %dma_wait3A_104 = arith.constant 0 : i32
    %dma_wait3A_105 = tpu.memref_slice %arg10[%dma_wait3A_103, %dma_wait3A_104] : memref<14096x32xf32, #tpu.memory_space<vmem_shared>> -> memref<14096x32xf32, #tpu.memory_space<vmem_shared>>
    tpu.wait_indirect_dma semaphore(%arg26 : memref<!tpu.dma_semaphore, #tpu.memory_space<semaphore_mem>>) src(%dma_wait3A_99 : memref<128x32xf32, #tpu.memory_space<vmem>>) dst(%dma_wait3A_105 : memref<14096x32xf32, #tpu.memory_space<vmem_shared>>)
    %barrier3A_106 = arith.constant 0 : index
    tpu.barrier barrier_id(%barrier3A_106)
    %mul3A_107 = arith.constant 10000 : i32
    %mul3A_108 = arith.muli %arg0, %mul3A_107 : i32
    %add3A_109 = arith.addi %mul3A_108, %mul3A_2 : i32
    "tpu.region"() ({
      %run_scoped3A = tpu.sem_alloc : memref<!tpu.dma_semaphore, #tpu.memory_space<semaphore_mem>>
      %dma_start3A_110 = arith.constant 0 : i32
      %dma_start3A_111 = tpu.memref_slice %arg6[%add3A_109, %dma_start3A_110] : memref<20000x32xf32, #tpu.memory_space<hbm>> -> memref<625x32xf32, #tpu.memory_space<hbm>>
      %dma_start3A_112 = arith.constant 0 : i32
      %dma_start3A_113 = tpu.memref_slice %arg10[%mul3A_2, %dma_start3A_112] : memref<14096x32xf32, #tpu.memory_space<vmem_shared>> -> memref<625x32xf32, #tpu.memory_space<vmem_shared>>
      tpu.enqueue_dma source(%dma_start3A_113 : memref<625x32xf32, #tpu.memory_space<vmem_shared>>) target(%dma_start3A_111 : memref<625x32xf32, #tpu.memory_space<hbm>>) target_semaphore(%run_scoped3A : memref<!tpu.dma_semaphore, #tpu.memory_space<semaphore_mem>>)
      %dma_wait3A_114 = arith.constant 0 : i32
      %dma_wait3A_115 = tpu.memref_slice %arg6[%add3A_109, %dma_wait3A_114] : memref<20000x32xf32, #tpu.memory_space<hbm>> -> memref<625x32xf32, #tpu.memory_space<hbm>>
      %dma_wait3A_116 = arith.constant 0 : i32
      %dma_wait3A_117 = tpu.memref_slice %arg10[%mul3A_2, %dma_wait3A_116] : memref<14096x32xf32, #tpu.memory_space<vmem_shared>> -> memref<625x32xf32, #tpu.memory_space<vmem_shared>>
      tpu.wait_dma2 semaphore(%run_scoped3A : memref<!tpu.dma_semaphore, #tpu.memory_space<semaphore_mem>>) src(%dma_wait3A_117 : memref<625x32xf32, #tpu.memory_space<vmem_shared>>) dst(%dma_wait3A_115 : memref<625x32xf32, #tpu.memory_space<hbm>>)
      tpu.yield
    }) : () -> ()
    return
  }
}

module attributes {stable_mosaic.version = 14 : i64} {
  func.func @_tca_body(%arg0: memref<2500x1024xf32, #tpu.memory_space<vmem>>, %arg1: memref<256x32xf32, #tpu.memory_space<vmem>>, %arg2: memref<2500x128xf32, #tpu.memory_space<vmem>>) attributes {dimension_semantics = [], scalar_prefetch = 0 : i64, scratch_operands = 0 : i64, tpu.core_type = #tpu.core_type<tc>} {
    %get3A = arith.constant 0 : index
    %get3A_0 = arith.constant 0 : index
    %get3A_1 = vector.load %arg1[%get3A, %get3A_0] : memref<256x32xf32, #tpu.memory_space<vmem>>, vector<256x32xf32>
    %get3A_2 = arith.constant 0 : index
    %get3A_3 = arith.constant 0 : index
    %get3A_4 = vector.load %arg0[%get3A_2, %get3A_3] : memref<2500x1024xf32, #tpu.memory_space<vmem>>, vector<2500x256xf32>
    %dot_general3A = arith.constant dense<0.000000e+00> : vector<2500x32xf32>
    %dot_general3A_5 = tpu.matmul %get3A_4, %get3A_1, %dot_general3A {dimension_numbers = #tpu.dot_dimension_numbers<[1], [0], [0], [1], [0, 0, 1, 1], [], []>, transpose_lhs_hint = false} : vector<2500x256xf32>, vector<256x32xf32>, vector<2500x32xf32> -> vector<2500x32xf32>
    %get3A_6 = arith.constant 0 : index
    %get3A_7 = arith.constant 256 : index
    %get3A_8 = vector.load %arg0[%get3A_6, %get3A_7] : memref<2500x1024xf32, #tpu.memory_space<vmem>>, vector<2500x256xf32>
    %dot_general3A_9 = arith.constant dense<0.000000e+00> : vector<2500x32xf32>
    %dot_general3A_10 = tpu.matmul %get3A_8, %get3A_1, %dot_general3A_9 {dimension_numbers = #tpu.dot_dimension_numbers<[1], [0], [0], [1], [0, 0, 1, 1], [], []>, transpose_lhs_hint = false} : vector<2500x256xf32>, vector<256x32xf32>, vector<2500x32xf32> -> vector<2500x32xf32>
    %get3A_11 = arith.constant 0 : index
    %get3A_12 = arith.constant 512 : index
    %get3A_13 = vector.load %arg0[%get3A_11, %get3A_12] : memref<2500x1024xf32, #tpu.memory_space<vmem>>, vector<2500x256xf32>
    %dot_general3A_14 = arith.constant dense<0.000000e+00> : vector<2500x32xf32>
    %dot_general3A_15 = tpu.matmul %get3A_13, %get3A_1, %dot_general3A_14 {dimension_numbers = #tpu.dot_dimension_numbers<[1], [0], [0], [1], [0, 0, 1, 1], [], []>, transpose_lhs_hint = false} : vector<2500x256xf32>, vector<256x32xf32>, vector<2500x32xf32> -> vector<2500x32xf32>
    %get3A_16 = arith.constant 0 : index
    %get3A_17 = arith.constant 768 : index
    %get3A_18 = vector.load %arg0[%get3A_16, %get3A_17] : memref<2500x1024xf32, #tpu.memory_space<vmem>>, vector<2500x256xf32>
    %dot_general3A_19 = arith.constant dense<0.000000e+00> : vector<2500x32xf32>
    %dot_general3A_20 = tpu.matmul %get3A_18, %get3A_1, %dot_general3A_19 {dimension_numbers = #tpu.dot_dimension_numbers<[1], [0], [0], [1], [0, 0, 1, 1], [], []>, transpose_lhs_hint = false} : vector<2500x256xf32>, vector<256x32xf32>, vector<2500x32xf32> -> vector<2500x32xf32>
    %concatenate3A = tpu.concatenate %dot_general3A_5, %dot_general3A_10, %dot_general3A_15, %dot_general3A_20 in 1 : vector<2500x32xf32>, vector<2500x32xf32>, vector<2500x32xf32>, vector<2500x32xf32> -> vector<2500x128xf32>
    %swap3A = arith.constant 0 : index
    %swap3A_21 = arith.constant 0 : index
    %swap3A_22 = vector.load %arg2[%swap3A, %swap3A_21] : memref<2500x128xf32, #tpu.memory_space<vmem>>, vector<2500x128xf32>
    tpu.vector_store %arg2[%swap3A, %swap3A_21], %concatenate3A {strides = array<i32>} : memref<2500x128xf32, #tpu.memory_space<vmem>>, vector<2500x128xf32>,
    return
  }
}

module attributes {stable_mosaic.version = 14 : i64} {
  func.func @_tcb_body(%arg0: memref<2500x128xf32, #tpu.memory_space<vmem>>, %arg1: memref<5000x128xf32, #tpu.memory_space<vmem>>, %arg2: memref<2500x128xf32, #tpu.memory_space<vmem>>, %arg3: memref<2500x128xf32, #tpu.memory_space<vmem>>) attributes {dimension_semantics = [], scalar_prefetch = 0 : i64, scratch_operands = 0 : i64, tpu.core_type = #tpu.core_type<tc>} {
    %get3A = arith.constant 0 : index
    %get3A_0 = arith.constant 0 : index
    %get3A_1 = vector.load %arg1[%get3A, %get3A_0] : memref<5000x128xf32, #tpu.memory_space<vmem>>, vector<2500x128xf32>
    %get3A_2 = arith.constant 2500 : index
    %get3A_3 = arith.constant 0 : index
    %get3A_4 = vector.load %arg1[%get3A_2, %get3A_3] : memref<5000x128xf32, #tpu.memory_space<vmem>>, vector<2500x128xf32>
    %add3A = arith.addf %get3A_1, %get3A_4 : vector<2500x128xf32>
    %add3A_5 = arith.constant 1.000000e+00 : f32
    %add3A_6 = vector.broadcast %add3A_5 : f32 to vector<2500x128xf32>
    %add3A_7 = arith.addf %add3A, %add3A_6 : vector<2500x128xf32>
    %rsqrt3A = math.rsqrt %add3A_7 : vector<2500x128xf32>
    %get3A_8 = arith.constant 0 : index
    %get3A_9 = arith.constant 0 : index
    %get3A_10 = vector.load %arg0[%get3A_8, %get3A_9] : memref<2500x128xf32, #tpu.memory_space<vmem>>, vector<2500x128xf32>
    %mul3A = arith.mulf %get3A_10, %rsqrt3A : vector<2500x128xf32>
    %swap3A = arith.constant 0 : index
    %swap3A_11 = arith.constant 0 : index
    %swap3A_12 = vector.load %arg2[%swap3A, %swap3A_11] : memref<2500x128xf32, #tpu.memory_space<vmem>>, vector<2500x128xf32>
    tpu.vector_store %arg2[%swap3A, %swap3A_11], %mul3A {strides = array<i32>} : memref<2500x128xf32, #tpu.memory_space<vmem>>, vector<2500x128xf32>,
    %swap3A_13 = arith.constant 0 : index
    %swap3A_14 = arith.constant 0 : index
    %swap3A_15 = vector.load %arg3[%swap3A_13, %swap3A_14] : memref<2500x128xf32, #tpu.memory_space<vmem>>, vector<2500x128xf32>
    tpu.vector_store %arg3[%swap3A_13, %swap3A_14], %rsqrt3A {strides = array<i32>} : memref<2500x128xf32, #tpu.memory_space<vmem>>, vector<2500x128xf32>,
    return
  }
}

module attributes {stable_mosaic.version = 14 : i64} {
  func.func @_tc2_body(%arg0: memref<5000x128xf32, #tpu.memory_space<vmem>>, %arg1: memref<2500x128xf32, #tpu.memory_space<vmem>>, %arg2: memref<2500x128xf32, #tpu.memory_space<vmem>>, %arg3: memref<1x128xf32, #tpu.memory_space<vmem>>, %arg4: memref<2500x128xf32, #tpu.memory_space<vmem>>) attributes {dimension_semantics = [], scalar_prefetch = 0 : i64, scratch_operands = 0 : i64, tpu.core_type = #tpu.core_type<tc>} {
    %get3A = arith.constant 0 : index
    %get3A_0 = arith.constant 0 : index
    %get3A_1 = vector.load %arg2[%get3A, %get3A_0] : memref<2500x128xf32, #tpu.memory_space<vmem>>, vector<2500x128xf32>
    %get3A_2 = arith.constant 0 : index
    %get3A_3 = arith.constant 0 : index
    %get3A_4 = vector.load %arg0[%get3A_2, %get3A_3] : memref<5000x128xf32, #tpu.memory_space<vmem>>, vector<2500x128xf32>
    %get3A_5 = arith.constant 2500 : index
    %get3A_6 = arith.constant 0 : index
    %get3A_7 = vector.load %arg0[%get3A_5, %get3A_6] : memref<5000x128xf32, #tpu.memory_space<vmem>>, vector<2500x128xf32>
    %add3A = arith.addf %get3A_4, %get3A_7 : vector<2500x128xf32>
    %get3A_8 = arith.constant 0 : index
    %get3A_9 = arith.constant 0 : index
    %get3A_10 = vector.load %arg1[%get3A_8, %get3A_9] : memref<2500x128xf32, #tpu.memory_space<vmem>>, vector<2500x128xf32>
    %add3A_11 = arith.addf %add3A, %get3A_10 : vector<2500x128xf32>
    %mul3A = arith.mulf %add3A_11, %get3A_1 : vector<2500x128xf32>
    %get3A_12 = arith.constant 0 : index
    %get3A_13 = arith.constant 0 : index
    %get3A_14 = vector.load %arg3[%get3A_12, %get3A_13] : memref<1x128xf32, #tpu.memory_space<vmem>>, vector<1x128xf32>
    %add3A_15 = vector.broadcast %get3A_14 : vector<1x128xf32> to vector<2500x128xf32>
    %add3A_16 = arith.addf %mul3A, %add3A_15 : vector<2500x128xf32>
    %max3A = arith.constant 0.000000e+00 : f32
    %max3A_17 = vector.broadcast %max3A : f32 to vector<2500x128xf32>
    %max3A_18 = arith.maximumf %add3A_16, %max3A_17 : vector<2500x128xf32>
    %mul3A_19 = arith.mulf %max3A_18, %get3A_1 : vector<2500x128xf32>
    %swap3A = arith.constant 0 : index
    %swap3A_20 = arith.constant 0 : index
    %swap3A_21 = vector.load %arg4[%swap3A, %swap3A_20] : memref<2500x128xf32, #tpu.memory_space<vmem>>, vector<2500x128xf32>
    tpu.vector_store %arg4[%swap3A, %swap3A_20], %mul3A_19 {strides = array<i32>} : memref<2500x128xf32, #tpu.memory_space<vmem>>, vector<2500x128xf32>,
    return
  }
}

module attributes {stable_mosaic.version = 14 : i64} {
  func.func @_tc3_body(%arg0: memref<5000x128xf32, #tpu.memory_space<vmem>>, %arg1: memref<2500x128xf32, #tpu.memory_space<vmem>>, %arg2: memref<2500x128xf32, #tpu.memory_space<vmem>>, %arg3: memref<32x2xf32, #tpu.memory_space<vmem>>, %arg4: memref<1x8xf32, #tpu.memory_space<vmem>>, %arg5: memref<2500x8xf32, #tpu.memory_space<vmem>>) attributes {dimension_semantics = [], scalar_prefetch = 0 : i64, scratch_operands = 0 : i64, tpu.core_type = #tpu.core_type<tc>} {
    %get3A = arith.constant 0 : index
    %get3A_0 = arith.constant 0 : index
    %get3A_1 = vector.load %arg0[%get3A, %get3A_0] : memref<5000x128xf32, #tpu.memory_space<vmem>>, vector<2500x128xf32>
    %get3A_2 = arith.constant 2500 : index
    %get3A_3 = arith.constant 0 : index
    %get3A_4 = vector.load %arg0[%get3A_2, %get3A_3] : memref<5000x128xf32, #tpu.memory_space<vmem>>, vector<2500x128xf32>
    %add3A = arith.addf %get3A_1, %get3A_4 : vector<2500x128xf32>
    %get3A_5 = arith.constant 0 : index
    %get3A_6 = arith.constant 0 : index
    %get3A_7 = vector.load %arg1[%get3A_5, %get3A_6] : memref<2500x128xf32, #tpu.memory_space<vmem>>, vector<2500x128xf32>
    %add3A_8 = arith.addf %add3A, %get3A_7 : vector<2500x128xf32>
    %get3A_9 = arith.constant 0 : index
    %get3A_10 = arith.constant 0 : index
    %get3A_11 = vector.load %arg2[%get3A_9, %get3A_10] : memref<2500x128xf32, #tpu.memory_space<vmem>>, vector<2500x128xf32>
    %mul3A = arith.mulf %add3A_8, %get3A_11 : vector<2500x128xf32>
    %get3A_12 = arith.constant 0 : index
    %get3A_13 = arith.constant 0 : index
    %get3A_14 = vector.load %arg3[%get3A_12, %get3A_13] : memref<32x2xf32, #tpu.memory_space<vmem>>, vector<32x2xf32>
    %slice3A = vector.extract_strided_slice %mul3A {offsets = [0, 0], sizes = [2500, 32], strides = [1, 1]} : vector<2500x128xf32> to vector<2500x32xf32>
    %dot_general3A = arith.constant dense<0.000000e+00> : vector<2500x2xf32>
    %dot_general3A_15 = tpu.matmul %slice3A, %get3A_14, %dot_general3A {dimension_numbers = #tpu.dot_dimension_numbers<[1], [0], [0], [1], [0, 0, 1, 1], [], []>, transpose_lhs_hint = false} : vector<2500x32xf32>, vector<32x2xf32>, vector<2500x2xf32> -> vector<2500x2xf32>
    %slice3A_16 = vector.extract_strided_slice %mul3A {offsets = [0, 32], sizes = [2500, 32], strides = [1, 1]} : vector<2500x128xf32> to vector<2500x32xf32>
    %dot_general3A_17 = arith.constant dense<0.000000e+00> : vector<2500x2xf32>
    %dot_general3A_18 = tpu.matmul %slice3A_16, %get3A_14, %dot_general3A_17 {dimension_numbers = #tpu.dot_dimension_numbers<[1], [0], [0], [1], [0, 0, 1, 1], [], []>, transpose_lhs_hint = false} : vector<2500x32xf32>, vector<32x2xf32>, vector<2500x2xf32> -> vector<2500x2xf32>
    %slice3A_19 = vector.extract_strided_slice %mul3A {offsets = [0, 64], sizes = [2500, 32], strides = [1, 1]} : vector<2500x128xf32> to vector<2500x32xf32>
    %dot_general3A_20 = arith.constant dense<0.000000e+00> : vector<2500x2xf32>
    %dot_general3A_21 = tpu.matmul %slice3A_19, %get3A_14, %dot_general3A_20 {dimension_numbers = #tpu.dot_dimension_numbers<[1], [0], [0], [1], [0, 0, 1, 1], [], []>, transpose_lhs_hint = false} : vector<2500x32xf32>, vector<32x2xf32>, vector<2500x2xf32> -> vector<2500x2xf32>
    %slice3A_22 = vector.extract_strided_slice %mul3A {offsets = [0, 96], sizes = [2500, 32], strides = [1, 1]} : vector<2500x128xf32> to vector<2500x32xf32>
    %dot_general3A_23 = arith.constant dense<0.000000e+00> : vector<2500x2xf32>
    %dot_general3A_24 = tpu.matmul %slice3A_22, %get3A_14, %dot_general3A_23 {dimension_numbers = #tpu.dot_dimension_numbers<[1], [0], [0], [1], [0, 0, 1, 1], [], []>, transpose_lhs_hint = false} : vector<2500x32xf32>, vector<32x2xf32>, vector<2500x2xf32> -> vector<2500x2xf32>
    %concatenate3A = tpu.concatenate %dot_general3A_15, %dot_general3A_18, %dot_general3A_21, %dot_general3A_24 in 1 : vector<2500x2xf32>, vector<2500x2xf32>, vector<2500x2xf32>, vector<2500x2xf32> -> vector<2500x8xf32>
    %get3A_25 = arith.constant 0 : index
    %get3A_26 = arith.constant 0 : index
    %get3A_27 = vector.load %arg4[%get3A_25, %get3A_26] : memref<1x8xf32, #tpu.memory_space<vmem>>, vector<1x8xf32>
    %add3A_28 = vector.broadcast %get3A_27 : vector<1x8xf32> to vector<2500x8xf32>
    %add3A_29 = arith.addf %concatenate3A, %add3A_28 : vector<2500x8xf32>
    %swap3A = arith.constant 0 : index
    %swap3A_30 = arith.constant 0 : index
    %swap3A_31 = vector.load %arg5[%swap3A, %swap3A_30] : memref<2500x8xf32, #tpu.memory_space<vmem>>, vector<2500x8xf32>
    tpu.vector_store %arg5[%swap3A, %swap3A_30], %add3A_29 {strides = array<i32>} : memref<2500x8xf32, #tpu.memory_space<vmem>>, vector<2500x8xf32>,
    return
  }
}

</mosaic_0001>

<sc_bundles>
// kernel: kernel.12.cloned.1.call-start
scs
__scs_entry_jumppad:
0x0: {  	(pc) =	sbr.rel $0x88, $3  }
0x1: {  	(tag) =	ssettag $0x0;
	lr =	simm.s32 $0x1  }
0x2: {  	[smem:$0x3F9B] =	sst lr;
	_ =	strace $0xD0000000  }
0x3: {  	_ = 	snop  }
0x4: {  	_ = 	snop  }
0x5: {  	_ = 	snop  }
0x6: {  	_ = 	snop  }
0x7: {  	_ = 	snop  }
__scs_overlays_trampoline_lowered:
0x8: {  	[smem:$0x3FAA] =	sst s0  }
0x9: {  	[smem:$0x3FAB] =	sst s1  }
0xa: {  	[smem:$0x3FAC] =	sst s2  }
0xb: {  	[smem:$0x3FAD] =	sst s3  }
0xc: {  	[smem:$0x3FAE] =	sst s4  }
0xd: {  	[smem:$0x3FAF] =	sst s5  }
0xe: {  	[smem:$0x3FB0] =	sst s6  }
0xf: {  	[smem:$0x3FB1] =	sst s7  }
0x10: {  	[smem:$0x3FB2] =	sst s8  }
0x11: {  	[smem:$0x3FB3] =	sst s9;
	s0 =	simm.s32 @!p0 $0x0  }
0x12: {  	s1 =	sld [smem:$0x3F99];
	s0 =	simm.s32 @p0 $0x1  }
0x13: {  	[smem:$0x3FB4] =	sst s0;
	s0 =	simm.s32 @!p1 $0x0  }
0x14: {  	s2 =	sld [smem:$0x3F98];
	s0 =	simm.s32 @p1 $0x1  }
0x15: {  	[smem:$0x3FB5] =	sst s0;
	s0 =	simm.s32 @!p2 $0x0  }
0x16: {  	s3 =	sld [smem:$0x3FDB];
	s0 =	simm.s32 @p2 $0x1  }
0x17: {  	s4 =	simm.s32 $0x1BF5;
	[smem:$0x3FB7] =	sst s0  }
0x18: {  	s0 =	sld [smem:$0x3F9A];
	_ =	swait.ge [sflag:s4], $0x0  }
0x19: {  	s7 =	sld [smem:$0x3F9B]  }
0x1a: {  	s8 =	sadd.s32 $0xFFFFE003, lr  }
0x1b: {  	s9 =	sadd.s32 $0xFFFFFEF7, lr;
	s5 =	simm.s32 $0xFFFFFFFF;
	p2 =	slt.u32 s8, $0xFFFFF086  }
0x1c: {  	p1 =	slt.u32 s9, $0xF7A;
	s5 =	simm.s32 @!p2 $0x0  }
0x1d: {  	s5 =	simm.s32 @p1 $0x1;
	p0 =	seq.s32 s7, s2  }
0x1e: {  	s7 =	smul.u32 @!p0 $0xF7A, s2;
	p2 =	seq.s32 @!p0 s5, $0x0  }
0x1f: {  	s9 =	smul.u32 $0xF7A, s1;
	s8 =	simm.s32 @!p0 $0x1BF5;
	p2 =	por !p2, p0  }
0x20: {  	[sflag:s8] =	ssyncset.s32 @!p0 $0xFFFFF086;
	s6 =	sadd.s32 @!p0 s3, s7;
	s7 =	simm.s32 @!p0 $0x108  }
0x21: {  	s3 =	sadd.s32 s3, s9;
	s6 =	sadd.s32 @!p0 $0x88, s6;
	s7 =	simm.s32 @p2 $0x1082  }
0x22: {  	[simem:s7], [sflag:s8] =	dma.local @!p0 [hbm:s6], $0xF7A  }
0x23: {  	s9 =	sor.u32 $0xD0000000, s2;
	s6 =	simm.s32 $0x108;
	_ =	swait.ge @!p0 [sflag:s8], $0x0  }
0x24: {  	s3 =	sadd.s32 $0x88, s3;
	s6 =	simm.s32 @!p1 $0x1082;
	[sflag:s4] =	ssyncset.s32 $0xFFFFF086  }
0x25: {  	[simem:s6], [sflag:s4] =	dma.local [hbm:s3], $0xF7A  }
0x26: {  	[smem:$0x3F9B] =	sst s1;
	(tag) =	ssettag s2;
	_ =	strace s9  }
0x27: {  	s1 =	sld [smem:$0x3FAB]  }
0x28: {  	s2 =	sld [smem:$0x3FAC]  }
0x29: {  	s4 =	sld [smem:$0x3FAE]  }
0x2a: {  	p0 =	seq.s32 s5, $0x0;
	s5 =	sld [smem:$0x3FAF]  }
0x2b: {  	s6 =	sld [smem:$0x3FB0]  }
0x2c: {  	s7 =	sld [smem:$0x3FB1]  }
0x2d: {  	s3 =	simm.s32 $0x108;
	s8 =	sld [smem:$0x3FB2]  }
0x2e: {  	s3 =	simm.s32 @!p0 $0x1082;
	s9 =	sld [smem:$0x3FB3]  }
0x2f: {  	lr =	sadd.s32 s0, s3;
	s0 =	sld [smem:$0x3FAA]  }
0x30: {  	s3 =	sld [smem:$0x3FAD]  }
0x31: {  	[smem:$0x3FB6] =	sst s10  }
0x32: {  	s10 =	sld [smem:$0x3FB4];
	_ =	sdelay $0x3  }
0x33: {  	p0 =	seq.s32 s10, $0x1;
	s10 =	sld [smem:$0x3FB6];
	_ =	sdelay $0x3  }
0x34: {  	[smem:$0x3FB6] =	sst s10  }
0x35: {  	s10 =	sld [smem:$0x3FB5];
	_ =	sdelay $0x3  }
0x36: {  	p1 =	seq.s32 s10, $0x1;
	s10 =	sld [smem:$0x3FB6];
	_ =	sdelay $0x3  }
0x37: {  	[smem:$0x3FB6] =	sst s10  }
0x38: {  	s10 =	sld [smem:$0x3FB7]  }
0x39: {  	_ = 	snop;
	(pc) =	sbr.ind lr, $3  }
0x3a: {  	_ = 	snop  }
0x3b: {  	_ = 	snop  }
0x3c: {  	p2 =	seq.s32 s10, $0x1;
	s10 =	sld [smem:$0x3FB6]  }
0x3d: {  	_ =	shalt  }
0x3e: {  	_ =	shalt  }
0x3f: {  	_ =	shalt  }
0x40: {  	_ =	shalt  }
0x41: {  	_ =	shalt  }
0x42: {  	_ =	shalt  }
0x43: {  	_ =	shalt  }
0x44: {  	_ =	shalt  }
0x45: {  	_ =	shalt  }
0x46: {  	_ =	shalt  }
0x47: {  	_ =	shalt  }
0x48: {  	_ =	shalt  }
0x49: {  	_ =	shalt  }
0x4a: {  	_ =	shalt  }
0x4b: {  	_ =	shalt  }
0x4c: {  	_ =	shalt  }
0x4d: {  	_ =	shalt  }
0x4e: {  	_ =	shalt  }
0x4f: {  	_ =	shalt  }
0x50: {  	_ =	shalt  }
0x51: {  	_ =	shalt  }
0x52: {  	_ =	shalt  }
0x53: {  	_ =	shalt  }
0x54: {  	_ =	shalt  }
0x55: {  	_ =	shalt  }
0x56: {  	_ =	shalt  }
0x57: {  	_ =	shalt  }
0x58: {  	_ =	shalt  }
0x59: {  	_ =	shalt  }
0x5a: {  	_ =	shalt  }
0x5b: {  	_ =	shalt  }
0x5c: {  	_ =	shalt  }
0x5d: {  	_ =	shalt  }
0x5e: {  	_ =	shalt  }
0x5f: {  	_ =	shalt  }
0x60: {  	_ =	shalt  }
0x61: {  	_ =	shalt  }
0x62: {  	_ =	shalt  }
0x63: {  	_ =	shalt  }
0x64: {  	_ =	shalt  }
0x65: {  	_ =	shalt  }
0x66: {  	_ =	shalt  }
0x67: {  	_ =	shalt  }
0x68: {  	_ =	shalt  }
0x69: {  	_ =	shalt  }
0x6a: {  	_ =	shalt  }
0x6b: {  	_ =	shalt  }
0x6c: {  	_ =	shalt  }
0x6d: {  	_ =	shalt  }
0x6e: {  	_ =	shalt  }
0x6f: {  	_ =	shalt  }
0x70: {  	_ =	shalt  }
0x71: {  	_ =	shalt  }
0x72: {  	_ =	shalt  }
0x73: {  	_ =	shalt  }
0x74: {  	_ =	shalt  }
0x75: {  	_ =	shalt  }
0x76: {  	_ =	shalt  }
0x77: {  	_ =	shalt  }
0x78: {  	_ =	shalt  }
0x79: {  	_ =	shalt  }
0x7a: {  	_ =	shalt  }
0x7b: {  	_ =	shalt  }
0x7c: {  	_ =	shalt  }
0x7d: {  	_ =	shalt  }
0x7e: {  	_ =	shalt  }
0x7f: {  	_ =	shalt  }
0x80: {  	_ =	shalt  }
0x81: {  	_ =	shalt  }
0x82: {  	_ =	shalt  }
0x83: {  	_ =	shalt  }
0x84: {  	_ =	shalt  }
0x85: {  	_ =	shalt  }
0x86: {  	_ =	shalt  }
0x87: {  	_ =	shalt  }
.Lfunc_end0:
.L_simem_size_0:
called_computation.1_lowered:
.L_overlay_start_0:
0x88: {  	s2 =	sld [smem:$0x3FD9]  }
0x89: {  	s3 =	sld [smem:$0x3FFE];
	_ =	sdelay $0x1  }
0x8a: {  	s1 =	srdreg.scid  }
0x8b: {  	s0 =	sand.u32 $0x1, s1  }
0x8c: {  	s16 =	sshll.u32 s0, $0xA;
	s2 =	sadd.s32 s3, s2  }
0x8d: {  	s2 =	sadd.s32 s2, s16  }
0x8e: {  	[smem:$0x3FC2] =	sst s2  }
0x8f: {  	_ = 	snop  }
0x90: {  	(tm) =	ssettm $0x1  }
0x91: {  	s17 =	sld [smem:$0x3FFB];
	_ =	sdelay $0x3  }
0x92: {  	_ =	strace s17  }
0x93: {  	s2 =	sld [smem:$0x3FFC];
	_ =	sdelay $0x3  }
0x94: {  	_ =	strace s2  }
0x95: {  	s2 =	sld [smem:$0x3FFD];
	_ =	sdelay $0x3  }
0x96: {  	_ =	strace s2  }
0x97: {  	_ =	strace $0x8FFFFFFF  }
0x98: {  	s18 =	sld [smem:$0x3FDB];
	_ =	sdelay $0x1  }
0x99: {  	s19 =	simm.s32 $_scs_section_size  }
0x9a: {  	s4 =	simm.s32 $_size__tile_overlayer_lowered;
	s5 =	simm.s32 $_tile_overlayer_lowered  }
0x9b: {  	s22 =	simm.s32 $0x1BFF;
	s21 =	sshll.u32 s5, $0x1;
	s2 =	sadd.s32 s19, s18  }
0x9c: {  	s6 =	simm.s32 $0x0;
	s20 =	sshll.u32 s4, $0x1;
	s4 =	sadd.s32 s21, s2  }
0x9d: {  	[timem:s6], [sflag:s22] =	dma.local [hbm:s4], s20  }
0x9e: {  	_ =	swait.ge [sflag:s22], s20  }
0x9f: {  	s3 =	ssub.s32 $0x0, s20;
	[sflag:s22] =	ssyncset.done $0x0  }
0xa0: {  	[sflag:s22] =	ssyncadd.s32 s3;
	_ =	sdelay $0x1  }
0xa1: {  	s23 =	simm.s32 $0x1B8B  }
0xa2: {  	_ =	swait.ge [sflag:s23], $0x1  }
0xa3: {  	[sflag:s23] =	ssyncset.done $0x0  }
0xa4: {  	s25 =	simm.s32 $0x1B8E;
	s24 =	sld [smem:$0x3FFE];
	[sflag:s23] =	ssyncadd.s32 $0xFFFFFFFF  }
0xa5: {  	s26 =	simm.s32 $execute0_lowered;
	[smem:$0x3FD2] =	sst s25  }
0xa6: {  	s4 =	sshll.u32 s26, $0x1;
	_ =	strace $0x80000049;
	[dreg:$0x1] =	wrdreg $0xFFFFFFFF  }
0xa7: {  	s28 =	simm.s32 $_size_execute0_lowered;
	s2 =	sadd.s32 s2, s4;
	[dreg:$0x0] =	wrdreg $0x0  }
0xa8: {  	s4 =	sshll.u32 s28, $0x1;
	[dreg:$0x2] =	wrdreg s2  }
0xa9: {  	[dreg:$0x3] =	wrdreg s4  }
0xaa: {  	[dreg:$0x4] =	wrdreg $0xC0  }
0xab: {  	_ =	task [dreg:s6], $0x5FFFF  }
0xac: {  	[dreg:$0x1] =	wrdreg $0xFFFFFFFF  }
0xad: {  	[dreg:$0x0] =	wrdreg $0x60  }
0xae: {  	[dreg:$0x2] =	wrdreg s24  }
0xaf: {  	[dreg:$0x3] =	wrdreg $0xA8000  }
0xb0: {  	[dreg:$0x4] =	wrdreg $0x9  }
0xb1: {  	_ =	task.clear_ibuf [dreg:s6], $0x5FFFF;
	_ =	strace $0x90000049  }
0xb2: {  	s29 =	simm.s32 $0x9;
	_ =	strace $0x8000004B  }
0xb3: {  	_ =	swait.ge [sflag:s29], $0x1  }
0xb4: {  	[sflag:s29] =	ssyncadd.s32 $0xFFFFFFFF  }
0xb5: {  	_ =	strace $0x9000004B  }
0xb6: {  	_ =	sfence  }
0xb7: {  	s30 =	sld [smem:$0x0];
	_ =	sdelay $0x2  }
0xb8: {  	s31 =	sshll.u32 s1, $0xD;
	s1 =	sshrl.u32 s1, $0x2  }
0xb9: {  	s3 =	sand.u32 $0x4000, s31;
	s1 =	sadd.s32 s1, s30  }
0xba: {  	s0 =	sor.u32 s3, s0;
	s1 =	sshll.u32 s1, $0x11  }
0xbb: {  	s0 =	sor.u32 s1, s0  }
0xbc: {  	s0 =	sadd.s32 $0x8F2B, s0  }
0xbd: {  	[sflag:s0] =	ssyncadd.remote.s32 $0x1  }
0xbe: {  	_ =	sfence.sel $0xFFFF  }
0xbf: {  	[dreg:$0x0] =	wrdreg $0xFFFFFFFF;
	(pc) =	sbr.abs _section_cstart, $3  }
0xc0: {  	[dreg:$0x1] =	wrdreg $0xFFFFFFFF  }
0xc1: {  	_ =	task.clear_ibuf [dreg:s6], $0x2FFFF;
	_ =	strace $0x9FFFFFFF  }
0xc2: {  	(tm) =	ssettm $0x7FFFFFFF  }
0xc3: {  	_ =	shalt  }
tec
execute0_lowered:
.L_overlay_start_1:
0x0: {  	(tag) =	ssettag $0x1  }
0x1: {  	s0 =	srdreg.scid;
	s3 =	rddreg [dreg:$0x0]  }
0x2: {  	s9 =	stileid.u32;
	s2 =	rddreg [dreg:$0x1];
	s4 =	simm.s32 $0x0  }
0x3: {  	s12 =	simm.s32 $0x11;
	s14 =	simm.s32 $0x80;
	s15 =	simm.s32 $0x2800  }
0x4: {  	s16 =	simm.s32 $0x3800;
	s18 =	simm.s32 $0x4800;
	s20 =	simm.s32 $0x5800  }
0x5: {  	s21 =	simm.s32 $0x1;
	s28 =	simm.s32 $0x4;
	s29 =	simm.s32 $0x9800  }
0x6: {  	s30 =	simm.s32 $0x5;
	s31 =	simm.s32 $0x9;
	s13 =	simm.s32 $0x8  }
0x7: {  	s17 =	simm.s32 $0xC;
	s0 =	sand.u32 $0x1, s0;
	s5 =	smul.u32 $0x4E20, s9  }
0x8: {  	s1 =	sshll.u32 s9, $0x1;
	[smem:$0x7FF] =	sst s4;
	s6 =	smul.u32 $0x9C4, s9  }
0x9: {  	s4 =	sadd.s32 $0x7400, s3;
	s23 =	sshll.u32 s9, $0x6;
	s9 =	simm.s32 $0x0  }
0xa: {  	s1 =	sor.u32 s0, s1;
	_ =	strace $0x8000004A;
	s7 =	smul.u32 $0x9C40, s0  }
0xb: {  	s0 =	ssub.s32 $0x2, s0;
	s1 =	smul.u32 $0x280, s1;
	s8 =	sshrl.u32 s5, $0x3  }
0xc: {  	s22 =	sshrl.u32 s0, $0x1;
	s5 =	sadd.s32 s5, s2;
	s8 =	sadd.s32 s8, s3  }
0xd: {  	s6 =	sadd.s32 s6, s7;
	s0 =	ssub.s32 s0, s22;
	s11 =	sshrl.u32 s5, $0x3  }
0xe: {  	s22 =	simm.s32 $0x6800;
	s1 =	sadd.s32 s1, s3;
	s24 =	sadd.s32 $0x11200, s8  }
0xf: {  	s3 =	sadd.s32 s6, s3;
	s0 =	smax.u32 s0, $0x1;
	[dreg:$0x3] =	wrdreg s24  }
.Ltmp0:
0x10: {  	s25 =	sadd.s32 $0x1FE00, s1;
	[dreg:$0x7] =	wrdreg s0;
	(pc) =	sbr.rel .LBB2_1-.Ltmp0, $4  }
0x11: {  	s6 =	sor.u32 $0x1C11, s23;
	s1 =	sadd.s32 $0x2400, s1;
	[dreg:$0x4] =	wrdreg s25  }
0x12: {  	s23 =	simm.s32 $0x2;
	s26 =	sadd.s32 $0x24E00, s3;
	[dreg:$0x5] =	wrdreg s1  }
0x13: {  	s24 =	simm.s32 $0x7800;
	s0 =	simm.s32 $0xB;
	[dreg:$0x6] =	wrdreg s26  }
0x14: {  	s25 =	simm.s32 $0x3;
	s26 =	simm.s32 $0x8800;
	s1 =	simm.s32 $0x7  }
.LBB2_4:
0x15: {  	_ =	swait.ge [sflag:s13], $0x1000  }
0x16: {  	[sflag:s13] =	ssyncset.done $0x0  }
0x17: {  	[sflag:s13] =	ssyncadd.s32 $0xFFFFF000  }
0x18: {  	[spmem:s2] =	stream.indirect.scatter.add.f32 [tilespmem:s29], [sflag:$0x10], $0x20, s19, s14, $0xb8;
	[tilespmem:$0x11620] =	vst v63  }
0x19: {  	_ =	swait.ge [sflag:s17], $0x1000  }
0x1a: {  	[sflag:s17] =	ssyncset.done $0x0  }
0x1b: {  	s3 =	simm.s32 $0xD;
	[sflag:s17] =	ssyncadd.s32 $0xFFFFF000  }
0x1c: {  	_ =	swait.ge [sflag:s3], $0x1000  }
0x1d: {  	[sflag:s3] =	ssyncset.done $0x0  }
0x1e: {  	s5 =	simm.s32 $0xE;
	[sflag:s3] =	ssyncadd.s32 $0xFFFFF000  }
0x1f: {  	_ =	swait.ge [sflag:s5], $0x1000  }
0x20: {  	[sflag:s5] =	ssyncset.done $0x0  }
0x21: {  	s7 =	simm.s32 $0xF;
	[sflag:s5] =	ssyncadd.s32 $0xFFFFF000  }
0x22: {  	_ =	swait.ge [sflag:s7], $0x1000  }
0x23: {  	[sflag:s7] =	ssyncset.done $0x0  }
0x24: {  	s8 =	simm.s32 $0x10;
	[sflag:s7] =	ssyncadd.s32 $0xFFFFF000  }
0x25: {  	_ =	swait.ge [sflag:s8], $0x1000  }
0x26: {  	[sflag:s8] =	ssyncset.done $0x0  }
0x27: {  	[sflag:s8] =	ssyncadd.s32 $0xFFFFF000  }
0x28: {  	[bflag:$0x0] =	sbarrier.arrive $0xFFFF  }
0x29: {  	s10 =	rddreg [dreg:$0x6]  }
0x2a: {  	[hbm:s10], [sflag:s6] =	dma.local [spmem:s11], $0x9C4  }
0x2b: {  	_ =	swait.ge [sflag:s12], $0x9C4  }
0x2c: {  	s9 =	sadd.s32 $0x1, s9;
	s19 =	rddreg [dreg:$0x7]  }
0x2d: {  	p0 =	sne.s32 s9, s19  }
.Ltmp1:
0x2e: {  	_ = 	snop;
	(pc) =	sbr.rel @!p0 .LBB2_5-.Ltmp1, $3  }
0x2f: {  	_ =	sdelay $0x1  }
0x30: {  	[sflag:s12] =	ssyncset.done $0x0  }
0x31: {  	[sflag:s12] =	ssyncadd.s32 $0xFFFFF63C  }
.LBB2_1:
0x32: {  	s3 =	rddreg [dreg:$0x3]  }
0x33: {  	[spmem:s11], [sflag:s6] =	dma.local [hbm:s3], $0x9C4  }
0x34: {  	_ =	swait.ge [sflag:s12], $0x9C4  }
0x35: {  	[sflag:s12] =	ssyncset.done $0x0  }
0x36: {  	s19 =	simm.s32 $0x0;
	s5 =	rddreg [dreg:$0x4];
	[sflag:s12] =	ssyncadd.s32 $0xFFFFF63C  }
0x37: {  	[tilespmem:s19], [sflag:$0x11] =	stream.linear.gather [hbm4b:s5+s19], $0x1400, $0x38;
	[tilespmem:$0x11620] =	vst v63  }
0x38: {  	_ =	swait.ge [sflag:s12], $0x1400  }
0x39: {  	[sflag:s12] =	ssyncset.done $0x0  }
0x3a: {  	s7 =	simm.s32 $0x1400;
	s8 =	rddreg [dreg:$0x5];
	[sflag:s12] =	ssyncadd.s32 $0xFFFFEC00  }
0x3b: {  	[tilespmem:s7], [sflag:$0x11] =	stream.linear.gather [hbm4b:s8+s19], $0x1400, $0x38;
	[tilespmem:$0x11620] =	vst v63  }
0x3c: {  	_ =	swait.ge [sflag:s12], $0x1400  }
0x3d: {  	[sflag:s12] =	ssyncset.done $0x0  }
0x3e: {  	[sflag:s12] =	ssyncadd.s32 $0xFFFFEC00  }
0x3f: {  	[bflag:$0x0] =	sbarrier.arrive $0xFFFF  }
0x40: {  	[tilespmem:s15], [sflag:$0x1] =	stream.indirect.gather [hbm4b:s4+s14], $0x20, s19, s14, $0xb8;
	[tilespmem:$0x11620] =	vst v63  }
0x41: {  	_ = 	snop  }
0x42: {  	[tilespmem:s16], [sflag:$0x2] =	stream.indirect.gather [hbm4b:s4+s14], $0x20, s14, s14, $0xb8;
	[tilespmem:$0x11620] =	vst v63  }
0x43: {  	s10 =	simm.s32 $0x100  }
0x44: {  	[tilespmem:s18], [sflag:$0x3] =	stream.indirect.gather [hbm4b:s4+s14], $0x20, s10, s14, $0xb8;
	[tilespmem:$0x11620] =	vst v63  }
0x45: {  	s19 =	simm.s32 $0x180;
	s10 =	simm.s32 $0x0  }
0x46: {  	[tilespmem:s20], [sflag:$0x4] =	stream.indirect.gather [hbm4b:s4+s14], $0x20, s19, s14, $0xb8;
	[tilespmem:$0x11620] =	vst v63  }
.LBB2_2:
0x47: {  	_ =	swait.ge [sflag:s21], $0x1000  }
0x48: {  	s3 =	sshra.s32 s10, $0x2;
	[sflag:s21] =	ssyncset.done $0x0  }
0x49: {  	p0 =	seq.s32 s10, $0x0;
	s19 =	sadd.s32 $0x1400, s3;
	[sflag:s21] =	ssyncadd.s32 $0xFFFFF000  }
0x4a: {  	[spmem:s2] =	stream.indirect.scatter.add.f32 [tilespmem:s15], [sflag:$0x9], $0x20, s19, s14, $0xb8;
	[tilespmem:$0x11620] =	vst v63  }
0x4b: {  	s19 =	simm.s32 @!p0 $0xD  }
0x4c: {  	_ =	swait.ge @!p0 [sflag:s19], $0x1000  }
0x4d: {  	[sflag:s19] =	ssyncset.done @!p0 $0x0  }
0x4e: {  	s7 =	sadd.s32 $0x200, s3;
	[sflag:s19] =	ssyncadd.s32 @!p0 $0xFFFFF000  }
0x4f: {  	[tilespmem:s22], [sflag:$0x5] =	stream.indirect.gather [hbm4b:s4+s14], $0x20, s7, s14, $0xb8;
	[tilespmem:$0x11620] =	vst v63  }
0x50: {  	_ =	swait.ge [sflag:s23], $0x1000  }
0x51: {  	[sflag:s23] =	ssyncset.done $0x0  }
0x52: {  	s8 =	sadd.s32 $0x1480, s3;
	s19 =	simm.s32 @!p0 $0xE;
	[sflag:s23] =	ssyncadd.s32 $0xFFFFF000  }
0x53: {  	[spmem:s2] =	stream.indirect.scatter.add.f32 [tilespmem:s16], [sflag:$0xA], $0x20, s8, s14, $0xb8;
	[tilespmem:$0x11620] =	vst v63  }
0x54: {  	_ =	swait.ge @!p0 [sflag:s19], $0x1000  }
0x55: {  	[sflag:s19] =	ssyncset.done @!p0 $0x0  }
0x56: {  	s5 =	sadd.s32 $0x280, s3;
	[sflag:s19] =	ssyncadd.s32 @!p0 $0xFFFFF000  }
0x57: {  	[tilespmem:s24], [sflag:$0x6] =	stream.indirect.gather [hbm4b:s4+s14], $0x20, s5, s14, $0xb8;
	[tilespmem:$0x11620] =	vst v63  }
0x58: {  	_ =	swait.ge [sflag:s25], $0x1000  }
0x59: {  	[sflag:s25] =	ssyncset.done $0x0  }
0x5a: {  	s7 =	sadd.s32 $0x1500, s3;
	s19 =	simm.s32 @!p0 $0xF;
	[sflag:s25] =	ssyncadd.s32 $0xFFFFF000  }
0x5b: {  	[spmem:s2] =	stream.indirect.scatter.add.f32 [tilespmem:s18], [sflag:$0xB], $0x20, s7, s14, $0xb8;
	[tilespmem:$0x11620] =	vst v63  }
0x5c: {  	_ =	swait.ge @!p0 [sflag:s19], $0x1000  }
0x5d: {  	[sflag:s19] =	ssyncset.done @!p0 $0x0  }
0x5e: {  	s8 =	sadd.s32 $0x300, s3;
	[sflag:s19] =	ssyncadd.s32 @!p0 $0xFFFFF000  }
0x5f: {  	[tilespmem:s26], [sflag:$0x7] =	stream.indirect.gather [hbm4b:s4+s14], $0x20, s8, s14, $0xb8;
	[tilespmem:$0x11620] =	vst v63  }
0x60: {  	_ =	swait.ge [sflag:s28], $0x1000  }
0x61: {  	[sflag:s28] =	ssyncset.done $0x0  }
0x62: {  	s5 =	sadd.s32 $0x1580, s3;
	s19 =	simm.s32 @!p0 $0x10;
	[sflag:s28] =	ssyncadd.s32 $0xFFFFF000  }
0x63: {  	[spmem:s2] =	stream.indirect.scatter.add.f32 [tilespmem:s20], [sflag:$0xC], $0x20, s5, s14, $0xb8;
	[tilespmem:$0x11620] =	vst v63  }
0x64: {  	_ =	swait.ge @!p0 [sflag:s19], $0x1000  }
0x65: {  	[sflag:s19] =	ssyncset.done @!p0 $0x0  }
0x66: {  	s7 =	sadd.s32 $0x380, s3;
	[sflag:s19] =	ssyncadd.s32 @!p0 $0xFFFFF000  }
0x67: {  	[tilespmem:s29], [sflag:$0x8] =	stream.indirect.gather [hbm4b:s4+s14], $0x20, s7, s14, $0xb8;
	[tilespmem:$0x11620] =	vst v63  }
0x68: {  	_ =	swait.ge [sflag:s30], $0x1000  }
0x69: {  	[sflag:s30] =	ssyncset.done $0x0  }
0x6a: {  	s8 =	sadd.s32 $0x1600, s3;
	[sflag:s30] =	ssyncadd.s32 $0xFFFFF000  }
0x6b: {  	[spmem:s2] =	stream.indirect.scatter.add.f32 [tilespmem:s22], [sflag:$0xD], $0x20, s8, s14, $0xb8;
	[tilespmem:$0x11620] =	vst v63  }
0x6c: {  	_ =	swait.ge [sflag:s31], $0x1000  }
0x6d: {  	p0 =	seq.s32 s10, $0x4000;
	[sflag:s31] =	ssyncset.done $0x0  }
0x6e: {  	s19 =	simm.s32 @p0 $0x6;
	[sflag:s31] =	ssyncadd.s32 $0xFFFFF000  }
0x6f: {  	_ =	swait.ge @p0 [sflag:s19], $0x1000  }
0x70: {  	[sflag:s19] =	ssyncset.done @p0 $0x0  }
0x71: {  	[sflag:s19] =	ssyncadd.s32 @p0 $0xFFFFF000;
	s19 =	sshra.s32 @p0 s10, $0x2  }
0x72: {  	s5 =	simm.s32 @p0 $0x80;
	s7 =	simm.s32 @p0 $0x7800;
	s19 =	sadd.s32 @p0 $0x1680, s19  }
0x73: {  	[spmem:s2] =	stream.indirect.scatter.add.f32 @p0 [tilespmem:s7], [sflag:$0xE], $0x20, s19, s5, $0xb8;
	[tilespmem:$0x11620] =	vst v63  }
0x74: {  	s5 =	simm.s32 @p0 $0xA  }
0x75: {  	_ =	swait.ge @p0 [sflag:s5], $0x1000  }
0x76: {  	[sflag:s5] =	ssyncset.done @p0 $0x0  }
0x77: {  	[sflag:s5] =	ssyncadd.s32 @p0 $0xFFFFF000;
	s5 =	sshra.s32 @!p0 s10, $0x2  }
0x78: {  	s8 =	simm.s32 @!p0 $0x2800;
	s19 =	simm.s32 @!p0 $0x80;
	s7 =	sadd.s32 @!p0 $0x400, s5  }
0x79: {  	[tilespmem:s8], [sflag:$0x1] =	stream.indirect.gather @!p0 [hbm4b:s4+s19], $0x20, s7, s19, $0xb8;
	[tilespmem:$0x11620] =	vst v63  }
0x7a: {  	s7 =	simm.s32 @!p0 $0x6  }
0x7b: {  	_ =	swait.ge @!p0 [sflag:s7], $0x1000  }
0x7c: {  	[sflag:s7] =	ssyncset.done @!p0 $0x0  }
0x7d: {  	s8 =	simm.s32 @!p0 $0x7800;
	[sflag:s7] =	ssyncadd.s32 @!p0 $0xFFFFF000;
	s7 =	sadd.s32 @!p0 $0x1680, s5  }
0x7e: {  	[spmem:s2] =	stream.indirect.scatter.add.f32 @!p0 [tilespmem:s8], [sflag:$0xE], $0x20, s7, s19, $0xb8;
	[tilespmem:$0x11620] =	vst v63  }
0x7f: {  	s7 =	simm.s32 @!p0 $0xA  }
0x80: {  	_ =	swait.ge @!p0 [sflag:s7], $0x1000  }
0x81: {  	[sflag:s7] =	ssyncset.done @!p0 $0x0  }
0x82: {  	s5 =	sadd.s32 @!p0 $0x480, s5;
	[sflag:s7] =	ssyncadd.s32 @!p0 $0xFFFFF000;
	s7 =	simm.s32 @!p0 $0x3800  }
0x83: {  	[tilespmem:s7], [sflag:$0x2] =	stream.indirect.gather @!p0 [hbm4b:s4+s19], $0x20, s5, s19, $0xb8;
	[tilespmem:$0x11620] =	vst v63  }
0x84: {  	_ =	swait.ge [sflag:s1], $0x1000  }
0x85: {  	[sflag:s1] =	ssyncset.done $0x0  }
.Ltmp2:
0x86: {  	s19 =	sadd.s32 $0x1700, s3;
	[sflag:s1] =	ssyncadd.s32 $0xFFFFF000;
	(pc) =	sbr.rel @p0 .LBB2_4-.Ltmp2, $4  }
0x87: {  	[spmem:s2] =	stream.indirect.scatter.add.f32 [tilespmem:s26], [sflag:$0xF], $0x20, s19, s14, $0xb8;
	[tilespmem:$0x11620] =	vst v63  }
0x88: {  	_ =	swait.ge [sflag:s0], $0x1000  }
0x89: {  	[sflag:s0] =	ssyncset.done $0x0  }
0x8a: {  	s19 =	sadd.s32 $0x1780, s3;
	[sflag:s0] =	ssyncadd.s32 $0xFFFFF000  }
0x8b: {  	s5 =	sadd.s32 $0x500, s3  }
0x8c: {  	[tilespmem:s18], [sflag:$0x3] =	stream.indirect.gather [hbm4b:s4+s14], $0x20, s5, s14, $0xb8;
	[tilespmem:$0x11620] =	vst v63  }
0x8d: {  	_ =	swait.ge [sflag:s13], $0x1000  }
0x8e: {  	[sflag:s13] =	ssyncset.done $0x0  }
0x8f: {  	[sflag:s13] =	ssyncadd.s32 $0xFFFFF000  }
0x90: {  	[spmem:s2] =	stream.indirect.scatter.add.f32 [tilespmem:s29], [sflag:$0x10], $0x20, s19, s14, $0xb8;
	[tilespmem:$0x11620] =	vst v63  }
.Ltmp3:
0x91: {  	_ = 	snop;
	(pc) =	sbr.rel .LBB2_2-.Ltmp3, $4  }
0x92: {  	_ =	swait.ge [sflag:s17], $0x1000  }
0x93: {  	[sflag:s17] =	ssyncset.done $0x0  }
0x94: {  	s10 =	sadd.s32 $0x1000, s10;
	s19 =	sadd.s32 $0x580, s3;
	[sflag:s17] =	ssyncadd.s32 $0xFFFFF000  }
0x95: {  	[tilespmem:s20], [sflag:$0x4] =	stream.indirect.gather [hbm4b:s4+s14], $0x20, s19, s14, $0xb8;
	[tilespmem:$0x11620] =	vst v63  }
.LBB2_5:
0x96: {  	_ =	sfence.sel $0x180000  }
0x97: {  	[bflag:$0x0] =	sbarrier.arrive $0xFFFF  }
0x98: {  	_ =	strace $0x9000004A  }
0x99: {  	s0 =	stileid.u32;
	[bflag:$0x2] =	sbarrier.arrive $0xFFFF  }
0x9a: {  	p0 =	sne.s32 s0, $0x0;
	s0 =	rddreg [dreg:$0x2]  }
0x9b: {  	s0 =	sadd.s32 @!p0 $0x100000, s0  }
0x9c: {  	[sflag:s0] =	ssyncadd.tile.s32 @!p0 $0x1;
	_ =	shalt  }
.Lfunc_end2:
_tile_overlayer_lowered:
.L_overlay_start_2:
0x9d: {  	(tag) =	ssettag $0x2  }
0x9e: {  	s0 =	rddreg [dreg:$0x0];
	s2 =	stileid.u32  }
0x9f: {  	s1 =	rddreg [dreg:$0x1];
	p0 =	sne.s32 s2, $0x0  }
0xa0: {  	s3 =	rddreg [dreg:$0x2];
	[bflag:$0x3] =	sbarrier.arrive $0xFFFF;
	s2 =	simm.s32 @!p0 $0x1C11  }
0xa1: {  	[timem:s3], [sflag:s2] =	dma.local @!p0 [hbm:s0], s1  }
0xa2: {  	s0 =	simm.s32 @!p0 $0x11  }
0xa3: {  	_ =	swait.ge @!p0 [sflag:s0], s1  }
0xa4: {  	s1 =	ssub.s32 @!p0 $0x0, s1;
	[sflag:s0] =	ssyncset.done @!p0 $0x0  }
0xa5: {  	[sflag:s0] =	ssyncadd.s32 @!p0 s1  }
0xa6: {  	[bflag:$0x3] =	sbarrier.arrive $0xFFFF  }
0xa7: {  	_ =	shalt  }

// kernel: kernel.15.cloned.1.call-start
scs
__scs_entry_jumppad:
0x0: {  	(pc) =	sbr.rel $0x88, $3  }
0x1: {  	(tag) =	ssettag $0x0;
	lr =	simm.s32 $0x1  }
0x2: {  	[smem:$0x3F9B] =	sst lr;
	_ =	strace $0xD0000000  }
0x3: {  	_ = 	snop  }
0x4: {  	_ = 	snop  }
0x5: {  	_ = 	snop  }
0x6: {  	_ = 	snop  }
0x7: {  	_ = 	snop  }
__scs_overlays_trampoline_lowered:
0x8: {  	[smem:$0x3FAA] =	sst s0  }
0x9: {  	[smem:$0x3FAB] =	sst s1  }
0xa: {  	[smem:$0x3FAC] =	sst s2  }
0xb: {  	[smem:$0x3FAD] =	sst s3  }
0xc: {  	[smem:$0x3FAE] =	sst s4  }
0xd: {  	[smem:$0x3FAF] =	sst s5  }
0xe: {  	[smem:$0x3FB0] =	sst s6  }
0xf: {  	[smem:$0x3FB1] =	sst s7  }
0x10: {  	[smem:$0x3FB2] =	sst s8  }
0x11: {  	[smem:$0x3FB3] =	sst s9;
	s0 =	simm.s32 @!p0 $0x0  }
0x12: {  	s1 =	sld [smem:$0x3F99];
	s0 =	simm.s32 @p0 $0x1  }
0x13: {  	[smem:$0x3FB4] =	sst s0;
	s0 =	simm.s32 @!p1 $0x0  }
0x14: {  	s2 =	sld [smem:$0x3F98];
	s0 =	simm.s32 @p1 $0x1  }
0x15: {  	[smem:$0x3FB5] =	sst s0;
	s0 =	simm.s32 @!p2 $0x0  }
0x16: {  	s3 =	sld [smem:$0x3FDB];
	s0 =	simm.s32 @p2 $0x1  }
0x17: {  	s4 =	simm.s32 $0x1BF5;
	[smem:$0x3FB7] =	sst s0  }
0x18: {  	s0 =	sld [smem:$0x3F9A];
	_ =	swait.ge [sflag:s4], $0x0  }
0x19: {  	s7 =	sld [smem:$0x3F9B]  }
0x1a: {  	s8 =	sadd.s32 $0xFFFFE003, lr  }
0x1b: {  	s9 =	sadd.s32 $0xFFFFFEF7, lr;
	s5 =	simm.s32 $0xFFFFFFFF;
	p2 =	slt.u32 s8, $0xFFFFF086  }
0x1c: {  	p1 =	slt.u32 s9, $0xF7A;
	s5 =	simm.s32 @!p2 $0x0  }
0x1d: {  	s5 =	simm.s32 @p1 $0x1;
	p0 =	seq.s32 s7, s2  }
0x1e: {  	s7 =	smul.u32 @!p0 $0xF7A, s2;
	p2 =	seq.s32 @!p0 s5, $0x0  }
0x1f: {  	s9 =	smul.u32 $0xF7A, s1;
	s8 =	simm.s32 @!p0 $0x1BF5;
	p2 =	por !p2, p0  }
0x20: {  	[sflag:s8] =	ssyncset.s32 @!p0 $0xFFFFF086;
	s6 =	sadd.s32 @!p0 s3, s7;
	s7 =	simm.s32 @!p0 $0x108  }
0x21: {  	s3 =	sadd.s32 s3, s9;
	s6 =	sadd.s32 @!p0 $0x88, s6;
	s7 =	simm.s32 @p2 $0x1082  }
0x22: {  	[simem:s7], [sflag:s8] =	dma.local @!p0 [hbm:s6], $0xF7A  }
0x23: {  	s9 =	sor.u32 $0xD0000000, s2;
	s6 =	simm.s32 $0x108;
	_ =	swait.ge @!p0 [sflag:s8], $0x0  }
0x24: {  	s3 =	sadd.s32 $0x88, s3;
	s6 =	simm.s32 @!p1 $0x1082;
	[sflag:s4] =	ssyncset.s32 $0xFFFFF086  }
0x25: {  	[simem:s6], [sflag:s4] =	dma.local [hbm:s3], $0xF7A  }
0x26: {  	[smem:$0x3F9B] =	sst s1;
	(tag) =	ssettag s2;
	_ =	strace s9  }
0x27: {  	s1 =	sld [smem:$0x3FAB]  }
0x28: {  	s2 =	sld [smem:$0x3FAC]  }
0x29: {  	s4 =	sld [smem:$0x3FAE]  }
0x2a: {  	p0 =	seq.s32 s5, $0x0;
	s5 =	sld [smem:$0x3FAF]  }
0x2b: {  	s6 =	sld [smem:$0x3FB0]  }
0x2c: {  	s7 =	sld [smem:$0x3FB1]  }
0x2d: {  	s3 =	simm.s32 $0x108;
	s8 =	sld [smem:$0x3FB2]  }
0x2e: {  	s3 =	simm.s32 @!p0 $0x1082;
	s9 =	sld [smem:$0x3FB3]  }
0x2f: {  	lr =	sadd.s32 s0, s3;
	s0 =	sld [smem:$0x3FAA]  }
0x30: {  	s3 =	sld [smem:$0x3FAD]  }
0x31: {  	[smem:$0x3FB6] =	sst s10  }
0x32: {  	s10 =	sld [smem:$0x3FB4];
	_ =	sdelay $0x3  }
0x33: {  	p0 =	seq.s32 s10, $0x1;
	s10 =	sld [smem:$0x3FB6];
	_ =	sdelay $0x3  }
0x34: {  	[smem:$0x3FB6] =	sst s10  }
0x35: {  	s10 =	sld [smem:$0x3FB5];
	_ =	sdelay $0x3  }
0x36: {  	p1 =	seq.s32 s10, $0x1;
	s10 =	sld [smem:$0x3FB6];
	_ =	sdelay $0x3  }
0x37: {  	[smem:$0x3FB6] =	sst s10  }
0x38: {  	s10 =	sld [smem:$0x3FB7]  }
0x39: {  	_ = 	snop;
	(pc) =	sbr.ind lr, $3  }
0x3a: {  	_ = 	snop  }
0x3b: {  	_ = 	snop  }
0x3c: {  	p2 =	seq.s32 s10, $0x1;
	s10 =	sld [smem:$0x3FB6]  }
0x3d: {  	_ =	shalt  }
0x3e: {  	_ =	shalt  }
0x3f: {  	_ =	shalt  }
0x40: {  	_ =	shalt  }
0x41: {  	_ =	shalt  }
0x42: {  	_ =	shalt  }
0x43: {  	_ =	shalt  }
0x44: {  	_ =	shalt  }
0x45: {  	_ =	shalt  }
0x46: {  	_ =	shalt  }
0x47: {  	_ =	shalt  }
0x48: {  	_ =	shalt  }
0x49: {  	_ =	shalt  }
0x4a: {  	_ =	shalt  }
0x4b: {  	_ =	shalt  }
0x4c: {  	_ =	shalt  }
0x4d: {  	_ =	shalt  }
0x4e: {  	_ =	shalt  }
0x4f: {  	_ =	shalt  }
0x50: {  	_ =	shalt  }
0x51: {  	_ =	shalt  }
0x52: {  	_ =	shalt  }
0x53: {  	_ =	shalt  }
0x54: {  	_ =	shalt  }
0x55: {  	_ =	shalt  }
0x56: {  	_ =	shalt  }
0x57: {  	_ =	shalt  }
0x58: {  	_ =	shalt  }
0x59: {  	_ =	shalt  }
0x5a: {  	_ =	shalt  }
0x5b: {  	_ =	shalt  }
0x5c: {  	_ =	shalt  }
0x5d: {  	_ =	shalt  }
0x5e: {  	_ =	shalt  }
0x5f: {  	_ =	shalt  }
0x60: {  	_ =	shalt  }
0x61: {  	_ =	shalt  }
0x62: {  	_ =	shalt  }
0x63: {  	_ =	shalt  }
0x64: {  	_ =	shalt  }
0x65: {  	_ =	shalt  }
0x66: {  	_ =	shalt  }
0x67: {  	_ =	shalt  }
0x68: {  	_ =	shalt  }
0x69: {  	_ =	shalt  }
0x6a: {  	_ =	shalt  }
0x6b: {  	_ =	shalt  }
0x6c: {  	_ =	shalt  }
0x6d: {  	_ =	shalt  }
0x6e: {  	_ =	shalt  }
0x6f: {  	_ =	shalt  }
0x70: {  	_ =	shalt  }
0x71: {  	_ =	shalt  }
0x72: {  	_ =	shalt  }
0x73: {  	_ =	shalt  }
0x74: {  	_ =	shalt  }
0x75: {  	_ =	shalt  }
0x76: {  	_ =	shalt  }
0x77: {  	_ =	shalt  }
0x78: {  	_ =	shalt  }
0x79: {  	_ =	shalt  }
0x7a: {  	_ =	shalt  }
0x7b: {  	_ =	shalt  }
0x7c: {  	_ =	shalt  }
0x7d: {  	_ =	shalt  }
0x7e: {  	_ =	shalt  }
0x7f: {  	_ =	shalt  }
0x80: {  	_ =	shalt  }
0x81: {  	_ =	shalt  }
0x82: {  	_ =	shalt  }
0x83: {  	_ =	shalt  }
0x84: {  	_ =	shalt  }
0x85: {  	_ =	shalt  }
0x86: {  	_ =	shalt  }
0x87: {  	_ =	shalt  }
.Lfunc_end0:
.L_simem_size_0:
called_computation.2_lowered:
.L_overlay_start_0:
0x88: {  	s2 =	sld [smem:$0x3FD9]  }
0x89: {  	s3 =	sld [smem:$0x3FFE];
	_ =	sdelay $0x1  }
0x8a: {  	s1 =	srdreg.scid  }
0x8b: {  	s0 =	sand.u32 $0x1, s1  }
0x8c: {  	s16 =	sshll.u32 s0, $0xA;
	s2 =	sadd.s32 s3, s2  }
0x8d: {  	s2 =	sadd.s32 s2, s16  }
0x8e: {  	[smem:$0x3FC2] =	sst s2  }
0x8f: {  	_ = 	snop  }
0x90: {  	(tm) =	ssettm $0x1  }
0x91: {  	s17 =	sld [smem:$0x3FFB];
	_ =	sdelay $0x3  }
0x92: {  	_ =	strace s17  }
0x93: {  	s2 =	sld [smem:$0x3FFC];
	_ =	sdelay $0x3  }
0x94: {  	_ =	strace s2  }
0x95: {  	s2 =	sld [smem:$0x3FFD];
	_ =	sdelay $0x3  }
0x96: {  	_ =	strace s2  }
0x97: {  	_ =	strace $0x8FFFFFFF  }
0x98: {  	s18 =	sld [smem:$0x3FDB];
	_ =	sdelay $0x1  }
0x99: {  	s19 =	simm.s32 $_scs_section_size  }
0x9a: {  	s4 =	simm.s32 $_size__tile_overlayer_lowered;
	s5 =	simm.s32 $_tile_overlayer_lowered  }
0x9b: {  	s22 =	simm.s32 $0x1BFF;
	s21 =	sshll.u32 s5, $0x1;
	s2 =	sadd.s32 s19, s18  }
0x9c: {  	s6 =	simm.s32 $0x0;
	s20 =	sshll.u32 s4, $0x1;
	s4 =	sadd.s32 s21, s2  }
0x9d: {  	[timem:s6], [sflag:s22] =	dma.local [hbm:s4], s20  }
0x9e: {  	_ =	swait.ge [sflag:s22], s20  }
0x9f: {  	s3 =	ssub.s32 $0x0, s20;
	[sflag:s22] =	ssyncset.done $0x0  }
0xa0: {  	[sflag:s22] =	ssyncadd.s32 s3;
	_ =	sdelay $0x1  }
0xa1: {  	s23 =	simm.s32 $0x1B8B  }
0xa2: {  	_ =	swait.ge [sflag:s23], $0x1  }
0xa3: {  	[sflag:s23] =	ssyncset.done $0x0  }
0xa4: {  	s25 =	simm.s32 $0x1B8E;
	s24 =	sld [smem:$0x3FFE];
	[sflag:s23] =	ssyncadd.s32 $0xFFFFFFFF  }
0xa5: {  	s26 =	simm.s32 $execute0_lowered;
	[smem:$0x3FD2] =	sst s25  }
0xa6: {  	s4 =	sshll.u32 s26, $0x1;
	_ =	strace $0x8000004C;
	[dreg:$0x1] =	wrdreg $0xFFFFFFFF  }
0xa7: {  	s28 =	simm.s32 $_size_execute0_lowered;
	s2 =	sadd.s32 s2, s4;
	[dreg:$0x0] =	wrdreg $0x0  }
0xa8: {  	s4 =	sshll.u32 s28, $0x1;
	[dreg:$0x2] =	wrdreg s2  }
0xa9: {  	[dreg:$0x3] =	wrdreg s4  }
0xaa: {  	[dreg:$0x4] =	wrdreg $0xC0  }
0xab: {  	_ =	task [dreg:s6], $0x5FFFF  }
0xac: {  	[dreg:$0x1] =	wrdreg $0xFFFFFFFF  }
0xad: {  	[dreg:$0x0] =	wrdreg $0x60  }
0xae: {  	[dreg:$0x2] =	wrdreg s24  }
0xaf: {  	[dreg:$0x3] =	wrdreg $0xA8000  }
0xb0: {  	[dreg:$0x4] =	wrdreg $0x9  }
0xb1: {  	_ =	task.clear_ibuf [dreg:s6], $0x5FFFF;
	_ =	strace $0x9000004C  }
0xb2: {  	s29 =	simm.s32 $0x9;
	_ =	strace $0x8000004E  }
0xb3: {  	_ =	swait.ge [sflag:s29], $0x1  }
0xb4: {  	[sflag:s29] =	ssyncadd.s32 $0xFFFFFFFF  }
0xb5: {  	_ =	strace $0x9000004E  }
0xb6: {  	_ =	sfence  }
0xb7: {  	s30 =	sld [smem:$0x0];
	_ =	sdelay $0x2  }
0xb8: {  	s31 =	sshll.u32 s1, $0xD;
	s1 =	sshrl.u32 s1, $0x2  }
0xb9: {  	s3 =	sand.u32 $0x4000, s31;
	s1 =	sadd.s32 s1, s30  }
0xba: {  	s0 =	sor.u32 s3, s0;
	s1 =	sshll.u32 s1, $0x11  }
0xbb: {  	s0 =	sor.u32 s1, s0  }
0xbc: {  	s0 =	sadd.s32 $0x8F2B, s0  }
0xbd: {  	[sflag:s0] =	ssyncadd.remote.s32 $0x1  }
0xbe: {  	_ =	sfence.sel $0xFFFF  }
0xbf: {  	[dreg:$0x0] =	wrdreg $0xFFFFFFFF;
	(pc) =	sbr.abs _section_cstart, $3  }
0xc0: {  	[dreg:$0x1] =	wrdreg $0xFFFFFFFF  }
0xc1: {  	_ =	task.clear_ibuf [dreg:s6], $0x2FFFF;
	_ =	strace $0x9FFFFFFF  }
0xc2: {  	(tm) =	ssettm $0x7FFFFFFF  }
0xc3: {  	_ =	shalt  }
tec
execute0_lowered:
.L_overlay_start_1:
0x0: {  	(tag) =	ssettag $0x1  }
0x1: {  	s0 =	srdreg.scid;
	s3 =	rddreg [dreg:$0x0]  }
0x2: {  	s9 =	stileid.u32;
	s2 =	rddreg [dreg:$0x1];
	s4 =	simm.s32 $0x0  }
0x3: {  	s12 =	simm.s32 $0x11;
	s14 =	simm.s32 $0x80;
	s15 =	simm.s32 $0x2800  }
0x4: {  	s16 =	simm.s32 $0x3800;
	s18 =	simm.s32 $0x4800;
	s20 =	simm.s32 $0x5800  }
0x5: {  	s21 =	simm.s32 $0x1;
	s28 =	simm.s32 $0x4;
	s29 =	simm.s32 $0x9800  }
0x6: {  	s30 =	simm.s32 $0x5;
	s31 =	simm.s32 $0x9;
	s13 =	simm.s32 $0x8  }
0x7: {  	s17 =	simm.s32 $0xC;
	s0 =	sand.u32 $0x1, s0;
	s5 =	smul.u32 $0x4E20, s9  }
0x8: {  	s1 =	sshll.u32 s9, $0x1;
	[smem:$0x7FF] =	sst s4;
	s6 =	smul.u32 $0x9C4, s9  }
0x9: {  	s4 =	sadd.s32 $0x7400, s3;
	s23 =	sshll.u32 s9, $0x6;
	s9 =	simm.s32 $0x0  }
0xa: {  	s1 =	sor.u32 s0, s1;
	_ =	strace $0x8000004D;
	s7 =	smul.u32 $0x9C40, s0  }
0xb: {  	s0 =	ssub.s32 $0x2, s0;
	s1 =	smul.u32 $0x280, s1;
	s8 =	sshrl.u32 s5, $0x3  }
0xc: {  	s22 =	sshrl.u32 s0, $0x1;
	s5 =	sadd.s32 s5, s2;
	s8 =	sadd.s32 s8, s3  }
0xd: {  	s6 =	sadd.s32 s6, s7;
	s0 =	ssub.s32 s0, s22;
	s11 =	sshrl.u32 s5, $0x3  }
0xe: {  	s22 =	simm.s32 $0x6800;
	s1 =	sadd.s32 s1, s3;
	s24 =	sadd.s32 $0x11200, s8  }
0xf: {  	s3 =	sadd.s32 s6, s3;
	s0 =	smax.u32 s0, $0x1;
	[dreg:$0x3] =	wrdreg s24  }
.Ltmp0:
0x10: {  	s25 =	sadd.s32 $0x1FE00, s1;
	[dreg:$0x7] =	wrdreg s0;
	(pc) =	sbr.rel .LBB2_1-.Ltmp0, $4  }
0x11: {  	s6 =	sor.u32 $0x1C11, s23;
	s1 =	sadd.s32 $0x2400, s1;
	[dreg:$0x4] =	wrdreg s25  }
0x12: {  	s23 =	simm.s32 $0x2;
	s26 =	sadd.s32 $0x24E00, s3;
	[dreg:$0x5] =	wrdreg s1  }
0x13: {  	s24 =	simm.s32 $0x7800;
	s0 =	simm.s32 $0xB;
	[dreg:$0x6] =	wrdreg s26  }
0x14: {  	s25 =	simm.s32 $0x3;
	s26 =	simm.s32 $0x8800;
	s1 =	simm.s32 $0x7  }
.LBB2_4:
0x15: {  	_ =	swait.ge [sflag:s13], $0x1000  }
0x16: {  	[sflag:s13] =	ssyncset.done $0x0  }
0x17: {  	[sflag:s13] =	ssyncadd.s32 $0xFFFFF000  }
0x18: {  	[spmem:s2] =	stream.indirect.scatter.add.f32 [tilespmem:s29], [sflag:$0x10], $0x20, s19, s14, $0xb8;
	[tilespmem:$0x11620] =	vst v63  }
0x19: {  	_ =	swait.ge [sflag:s17], $0x1000  }
0x1a: {  	[sflag:s17] =	ssyncset.done $0x0  }
0x1b: {  	s3 =	simm.s32 $0xD;
	[sflag:s17] =	ssyncadd.s32 $0xFFFFF000  }
0x1c: {  	_ =	swait.ge [sflag:s3], $0x1000  }
0x1d: {  	[sflag:s3] =	ssyncset.done $0x0  }
0x1e: {  	s5 =	simm.s32 $0xE;
	[sflag:s3] =	ssyncadd.s32 $0xFFFFF000  }
0x1f: {  	_ =	swait.ge [sflag:s5], $0x1000  }
0x20: {  	[sflag:s5] =	ssyncset.done $0x0  }
0x21: {  	s7 =	simm.s32 $0xF;
	[sflag:s5] =	ssyncadd.s32 $0xFFFFF000  }
0x22: {  	_ =	swait.ge [sflag:s7], $0x1000  }
0x23: {  	[sflag:s7] =	ssyncset.done $0x0  }
0x24: {  	s8 =	simm.s32 $0x10;
	[sflag:s7] =	ssyncadd.s32 $0xFFFFF000  }
0x25: {  	_ =	swait.ge [sflag:s8], $0x1000  }
0x26: {  	[sflag:s8] =	ssyncset.done $0x0  }
0x27: {  	[sflag:s8] =	ssyncadd.s32 $0xFFFFF000  }
0x28: {  	[bflag:$0x0] =	sbarrier.arrive $0xFFFF  }
0x29: {  	s10 =	rddreg [dreg:$0x6]  }
0x2a: {  	[hbm:s10], [sflag:s6] =	dma.local [spmem:s11], $0x9C4  }
0x2b: {  	_ =	swait.ge [sflag:s12], $0x9C4  }
0x2c: {  	s9 =	sadd.s32 $0x1, s9;
	s19 =	rddreg [dreg:$0x7]  }
0x2d: {  	p0 =	sne.s32 s9, s19  }
.Ltmp1:
0x2e: {  	_ = 	snop;
	(pc) =	sbr.rel @!p0 .LBB2_5-.Ltmp1, $3  }
0x2f: {  	_ =	sdelay $0x1  }
0x30: {  	[sflag:s12] =	ssyncset.done $0x0  }
0x31: {  	[sflag:s12] =	ssyncadd.s32 $0xFFFFF63C  }
.LBB2_1:
0x32: {  	s3 =	rddreg [dreg:$0x3]  }
0x33: {  	[spmem:s11], [sflag:s6] =	dma.local [hbm:s3], $0x9C4  }
0x34: {  	_ =	swait.ge [sflag:s12], $0x9C4  }
0x35: {  	[sflag:s12] =	ssyncset.done $0x0  }
0x36: {  	s19 =	simm.s32 $0x0;
	s5 =	rddreg [dreg:$0x4];
	[sflag:s12] =	ssyncadd.s32 $0xFFFFF63C  }
0x37: {  	[tilespmem:s19], [sflag:$0x11] =	stream.linear.gather [hbm4b:s5+s19], $0x1400, $0x38;
	[tilespmem:$0x11620] =	vst v63  }
0x38: {  	_ =	swait.ge [sflag:s12], $0x1400  }
0x39: {  	[sflag:s12] =	ssyncset.done $0x0  }
0x3a: {  	s7 =	simm.s32 $0x1400;
	s8 =	rddreg [dreg:$0x5];
	[sflag:s12] =	ssyncadd.s32 $0xFFFFEC00  }
0x3b: {  	[tilespmem:s7], [sflag:$0x11] =	stream.linear.gather [hbm4b:s8+s19], $0x1400, $0x38;
	[tilespmem:$0x11620] =	vst v63  }
0x3c: {  	_ =	swait.ge [sflag:s12], $0x1400  }
0x3d: {  	[sflag:s12] =	ssyncset.done $0x0  }
0x3e: {  	[sflag:s12] =	ssyncadd.s32 $0xFFFFEC00  }
0x3f: {  	[bflag:$0x0] =	sbarrier.arrive $0xFFFF  }
0x40: {  	[tilespmem:s15], [sflag:$0x1] =	stream.indirect.gather [hbm4b:s4+s14], $0x20, s19, s14, $0xb8;
	[tilespmem:$0x11620] =	vst v63  }
0x41: {  	_ = 	snop  }
0x42: {  	[tilespmem:s16], [sflag:$0x2] =	stream.indirect.gather [hbm4b:s4+s14], $0x20, s14, s14, $0xb8;
	[tilespmem:$0x11620] =	vst v63  }
0x43: {  	s10 =	simm.s32 $0x100  }
0x44: {  	[tilespmem:s18], [sflag:$0x3] =	stream.indirect.gather [hbm4b:s4+s14], $0x20, s10, s14, $0xb8;
	[tilespmem:$0x11620] =	vst v63  }
0x45: {  	s19 =	simm.s32 $0x180;
	s10 =	simm.s32 $0x0  }
0x46: {  	[tilespmem:s20], [sflag:$0x4] =	stream.indirect.gather [hbm4b:s4+s14], $0x20, s19, s14, $0xb8;
	[tilespmem:$0x11620] =	vst v63  }
.LBB2_2:
0x47: {  	_ =	swait.ge [sflag:s21], $0x1000  }
0x48: {  	s3 =	sshra.s32 s10, $0x2;
	[sflag:s21] =	ssyncset.done $0x0  }
0x49: {  	p0 =	seq.s32 s10, $0x0;
	s19 =	sadd.s32 $0x1400, s3;
	[sflag:s21] =	ssyncadd.s32 $0xFFFFF000  }
0x4a: {  	[spmem:s2] =	stream.indirect.scatter.add.f32 [tilespmem:s15], [sflag:$0x9], $0x20, s19, s14, $0xb8;
	[tilespmem:$0x11620] =	vst v63  }
0x4b: {  	s19 =	simm.s32 @!p0 $0xD  }
0x4c: {  	_ =	swait.ge @!p0 [sflag:s19], $0x1000  }
0x4d: {  	[sflag:s19] =	ssyncset.done @!p0 $0x0  }
0x4e: {  	s7 =	sadd.s32 $0x200, s3;
	[sflag:s19] =	ssyncadd.s32 @!p0 $0xFFFFF000  }
0x4f: {  	[tilespmem:s22], [sflag:$0x5] =	stream.indirect.gather [hbm4b:s4+s14], $0x20, s7, s14, $0xb8;
	[tilespmem:$0x11620] =	vst v63  }
0x50: {  	_ =	swait.ge [sflag:s23], $0x1000  }
0x51: {  	[sflag:s23] =	ssyncset.done $0x0  }
0x52: {  	s8 =	sadd.s32 $0x1480, s3;
	s19 =	simm.s32 @!p0 $0xE;
	[sflag:s23] =	ssyncadd.s32 $0xFFFFF000  }
0x53: {  	[spmem:s2] =	stream.indirect.scatter.add.f32 [tilespmem:s16], [sflag:$0xA], $0x20, s8, s14, $0xb8;
	[tilespmem:$0x11620] =	vst v63  }
0x54: {  	_ =	swait.ge @!p0 [sflag:s19], $0x1000  }
0x55: {  	[sflag:s19] =	ssyncset.done @!p0 $0x0  }
0x56: {  	s5 =	sadd.s32 $0x280, s3;
	[sflag:s19] =	ssyncadd.s32 @!p0 $0xFFFFF000  }
0x57: {  	[tilespmem:s24], [sflag:$0x6] =	stream.indirect.gather [hbm4b:s4+s14], $0x20, s5, s14, $0xb8;
	[tilespmem:$0x11620] =	vst v63  }
0x58: {  	_ =	swait.ge [sflag:s25], $0x1000  }
0x59: {  	[sflag:s25] =	ssyncset.done $0x0  }
0x5a: {  	s7 =	sadd.s32 $0x1500, s3;
	s19 =	simm.s32 @!p0 $0xF;
	[sflag:s25] =	ssyncadd.s32 $0xFFFFF000  }
0x5b: {  	[spmem:s2] =	stream.indirect.scatter.add.f32 [tilespmem:s18], [sflag:$0xB], $0x20, s7, s14, $0xb8;
	[tilespmem:$0x11620] =	vst v63  }
0x5c: {  	_ =	swait.ge @!p0 [sflag:s19], $0x1000  }
0x5d: {  	[sflag:s19] =	ssyncset.done @!p0 $0x0  }
0x5e: {  	s8 =	sadd.s32 $0x300, s3;
	[sflag:s19] =	ssyncadd.s32 @!p0 $0xFFFFF000  }
0x5f: {  	[tilespmem:s26], [sflag:$0x7] =	stream.indirect.gather [hbm4b:s4+s14], $0x20, s8, s14, $0xb8;
	[tilespmem:$0x11620] =	vst v63  }
0x60: {  	_ =	swait.ge [sflag:s28], $0x1000  }
0x61: {  	[sflag:s28] =	ssyncset.done $0x0  }
0x62: {  	s5 =	sadd.s32 $0x1580, s3;
	s19 =	simm.s32 @!p0 $0x10;
	[sflag:s28] =	ssyncadd.s32 $0xFFFFF000  }
0x63: {  	[spmem:s2] =	stream.indirect.scatter.add.f32 [tilespmem:s20], [sflag:$0xC], $0x20, s5, s14, $0xb8;
	[tilespmem:$0x11620] =	vst v63  }
0x64: {  	_ =	swait.ge @!p0 [sflag:s19], $0x1000  }
0x65: {  	[sflag:s19] =	ssyncset.done @!p0 $0x0  }
0x66: {  	s7 =	sadd.s32 $0x380, s3;
	[sflag:s19] =	ssyncadd.s32 @!p0 $0xFFFFF000  }
0x67: {  	[tilespmem:s29], [sflag:$0x8] =	stream.indirect.gather [hbm4b:s4+s14], $0x20, s7, s14, $0xb8;
	[tilespmem:$0x11620] =	vst v63  }
0x68: {  	_ =	swait.ge [sflag:s30], $0x1000  }
0x69: {  	[sflag:s30] =	ssyncset.done $0x0  }
0x6a: {  	s8 =	sadd.s32 $0x1600, s3;
	[sflag:s30] =	ssyncadd.s32 $0xFFFFF000  }
0x6b: {  	[spmem:s2] =	stream.indirect.scatter.add.f32 [tilespmem:s22], [sflag:$0xD], $0x20, s8, s14, $0xb8;
	[tilespmem:$0x11620] =	vst v63  }
0x6c: {  	_ =	swait.ge [sflag:s31], $0x1000  }
0x6d: {  	p0 =	seq.s32 s10, $0x4000;
	[sflag:s31] =	ssyncset.done $0x0  }
0x6e: {  	s19 =	simm.s32 @p0 $0x6;
	[sflag:s31] =	ssyncadd.s32 $0xFFFFF000  }
0x6f: {  	_ =	swait.ge @p0 [sflag:s19], $0x1000  }
0x70: {  	[sflag:s19] =	ssyncset.done @p0 $0x0  }
0x71: {  	[sflag:s19] =	ssyncadd.s32 @p0 $0xFFFFF000;
	s19 =	sshra.s32 @p0 s10, $0x2  }
0x72: {  	s5 =	simm.s32 @p0 $0x80;
	s7 =	simm.s32 @p0 $0x7800;
	s19 =	sadd.s32 @p0 $0x1680, s19  }
0x73: {  	[spmem:s2] =	stream.indirect.scatter.add.f32 @p0 [tilespmem:s7], [sflag:$0xE], $0x20, s19, s5, $0xb8;
	[tilespmem:$0x11620] =	vst v63  }
0x74: {  	s5 =	simm.s32 @p0 $0xA  }
0x75: {  	_ =	swait.ge @p0 [sflag:s5], $0x1000  }
0x76: {  	[sflag:s5] =	ssyncset.done @p0 $0x0  }
0x77: {  	[sflag:s5] =	ssyncadd.s32 @p0 $0xFFFFF000;
	s5 =	sshra.s32 @!p0 s10, $0x2  }
0x78: {  	s8 =	simm.s32 @!p0 $0x2800;
	s19 =	simm.s32 @!p0 $0x80;
	s7 =	sadd.s32 @!p0 $0x400, s5  }
0x79: {  	[tilespmem:s8], [sflag:$0x1] =	stream.indirect.gather @!p0 [hbm4b:s4+s19], $0x20, s7, s19, $0xb8;
	[tilespmem:$0x11620] =	vst v63  }
0x7a: {  	s7 =	simm.s32 @!p0 $0x6  }
0x7b: {  	_ =	swait.ge @!p0 [sflag:s7], $0x1000  }
0x7c: {  	[sflag:s7] =	ssyncset.done @!p0 $0x0  }
0x7d: {  	s8 =	simm.s32 @!p0 $0x7800;
	[sflag:s7] =	ssyncadd.s32 @!p0 $0xFFFFF000;
	s7 =	sadd.s32 @!p0 $0x1680, s5  }
0x7e: {  	[spmem:s2] =	stream.indirect.scatter.add.f32 @!p0 [tilespmem:s8], [sflag:$0xE], $0x20, s7, s19, $0xb8;
	[tilespmem:$0x11620] =	vst v63  }
0x7f: {  	s7 =	simm.s32 @!p0 $0xA  }
0x80: {  	_ =	swait.ge @!p0 [sflag:s7], $0x1000  }
0x81: {  	[sflag:s7] =	ssyncset.done @!p0 $0x0  }
0x82: {  	s5 =	sadd.s32 @!p0 $0x480, s5;
	[sflag:s7] =	ssyncadd.s32 @!p0 $0xFFFFF000;
	s7 =	simm.s32 @!p0 $0x3800  }
0x83: {  	[tilespmem:s7], [sflag:$0x2] =	stream.indirect.gather @!p0 [hbm4b:s4+s19], $0x20, s5, s19, $0xb8;
	[tilespmem:$0x11620] =	vst v63  }
0x84: {  	_ =	swait.ge [sflag:s1], $0x1000  }
0x85: {  	[sflag:s1] =	ssyncset.done $0x0  }
.Ltmp2:
0x86: {  	s19 =	sadd.s32 $0x1700, s3;
	[sflag:s1] =	ssyncadd.s32 $0xFFFFF000;
	(pc) =	sbr.rel @p0 .LBB2_4-.Ltmp2, $4  }
0x87: {  	[spmem:s2] =	stream.indirect.scatter.add.f32 [tilespmem:s26], [sflag:$0xF], $0x20, s19, s14, $0xb8;
	[tilespmem:$0x11620] =	vst v63  }
0x88: {  	_ =	swait.ge [sflag:s0], $0x1000  }
0x89: {  	[sflag:s0] =	ssyncset.done $0x0  }
0x8a: {  	s19 =	sadd.s32 $0x1780, s3;
	[sflag:s0] =	ssyncadd.s32 $0xFFFFF000  }
0x8b: {  	s5 =	sadd.s32 $0x500, s3  }
0x8c: {  	[tilespmem:s18], [sflag:$0x3] =	stream.indirect.gather [hbm4b:s4+s14], $0x20, s5, s14, $0xb8;
	[tilespmem:$0x11620] =	vst v63  }
0x8d: {  	_ =	swait.ge [sflag:s13], $0x1000  }
0x8e: {  	[sflag:s13] =	ssyncset.done $0x0  }
0x8f: {  	[sflag:s13] =	ssyncadd.s32 $0xFFFFF000  }
0x90: {  	[spmem:s2] =	stream.indirect.scatter.add.f32 [tilespmem:s29], [sflag:$0x10], $0x20, s19, s14, $0xb8;
	[tilespmem:$0x11620] =	vst v63  }
.Ltmp3:
0x91: {  	_ = 	snop;
	(pc) =	sbr.rel .LBB2_2-.Ltmp3, $4  }
0x92: {  	_ =	swait.ge [sflag:s17], $0x1000  }
0x93: {  	[sflag:s17] =	ssyncset.done $0x0  }
0x94: {  	s10 =	sadd.s32 $0x1000, s10;
	s19 =	sadd.s32 $0x580, s3;
	[sflag:s17] =	ssyncadd.s32 $0xFFFFF000  }
0x95: {  	[tilespmem:s20], [sflag:$0x4] =	stream.indirect.gather [hbm4b:s4+s14], $0x20, s19, s14, $0xb8;
	[tilespmem:$0x11620] =	vst v63  }
.LBB2_5:
0x96: {  	_ =	sfence.sel $0x180000  }
0x97: {  	[bflag:$0x0] =	sbarrier.arrive $0xFFFF  }
0x98: {  	_ =	strace $0x9000004D  }
0x99: {  	s0 =	stileid.u32;
	[bflag:$0x2] =	sbarrier.arrive $0xFFFF  }
0x9a: {  	p0 =	sne.s32 s0, $0x0;
	s0 =	rddreg [dreg:$0x2]  }
0x9b: {  	s0 =	sadd.s32 @!p0 $0x100000, s0  }
0x9c: {  	[sflag:s0] =	ssyncadd.tile.s32 @!p0 $0x1;
	_ =	shalt  }
.Lfunc_end2:
_tile_overlayer_lowered:
.L_overlay_start_2:
0x9d: {  	(tag) =	ssettag $0x2  }
0x9e: {  	s0 =	rddreg [dreg:$0x0];
	s2 =	stileid.u32  }
0x9f: {  	s1 =	rddreg [dreg:$0x1];
	p0 =	sne.s32 s2, $0x0  }
0xa0: {  	s3 =	rddreg [dreg:$0x2];
	[bflag:$0x3] =	sbarrier.arrive $0xFFFF;
	s2 =	simm.s32 @!p0 $0x1C11  }
0xa1: {  	[timem:s3], [sflag:s2] =	dma.local @!p0 [hbm:s0], s1  }
0xa2: {  	s0 =	simm.s32 @!p0 $0x11  }
0xa3: {  	_ =	swait.ge @!p0 [sflag:s0], s1  }
0xa4: {  	s1 =	ssub.s32 @!p0 $0x0, s1;
	[sflag:s0] =	ssyncset.done @!p0 $0x0  }
0xa5: {  	[sflag:s0] =	ssyncadd.s32 @!p0 s1  }
0xa6: {  	[bflag:$0x3] =	sbarrier.arrive $0xFFFF  }
0xa7: {  	_ =	shalt  }

// kernel: kernel.9.cloned.1.call-start
scs
__scs_entry_jumppad:
0x0: {  	(pc) =	sbr.rel $0x88, $3  }
0x1: {  	(tag) =	ssettag $0x0;
	lr =	simm.s32 $0x1  }
0x2: {  	[smem:$0x3F9B] =	sst lr;
	_ =	strace $0xD0000000  }
0x3: {  	_ = 	snop  }
0x4: {  	_ = 	snop  }
0x5: {  	_ = 	snop  }
0x6: {  	_ = 	snop  }
0x7: {  	_ = 	snop  }
__scs_overlays_trampoline_lowered:
0x8: {  	[smem:$0x3FAA] =	sst s0  }
0x9: {  	[smem:$0x3FAB] =	sst s1  }
0xa: {  	[smem:$0x3FAC] =	sst s2  }
0xb: {  	[smem:$0x3FAD] =	sst s3  }
0xc: {  	[smem:$0x3FAE] =	sst s4  }
0xd: {  	[smem:$0x3FAF] =	sst s5  }
0xe: {  	[smem:$0x3FB0] =	sst s6  }
0xf: {  	[smem:$0x3FB1] =	sst s7  }
0x10: {  	[smem:$0x3FB2] =	sst s8  }
0x11: {  	[smem:$0x3FB3] =	sst s9;
	s0 =	simm.s32 @!p0 $0x0  }
0x12: {  	s1 =	sld [smem:$0x3F99];
	s0 =	simm.s32 @p0 $0x1  }
0x13: {  	[smem:$0x3FB4] =	sst s0;
	s0 =	simm.s32 @!p1 $0x0  }
0x14: {  	s2 =	sld [smem:$0x3F98];
	s0 =	simm.s32 @p1 $0x1  }
0x15: {  	[smem:$0x3FB5] =	sst s0;
	s0 =	simm.s32 @!p2 $0x0  }
0x16: {  	s3 =	sld [smem:$0x3FDB];
	s0 =	simm.s32 @p2 $0x1  }
0x17: {  	s4 =	simm.s32 $0x1BF5;
	[smem:$0x3FB7] =	sst s0  }
0x18: {  	s0 =	sld [smem:$0x3F9A];
	_ =	swait.ge [sflag:s4], $0x0  }
0x19: {  	s7 =	sld [smem:$0x3F9B]  }
0x1a: {  	s8 =	sadd.s32 $0xFFFFE003, lr  }
0x1b: {  	s9 =	sadd.s32 $0xFFFFFEF7, lr;
	s5 =	simm.s32 $0xFFFFFFFF;
	p2 =	slt.u32 s8, $0xFFFFF086  }
0x1c: {  	p1 =	slt.u32 s9, $0xF7A;
	s5 =	simm.s32 @!p2 $0x0  }
0x1d: {  	s5 =	simm.s32 @p1 $0x1;
	p0 =	seq.s32 s7, s2  }
0x1e: {  	s7 =	smul.u32 @!p0 $0xF7A, s2;
	p2 =	seq.s32 @!p0 s5, $0x0  }
0x1f: {  	s9 =	smul.u32 $0xF7A, s1;
	s8 =	simm.s32 @!p0 $0x1BF5;
	p2 =	por !p2, p0  }
0x20: {  	[sflag:s8] =	ssyncset.s32 @!p0 $0xFFFFF086;
	s6 =	sadd.s32 @!p0 s3, s7;
	s7 =	simm.s32 @!p0 $0x108  }
0x21: {  	s3 =	sadd.s32 s3, s9;
	s6 =	sadd.s32 @!p0 $0x88, s6;
	s7 =	simm.s32 @p2 $0x1082  }
0x22: {  	[simem:s7], [sflag:s8] =	dma.local @!p0 [hbm:s6], $0xF7A  }
0x23: {  	s9 =	sor.u32 $0xD0000000, s2;
	s6 =	simm.s32 $0x108;
	_ =	swait.ge @!p0 [sflag:s8], $0x0  }
0x24: {  	s3 =	sadd.s32 $0x88, s3;
	s6 =	simm.s32 @!p1 $0x1082;
	[sflag:s4] =	ssyncset.s32 $0xFFFFF086  }
0x25: {  	[simem:s6], [sflag:s4] =	dma.local [hbm:s3], $0xF7A  }
0x26: {  	[smem:$0x3F9B] =	sst s1;
	(tag) =	ssettag s2;
	_ =	strace s9  }
0x27: {  	s1 =	sld [smem:$0x3FAB]  }
0x28: {  	s2 =	sld [smem:$0x3FAC]  }
0x29: {  	s4 =	sld [smem:$0x3FAE]  }
0x2a: {  	p0 =	seq.s32 s5, $0x0;
	s5 =	sld [smem:$0x3FAF]  }
0x2b: {  	s6 =	sld [smem:$0x3FB0]  }
0x2c: {  	s7 =	sld [smem:$0x3FB1]  }
0x2d: {  	s3 =	simm.s32 $0x108;
	s8 =	sld [smem:$0x3FB2]  }
0x2e: {  	s3 =	simm.s32 @!p0 $0x1082;
	s9 =	sld [smem:$0x3FB3]  }
0x2f: {  	lr =	sadd.s32 s0, s3;
	s0 =	sld [smem:$0x3FAA]  }
0x30: {  	s3 =	sld [smem:$0x3FAD]  }
0x31: {  	[smem:$0x3FB6] =	sst s10  }
0x32: {  	s10 =	sld [smem:$0x3FB4];
	_ =	sdelay $0x3  }
0x33: {  	p0 =	seq.s32 s10, $0x1;
	s10 =	sld [smem:$0x3FB6];
	_ =	sdelay $0x3  }
0x34: {  	[smem:$0x3FB6] =	sst s10  }
0x35: {  	s10 =	sld [smem:$0x3FB5];
	_ =	sdelay $0x3  }
0x36: {  	p1 =	seq.s32 s10, $0x1;
	s10 =	sld [smem:$0x3FB6];
	_ =	sdelay $0x3  }
0x37: {  	[smem:$0x3FB6] =	sst s10  }
0x38: {  	s10 =	sld [smem:$0x3FB7]  }
0x39: {  	_ = 	snop;
	(pc) =	sbr.ind lr, $3  }
0x3a: {  	_ = 	snop  }
0x3b: {  	_ = 	snop  }
0x3c: {  	p2 =	seq.s32 s10, $0x1;
	s10 =	sld [smem:$0x3FB6]  }
0x3d: {  	_ =	shalt  }
0x3e: {  	_ =	shalt  }
0x3f: {  	_ =	shalt  }
0x40: {  	_ =	shalt  }
0x41: {  	_ =	shalt  }
0x42: {  	_ =	shalt  }
0x43: {  	_ =	shalt  }
0x44: {  	_ =	shalt  }
0x45: {  	_ =	shalt  }
0x46: {  	_ =	shalt  }
0x47: {  	_ =	shalt  }
0x48: {  	_ =	shalt  }
0x49: {  	_ =	shalt  }
0x4a: {  	_ =	shalt  }
0x4b: {  	_ =	shalt  }
0x4c: {  	_ =	shalt  }
0x4d: {  	_ =	shalt  }
0x4e: {  	_ =	shalt  }
0x4f: {  	_ =	shalt  }
0x50: {  	_ =	shalt  }
0x51: {  	_ =	shalt  }
0x52: {  	_ =	shalt  }
0x53: {  	_ =	shalt  }
0x54: {  	_ =	shalt  }
0x55: {  	_ =	shalt  }
0x56: {  	_ =	shalt  }
0x57: {  	_ =	shalt  }
0x58: {  	_ =	shalt  }
0x59: {  	_ =	shalt  }
0x5a: {  	_ =	shalt  }
0x5b: {  	_ =	shalt  }
0x5c: {  	_ =	shalt  }
0x5d: {  	_ =	shalt  }
0x5e: {  	_ =	shalt  }
0x5f: {  	_ =	shalt  }
0x60: {  	_ =	shalt  }
0x61: {  	_ =	shalt  }
0x62: {  	_ =	shalt  }
0x63: {  	_ =	shalt  }
0x64: {  	_ =	shalt  }
0x65: {  	_ =	shalt  }
0x66: {  	_ =	shalt  }
0x67: {  	_ =	shalt  }
0x68: {  	_ =	shalt  }
0x69: {  	_ =	shalt  }
0x6a: {  	_ =	shalt  }
0x6b: {  	_ =	shalt  }
0x6c: {  	_ =	shalt  }
0x6d: {  	_ =	shalt  }
0x6e: {  	_ =	shalt  }
0x6f: {  	_ =	shalt  }
0x70: {  	_ =	shalt  }
0x71: {  	_ =	shalt  }
0x72: {  	_ =	shalt  }
0x73: {  	_ =	shalt  }
0x74: {  	_ =	shalt  }
0x75: {  	_ =	shalt  }
0x76: {  	_ =	shalt  }
0x77: {  	_ =	shalt  }
0x78: {  	_ =	shalt  }
0x79: {  	_ =	shalt  }
0x7a: {  	_ =	shalt  }
0x7b: {  	_ =	shalt  }
0x7c: {  	_ =	shalt  }
0x7d: {  	_ =	shalt  }
0x7e: {  	_ =	shalt  }
0x7f: {  	_ =	shalt  }
0x80: {  	_ =	shalt  }
0x81: {  	_ =	shalt  }
0x82: {  	_ =	shalt  }
0x83: {  	_ =	shalt  }
0x84: {  	_ =	shalt  }
0x85: {  	_ =	shalt  }
0x86: {  	_ =	shalt  }
0x87: {  	_ =	shalt  }
.Lfunc_end0:
.L_simem_size_0:
called_computation_lowered:
.L_overlay_start_0:
0x88: {  	s2 =	sld [smem:$0x3FD9]  }
0x89: {  	s3 =	sld [smem:$0x3FFE];
	_ =	sdelay $0x1  }
0x8a: {  	s1 =	srdreg.scid  }
0x8b: {  	s0 =	sand.u32 $0x1, s1  }
0x8c: {  	s17 =	sshll.u32 s0, $0xA;
	s2 =	sadd.s32 s3, s2  }
0x8d: {  	s2 =	sadd.s32 s2, s17  }
0x8e: {  	[smem:$0x3FC2] =	sst s2  }
0x8f: {  	_ = 	snop  }
0x90: {  	s2 =	sld [smem:$0x3FD0];
	(tm) =	ssettm $0x1  }
0x91: {  	s18 =	sld [smem:$0x3FFB];
	_ =	sdelay $0x3  }
0x92: {  	_ =	strace s18  }
0x93: {  	s3 =	sld [smem:$0x3FFC];
	_ =	sdelay $0x3  }
0x94: {  	_ =	strace s3  }
0x95: {  	s3 =	sld [smem:$0x3FFD];
	_ =	sdelay $0x3  }
0x96: {  	_ =	strace s3  }
0x97: {  	_ =	strace $0x8FFFFFFF  }
0x98: {  	s19 =	sld [smem:$0x3FDB];
	_ =	sdelay $0x1  }
0x99: {  	s4 =	simm.s32 $_scs_section_size  }
0x9a: {  	s5 =	simm.s32 $_size__tile_overlayer_lowered;
	s6 =	simm.s32 $_tile_overlayer_lowered  }
0x9b: {  	s22 =	simm.s32 $0x1BFF;
	s21 =	sshll.u32 s6, $0x1;
	s3 =	sadd.s32 s4, s19  }
0x9c: {  	s7 =	simm.s32 $0x0;
	s20 =	sshll.u32 s5, $0x1;
	s5 =	sadd.s32 s21, s3  }
0x9d: {  	[timem:s7], [sflag:s22] =	dma.local [hbm:s5], s20  }
0x9e: {  	_ =	swait.ge [sflag:s22], s20  }
0x9f: {  	s4 =	ssub.s32 $0x0, s20;
	[sflag:s22] =	ssyncset.done $0x0  }
0xa0: {  	[sflag:s22] =	ssyncadd.s32 s4;
	_ =	sdelay $0x1  }
0xa1: {  	s23 =	simm.s32 $0x1B8B  }
0xa2: {  	_ =	swait.ge [sflag:s23], $0x1  }
0xa3: {  	[sflag:s23] =	ssyncset.done $0x0  }
0xa4: {  	s25 =	simm.s32 $0x1B8E;
	s24 =	sld [smem:$0x3FFE];
	[sflag:s23] =	ssyncadd.s32 $0xFFFFFFFF  }
0xa5: {  	s26 =	simm.s32 $execute0_lowered;
	[smem:$0x3FD2] =	sst s25  }
0xa6: {  	s5 =	sshll.u32 s26, $0x1;
	_ =	strace $0x80000046;
	[dreg:$0x1] =	wrdreg $0xFFFFFFFF  }
0xa7: {  	s28 =	simm.s32 $_size_execute0_lowered;
	s3 =	sadd.s32 s3, s5;
	[dreg:$0x0] =	wrdreg $0x0  }
0xa8: {  	s5 =	sshll.u32 s28, $0x1;
	[dreg:$0x2] =	wrdreg s3  }
0xa9: {  	[dreg:$0x3] =	wrdreg s5  }
0xaa: {  	[dreg:$0x4] =	wrdreg $0xC0  }
0xab: {  	_ =	task [dreg:s7], $0x5FFFF  }
0xac: {  	[dreg:$0x1] =	wrdreg $0xFFFFFFFF  }
0xad: {  	[dreg:$0x0] =	wrdreg $0x60  }
0xae: {  	[dreg:$0x2] =	wrdreg s24  }
0xaf: {  	[dreg:$0x3] =	wrdreg s2  }
0xb0: {  	[dreg:$0x4] =	wrdreg $0x1C000  }
0xb1: {  	[dreg:$0x5] =	wrdreg $0x9  }
0xb2: {  	_ =	task.clear_ibuf [dreg:s7], $0x6FFFF;
	_ =	strace $0x90000046  }
0xb3: {  	s29 =	simm.s32 $0x9;
	_ =	strace $0x80000048  }
0xb4: {  	_ =	swait.ge [sflag:s29], $0x1  }
0xb5: {  	[sflag:s29] =	ssyncadd.s32 $0xFFFFFFFF  }
0xb6: {  	_ =	strace $0x90000048  }
0xb7: {  	_ =	sfence  }
0xb8: {  	s30 =	sld [smem:$0x0];
	_ =	sdelay $0x2  }
0xb9: {  	s31 =	sshll.u32 s1, $0xD;
	s1 =	sshrl.u32 s1, $0x2  }
0xba: {  	s3 =	sand.u32 $0x4000, s31;
	s1 =	sadd.s32 s1, s30  }
0xbb: {  	s0 =	sor.u32 s3, s0;
	s1 =	sshll.u32 s1, $0x11  }
0xbc: {  	s0 =	sor.u32 s1, s0  }
0xbd: {  	s0 =	sadd.s32 $0x8F2B, s0  }
0xbe: {  	[sflag:s0] =	ssyncadd.remote.s32 $0x1  }
0xbf: {  	_ =	sfence.sel $0xFFFF  }
0xc0: {  	[dreg:$0x0] =	wrdreg $0xFFFFFFFF;
	(pc) =	sbr.abs _section_cstart, $3  }
0xc1: {  	[dreg:$0x1] =	wrdreg $0xFFFFFFFF  }
0xc2: {  	_ =	task.clear_ibuf [dreg:s7], $0x2FFFF;
	_ =	strace $0x9FFFFFFF  }
0xc3: {  	(tm) =	ssettm $0x7FFFFFFF  }
tec
execute0_lowered:
.L_overlay_start_1:
0x0: {  	(tag) =	ssettag $0x1  }
0x1: {  	s0 =	srdreg.scid;
	s2 =	rddreg [dreg:$0x0]  }
0x2: {  	s8 =	stileid.u32;
	s3 =	rddreg [dreg:$0x2];
	s4 =	simm.s32 $0x0  }
0x3: {  	s12 =	simm.s32 $0x2;
	s13 =	simm.s32 $0x1400;
	s14 =	simm.s32 $0x80  }
0x4: {  	s19 =	simm.s32 $0xC80;
	s20 =	simm.s32 $0xD00;
	s21 =	simm.s32 $0xD80  }
0x5: {  	s22 =	simm.s32 $0xE00;
	s23 =	simm.s32 $0xE80;
	s28 =	simm.s32 $0x1080  }
0x6: {  	s29 =	simm.s32 $0x1100;
	s30 =	simm.s32 $0x1180;
	s31 =	simm.s32 $0x1200  }
0x7: {  	s15 =	simm.s32 $0x1;
	s16 =	simm.s32 $0x4;
	s17 =	simm.s32 $0x0  }
0x8: {  	s0 =	sand.u32 $0x1, s0;
	s1 =	sshll.u32 s8, $0x1;
	s5 =	smul.u32 $0x271, s8  }
0x9: {  	[smem:$0x7FF] =	sst s4;
	s7 =	smul.u32 $0x2710, s8;
	s26 =	sshll.u32 s8, $0x6  }
0xa: {  	s1 =	sor.u32 s0, s1;
	s6 =	smul.u32 $0x2710, s0;
	_ =	strace $0x80000047  }
0xb: {  	s0 =	ssub.s32 $0x2, s0;
	s1 =	smul.u32 $0x280, s1;
	s24 =	sshrl.u32 s7, $0x3  }
0xc: {  	s25 =	sshrl.u32 s0, $0x1;
	s11 =	sadd.s32 s7, s3;
	s5 =	sadd.s32 s5, s6  }
0xd: {  	s6 =	sadd.s32 s24, s2;
	s0 =	ssub.s32 s0, s25;
	s11 =	sshrl.u32 s11, $0x3  }
0xe: {  	s24 =	simm.s32 $0xF00;
	s25 =	simm.s32 $0xF80;
	s1 =	sadd.s32 s1, s2  }
0xf: {  	s5 =	sshll.u32 s5, $0x2;
	s10 =	smax.u32 s0, $0x1;
	s0 =	simm.s32 $0x1300  }
0x10: {  	s2 =	sadd.s32 s5, s2;
	s5 =	sadd.s32 $0x7400, s6;
	s6 =	sor.u32 $0x1C02, s26  }
0x11: {  	s7 =	sadd.s32 $0x2400, s1;
	s26 =	simm.s32 $0x1000;
	s1 =	simm.s32 $0x1280  }
0x12: {  	s8 =	sadd.s32 $0xC400, s2;
	s9 =	sadd.s32 $0xC402, s2;
	s2 =	simm.s32 $0x1380  }
.LBB2_1:
0x13: {  	[spmem:s11], [sflag:s6] =	dma.local [hbm:s5], $0x4E2  }
0x14: {  	_ =	swait.ge [sflag:s12], $0x4E2  }
0x15: {  	[sflag:s12] =	ssyncset.done $0x0  }
0x16: {  	[sflag:s12] =	ssyncadd.s32 $0xFFFFFB1E  }
0x17: {  	s18 =	rddreg [dreg:$0x1]  }
0x18: {  	[tilespmem:s13], [sflag:$0x2] =	stream.linear.gather [hbm4b:s18+s4], $0x800, $0x38;
	[tilespmem:$0x5310] =	vst v63  }
0x19: {  	_ =	swait.ge [sflag:s12], $0x800  }
0x1a: {  	[sflag:s12] =	ssyncset.done $0x0  }
0x1b: {  	[sflag:s12] =	ssyncadd.s32 $0xFFFFF800  }
0x1c: {  	[tilespmem:s4], [sflag:$0x2] =	stream.linear.gather [hbm4b:s7+s4], $0x1400, $0x38;
	[tilespmem:$0x5310] =	vst v63  }
0x1d: {  	_ =	swait.ge [sflag:s12], $0x1400  }
0x1e: {  	[sflag:s12] =	ssyncset.done $0x0  }
0x1f: {  	[sflag:s12] =	ssyncadd.s32 $0xFFFFEC00  }
0x20: {  	[bflag:$0x0] =	sbarrier.arrive $0xFFFF  }
0x21: {  	[spmem:s3] =	stream.indirect.scatter.add.f32 [tilespmem:s13], [sflag:$0x1], $0x10, s4, s14, $0xb8;
	[tilespmem:$0x5310] =	vst v63  }
0x22: {  	_ = 	snop  }
0x23: {  	[spmem:s3] =	stream.indirect.scatter.add.f32 [tilespmem:s13], [sflag:$0x1], $0x10, s14, s14, $0xb8;
	[tilespmem:$0x5310] =	vst v63  }
0x24: {  	s18 =	simm.s32 $0x100  }
0x25: {  	[spmem:s3] =	stream.indirect.scatter.add.f32 [tilespmem:s13], [sflag:$0x1], $0x10, s18, s14, $0xb8;
	[tilespmem:$0x5310] =	vst v63  }
0x26: {  	s18 =	simm.s32 $0x180  }
0x27: {  	[spmem:s3] =	stream.indirect.scatter.add.f32 [tilespmem:s13], [sflag:$0x1], $0x10, s18, s14, $0xb8;
	[tilespmem:$0x5310] =	vst v63  }
0x28: {  	s18 =	simm.s32 $0x200  }
0x29: {  	[spmem:s3] =	stream.indirect.scatter.add.f32 [tilespmem:s13], [sflag:$0x1], $0x10, s18, s14, $0xb8;
	[tilespmem:$0x5310] =	vst v63  }
0x2a: {  	s18 =	simm.s32 $0x280  }
0x2b: {  	[spmem:s3] =	stream.indirect.scatter.add.f32 [tilespmem:s13], [sflag:$0x1], $0x10, s18, s14, $0xb8;
	[tilespmem:$0x5310] =	vst v63  }
0x2c: {  	s18 =	simm.s32 $0x300  }
0x2d: {  	[spmem:s3] =	stream.indirect.scatter.add.f32 [tilespmem:s13], [sflag:$0x1], $0x10, s18, s14, $0xb8;
	[tilespmem:$0x5310] =	vst v63  }
0x2e: {  	s18 =	simm.s32 $0x380  }
0x2f: {  	[spmem:s3] =	stream.indirect.scatter.add.f32 [tilespmem:s13], [sflag:$0x1], $0x10, s18, s14, $0xb8;
	[tilespmem:$0x5310] =	vst v63  }
0x30: {  	s18 =	simm.s32 $0x400  }
0x31: {  	[spmem:s3] =	stream.indirect.scatter.add.f32 [tilespmem:s13], [sflag:$0x1], $0x10, s18, s14, $0xb8;
	[tilespmem:$0x5310] =	vst v63  }
0x32: {  	s18 =	simm.s32 $0x480  }
0x33: {  	[spmem:s3] =	stream.indirect.scatter.add.f32 [tilespmem:s13], [sflag:$0x1], $0x10, s18, s14, $0xb8;
	[tilespmem:$0x5310] =	vst v63  }
0x34: {  	s18 =	simm.s32 $0x500  }
0x35: {  	[spmem:s3] =	stream.indirect.scatter.add.f32 [tilespmem:s13], [sflag:$0x1], $0x10, s18, s14, $0xb8;
	[tilespmem:$0x5310] =	vst v63  }
0x36: {  	s18 =	simm.s32 $0x580  }
0x37: {  	[spmem:s3] =	stream.indirect.scatter.add.f32 [tilespmem:s13], [sflag:$0x1], $0x10, s18, s14, $0xb8;
	[tilespmem:$0x5310] =	vst v63  }
0x38: {  	s18 =	simm.s32 $0x600  }
0x39: {  	[spmem:s3] =	stream.indirect.scatter.add.f32 [tilespmem:s13], [sflag:$0x1], $0x10, s18, s14, $0xb8;
	[tilespmem:$0x5310] =	vst v63  }
0x3a: {  	s18 =	simm.s32 $0x680  }
0x3b: {  	[spmem:s3] =	stream.indirect.scatter.add.f32 [tilespmem:s13], [sflag:$0x1], $0x10, s18, s14, $0xb8;
	[tilespmem:$0x5310] =	vst v63  }
0x3c: {  	s18 =	simm.s32 $0x700  }
0x3d: {  	[spmem:s3] =	stream.indirect.scatter.add.f32 [tilespmem:s13], [sflag:$0x1], $0x10, s18, s14, $0xb8;
	[tilespmem:$0x5310] =	vst v63  }
0x3e: {  	s18 =	simm.s32 $0x780  }
0x3f: {  	[spmem:s3] =	stream.indirect.scatter.add.f32 [tilespmem:s13], [sflag:$0x1], $0x10, s18, s14, $0xb8;
	[tilespmem:$0x5310] =	vst v63  }
0x40: {  	s18 =	simm.s32 $0x800  }
0x41: {  	[spmem:s3] =	stream.indirect.scatter.add.f32 [tilespmem:s13], [sflag:$0x1], $0x10, s18, s14, $0xb8;
	[tilespmem:$0x5310] =	vst v63  }
0x42: {  	s18 =	simm.s32 $0x880  }
0x43: {  	[spmem:s3] =	stream.indirect.scatter.add.f32 [tilespmem:s13], [sflag:$0x1], $0x10, s18, s14, $0xb8;
	[tilespmem:$0x5310] =	vst v63  }
0x44: {  	s18 =	simm.s32 $0x900  }
0x45: {  	[spmem:s3] =	stream.indirect.scatter.add.f32 [tilespmem:s13], [sflag:$0x1], $0x10, s18, s14, $0xb8;
	[tilespmem:$0x5310] =	vst v63  }
0x46: {  	s18 =	simm.s32 $0x980  }
0x47: {  	[spmem:s3] =	stream.indirect.scatter.add.f32 [tilespmem:s13], [sflag:$0x1], $0x10, s18, s14, $0xb8;
	[tilespmem:$0x5310] =	vst v63  }
0x48: {  	s18 =	simm.s32 $0xA00  }
0x49: {  	[spmem:s3] =	stream.indirect.scatter.add.f32 [tilespmem:s13], [sflag:$0x1], $0x10, s18, s14, $0xb8;
	[tilespmem:$0x5310] =	vst v63  }
0x4a: {  	s18 =	simm.s32 $0xA80  }
0x4b: {  	[spmem:s3] =	stream.indirect.scatter.add.f32 [tilespmem:s13], [sflag:$0x1], $0x10, s18, s14, $0xb8;
	[tilespmem:$0x5310] =	vst v63  }
0x4c: {  	s18 =	simm.s32 $0xB00  }
0x4d: {  	[spmem:s3] =	stream.indirect.scatter.add.f32 [tilespmem:s13], [sflag:$0x1], $0x10, s18, s14, $0xb8;
	[tilespmem:$0x5310] =	vst v63  }
0x4e: {  	s18 =	simm.s32 $0xB80  }
0x4f: {  	[spmem:s3] =	stream.indirect.scatter.add.f32 [tilespmem:s13], [sflag:$0x1], $0x10, s18, s14, $0xb8;
	[tilespmem:$0x5310] =	vst v63  }
0x50: {  	s18 =	simm.s32 $0xC00  }
0x51: {  	[spmem:s3] =	stream.indirect.scatter.add.f32 [tilespmem:s13], [sflag:$0x1], $0x10, s18, s14, $0xb8;
	[tilespmem:$0x5310] =	vst v63  }
0x52: {  	_ = 	snop  }
0x53: {  	[spmem:s3] =	stream.indirect.scatter.add.f32 [tilespmem:s13], [sflag:$0x1], $0x10, s19, s14, $0xb8;
	[tilespmem:$0x5310] =	vst v63  }
0x54: {  	_ = 	snop  }
0x55: {  	[spmem:s3] =	stream.indirect.scatter.add.f32 [tilespmem:s13], [sflag:$0x1], $0x10, s20, s14, $0xb8;
	[tilespmem:$0x5310] =	vst v63  }
0x56: {  	_ = 	snop  }
0x57: {  	[spmem:s3] =	stream.indirect.scatter.add.f32 [tilespmem:s13], [sflag:$0x1], $0x10, s21, s14, $0xb8;
	[tilespmem:$0x5310] =	vst v63  }
0x58: {  	_ = 	snop  }
0x59: {  	[spmem:s3] =	stream.indirect.scatter.add.f32 [tilespmem:s13], [sflag:$0x1], $0x10, s22, s14, $0xb8;
	[tilespmem:$0x5310] =	vst v63  }
0x5a: {  	_ = 	snop  }
0x5b: {  	[spmem:s3] =	stream.indirect.scatter.add.f32 [tilespmem:s13], [sflag:$0x1], $0x10, s23, s14, $0xb8;
	[tilespmem:$0x5310] =	vst v63  }
0x5c: {  	_ = 	snop  }
0x5d: {  	[spmem:s3] =	stream.indirect.scatter.add.f32 [tilespmem:s13], [sflag:$0x1], $0x10, s24, s14, $0xb8;
	[tilespmem:$0x5310] =	vst v63  }
0x5e: {  	_ = 	snop  }
0x5f: {  	[spmem:s3] =	stream.indirect.scatter.add.f32 [tilespmem:s13], [sflag:$0x1], $0x10, s25, s14, $0xb8;
	[tilespmem:$0x5310] =	vst v63  }
0x60: {  	_ = 	snop  }
0x61: {  	[spmem:s3] =	stream.indirect.scatter.add.f32 [tilespmem:s13], [sflag:$0x1], $0x10, s26, s14, $0xb8;
	[tilespmem:$0x5310] =	vst v63  }
0x62: {  	_ = 	snop  }
0x63: {  	[spmem:s3] =	stream.indirect.scatter.add.f32 [tilespmem:s13], [sflag:$0x1], $0x10, s28, s14, $0xb8;
	[tilespmem:$0x5310] =	vst v63  }
0x64: {  	_ = 	snop  }
0x65: {  	[spmem:s3] =	stream.indirect.scatter.add.f32 [tilespmem:s13], [sflag:$0x1], $0x10, s29, s14, $0xb8;
	[tilespmem:$0x5310] =	vst v63  }
0x66: {  	_ = 	snop  }
0x67: {  	[spmem:s3] =	stream.indirect.scatter.add.f32 [tilespmem:s13], [sflag:$0x1], $0x10, s30, s14, $0xb8;
	[tilespmem:$0x5310] =	vst v63  }
0x68: {  	_ = 	snop  }
0x69: {  	[spmem:s3] =	stream.indirect.scatter.add.f32 [tilespmem:s13], [sflag:$0x1], $0x10, s31, s14, $0xb8;
	[tilespmem:$0x5310] =	vst v63  }
0x6a: {  	_ = 	snop  }
0x6b: {  	[spmem:s3] =	stream.indirect.scatter.add.f32 [tilespmem:s13], [sflag:$0x1], $0x10, s1, s14, $0xb8;
	[tilespmem:$0x5310] =	vst v63  }
0x6c: {  	_ = 	snop  }
0x6d: {  	[spmem:s3] =	stream.indirect.scatter.add.f32 [tilespmem:s13], [sflag:$0x1], $0x10, s0, s14, $0xb8;
	[tilespmem:$0x5310] =	vst v63  }
0x6e: {  	_ = 	snop  }
0x6f: {  	[spmem:s3] =	stream.indirect.scatter.add.f32 [tilespmem:s13], [sflag:$0x1], $0x10, s2, s14, $0xb8;
	[tilespmem:$0x5310] =	vst v63  }
0x70: {  	_ =	swait.ge [sflag:s15], $0x800  }
0x71: {  	s18 =	simm.s32 $0x27;
	[sflag:s15] =	ssyncset.done $0x0  }
.LBB2_2:
0x72: {  	p0 =	sne.s32 s18, $0x1;
	s18 =	sadd.s32 $0xFFFFFFFF, s18;
	[sflag:s15] =	ssyncadd.s32 $0xFFFFF800  }
.Ltmp0:
0x73: {  	(pc) =	sbr.rel @p0 .LBB2_2-.Ltmp0, $3  }
0x74: {  	_ =	sdelay $0x1  }
0x75: {  	_ =	swait.ge [sflag:s15], $0x800  }
0x76: {  	[sflag:s15] =	ssyncset.done $0x0  }
0x77: {  	[sflag:s15] =	ssyncadd.s32 $0xFFFFF800  }
0x78: {  	[bflag:$0x0] =	sbarrier.arrive $0xFFFF  }
0x79: {  	[hbm:s8@s16], [sflag:s6] =	dma.strided [spmem:s11@s12], $0x4E2, s15, $0x2   }
0x7a: {  	s17 =	sadd.s32 $0x1, s17;
	_ =	swait.ge [sflag:s12], $0x4E2  }
0x7b: {  	p0 =	sne.s32 s17, s10;
	[sflag:s12] =	ssyncset.done $0x0  }
.Ltmp1:
0x7c: {  	[sflag:s12] =	ssyncadd.s32 $0xFFFFFB1E;
	(pc) =	sbr.rel @p0 .LBB2_1-.Ltmp1, $4  }
0x7d: {  	[hbm:s9@s16], [sflag:s6] =	dma.strided [spmem:s11@s12], $0x4E2, s15, $0x2   }
0x7e: {  	_ =	swait.ge [sflag:s12], $0x4E2  }
0x7f: {  	[sflag:s12] =	ssyncset.done $0x0  }
0x80: {  	[sflag:s12] =	ssyncadd.s32 $0xFFFFFB1E  }
0x81: {  	_ =	sfence.sel $0x180000  }
0x82: {  	[bflag:$0x0] =	sbarrier.arrive $0xFFFF  }
0x83: {  	_ =	strace $0x90000047  }
0x84: {  	s0 =	stileid.u32;
	[bflag:$0x2] =	sbarrier.arrive $0xFFFF  }
0x85: {  	p0 =	sne.s32 s0, $0x0;
	s0 =	rddreg [dreg:$0x3]  }
0x86: {  	s0 =	sadd.s32 @!p0 $0x100000, s0  }
0x87: {  	[sflag:s0] =	ssyncadd.tile.s32 @!p0 $0x1;
	_ =	shalt  }
.Lfunc_end2:
_tile_overlayer_lowered:
.L_overlay_start_2:
0x88: {  	(tag) =	ssettag $0x2  }
0x89: {  	s0 =	rddreg [dreg:$0x0];
	s2 =	stileid.u32  }
0x8a: {  	s1 =	rddreg [dreg:$0x1];
	p0 =	sne.s32 s2, $0x0  }
0x8b: {  	s3 =	rddreg [dreg:$0x2];
	[bflag:$0x3] =	sbarrier.arrive $0xFFFF;
	s2 =	simm.s32 @!p0 $0x1C02  }
0x8c: {  	[timem:s3], [sflag:s2] =	dma.local @!p0 [hbm:s0], s1  }
0x8d: {  	s0 =	simm.s32 @!p0 $0x2  }
0x8e: {  	_ =	swait.ge @!p0 [sflag:s0], s1  }
0x8f: {  	s1 =	ssub.s32 @!p0 $0x0, s1;
	[sflag:s0] =	ssyncset.done @!p0 $0x0  }
0x90: {  	[sflag:s0] =	ssyncadd.s32 @!p0 s1  }
0x91: {  	[bflag:$0x3] =	sbarrier.arrive $0xFFFF  }
0x92: {  	_ =	shalt  }

</sc_bundles>
